<compile_context>
chip_gen: v7x
topology: tpu7x:2x2x1
jax: 0.10.2.dev20260603
libtpu: 0.0.44.dev20260713+nightly
codegen_flags: <defaults>
</compile_context>

<pallas_src>
import functools

import jax
import jax.numpy as jnp
from jax import lax
from jax.experimental import pallas as pl
from jax.experimental.pallas import tpu as pltpu
from jax.experimental.pallas import tpu_sc as plsc

B, Q, C, R, V = 64, 300, 92, 100, 117
NC, NS, L = 2, 16, 16
NW = NC * NS
BPW = B // NW
NG = (R + L - 1) // L
NCLS = 81

_mesh = plsc.VectorSubcoreMesh(
    core_axis_name="c", subcore_axis_name="s", num_cores=NC, num_subcores=NS)


def _splat(x, dtype=jnp.int32):
    return jnp.zeros((L,), dtype) + x


def _iota():
    return lax.iota(jnp.int32, L)


def _batch_scratch():
    return [
        pltpu.VMEM((R * 2,), jnp.int32),
        pltpu.VMEM((C, Q), jnp.float32),
        pltpu.VMEM((Q * 4,), jnp.float32),
        pltpu.VMEM((2 * R,), jnp.int32),
        pltpu.VMEM((2 * R * 4,), jnp.float32),
    ]


@functools.partial(
    pl.kernel,
    out_type=(
        jax.ShapeDtypeStruct((B * 2 * R,), jnp.int32),
        jax.ShapeDtypeStruct((B * 2 * R * 4,), jnp.float32),
        jax.ShapeDtypeStruct((B * R,), jnp.float32),
    ),
    mesh=_mesh,
    compiler_params=pltpu.CompilerParams(
        needs_layout_passes=False, use_tc_tiling_on_sc=True),
    scratch_types=[pltpu.VMEM((B * 2,), jnp.float32),
                   pltpu.VMEM((BPW * R,), jnp.float32)] + _batch_scratch()
    + _batch_scratch()
    + [pltpu.SemaphoreType.DMA, pltpu.SemaphoreType.DMA,
       pltpu.SemaphoreType.DMA],
)
def _scpart(logits_hbm, boxes_hbm, pairs_hbm, ts_hbm,
            l_hbm, b_hbm, sc_hbm, ts_v, scores_v, *rest):
    per_batch = (rest[0:5], rest[5:10])
    sems = rest[10:12]
    sem_out = rest[12]
    wid = lax.axis_index("s") * NC + lax.axis_index("c")
    b0 = wid * BPW

    copies = []
    for j in range(BPW):
        pairs_v, logits_v, boxes_v = per_batch[j][:3]
        bj = b0 + j
        copies.append([
            pltpu.async_copy(logits_hbm.at[:, bj], logits_v, sems[j]),
            pltpu.async_copy(
                boxes_hbm.at[pl.ds(bj * Q * 4, Q * 4)], boxes_v, sems[j]),
            pltpu.async_copy(
                pairs_hbm.at[pl.ds(bj * R * 2, R * 2)], pairs_v, sems[j]),
        ])
    pltpu.sync_copy(ts_hbm, ts_v)
    out_copies = []

    for j in range(BPW):
        pairs_v, logits_v, boxes_v, l_buf, b_buf = per_batch[j]
        for c in copies[j]:
            c.wait()
        img_h = plsc.load_gather(ts_v, [_splat((b0 + j) * 2 + 0)])
        img_w = plsc.load_gather(ts_v, [_splat((b0 + j) * 2 + 1)])

        pis, masks, ois = [], [], []
        for g in range(NG):
            pi_raw = _iota() + g * L
            masks.append((pi_raw < R) if g == NG - 1 else None)
            pis.append(jnp.minimum(pi_raw, R - 1))
            ois.append(plsc.load_gather(pairs_v, [pis[g] * 2 + 1]))

        @plsc.parallel_loop(0, NG)
        def _boxes(g, pairs_v=pairs_v, boxes_v=boxes_v, l_buf=l_buf,
                   b_buf=b_buf, img_h=img_h, img_w=img_w):
            pi_raw = _iota() + g * L
            mask = pi_raw < R
            pi = jnp.minimum(pi_raw, R - 1)
            plsc.store_scatter(l_buf, [pi], _splat(0), mask=mask)
            for side in range(2):
                bi = plsc.load_gather(pairs_v, [pi * 2 + side])
                cx = plsc.load_gather(boxes_v, [bi * 4 + 0])
                cy = plsc.load_gather(boxes_v, [bi * 4 + 1])
                w = plsc.load_gather(boxes_v, [bi * 4 + 2])
                h = plsc.load_gather(boxes_v, [bi * 4 + 3])
                ob = pi + side * R
                plsc.store_scatter(b_buf, [ob + 0 * 2 * R],
                                   (cx - 0.5 * w) * img_w, mask=mask)
                plsc.store_scatter(b_buf, [ob + 1 * 2 * R],
                                   (cy - 0.5 * h) * img_h, mask=mask)
                plsc.store_scatter(b_buf, [ob + 2 * 2 * R],
                                   (cx + 0.5 * w) * img_w, mask=mask)
                plsc.store_scatter(b_buf, [ob + 3 * 2 * R],
                                   (cy + 0.5 * h) * img_h, mask=mask)

        init = (tuple(_splat(-jnp.inf, jnp.float32) for _ in range(NG)),
                tuple(_splat(0) for _ in range(NG)))

        @plsc.parallel_loop(0, NCLS - 1, unroll=4, carry=init)
        def maxstate(c, carry, ois=ois, logits_v=logits_v):
            ms, ams = carry
            ms, ams = list(ms), list(ams)
            cs = _splat(c)
            for g in range(NG):
                v = plsc.load_gather(logits_v, [cs, ois[g]])
                gt = v > ms[g]
                ms[g] = jnp.where(gt, v, ms[g])
                ams[g] = jnp.where(gt, cs, ams[g])
            return tuple(ms), tuple(ams)

        m80s, ams = maxstate
        malls = []
        for g in range(NG):
            v80 = plsc.load_gather(logits_v, [_splat(NCLS - 1), ois[g]])
            malls.append(jnp.maximum(m80s[g], v80))
        malls = tuple(malls)

        @plsc.parallel_loop(0, NCLS, unroll=3,
                            carry=tuple(_splat(0.0, jnp.float32)
                                        for _ in range(NG)))
        def ss(c, ss_c, ois=ois, malls=malls, logits_v=logits_v):
            ss_c = list(ss_c)
            cs = _splat(c)
            for g in range(NG):
                v = plsc.load_gather(logits_v, [cs, ois[g]])
                ss_c[g] = ss_c[g] + jnp.exp(v - malls[g])
            return tuple(ss_c)

        for g in range(NG):
            score = jnp.exp(m80s[g] - malls[g]) / ss[g]
            plsc.store_scatter(scores_v, [pis[g] + j * R], score,
                               mask=masks[g])
            plsc.store_scatter(l_buf, [pis[g] + R], ams[g], mask=masks[g])

        out_copies.extend([
            pltpu.async_copy(
                l_buf, l_hbm.at[pl.ds((b0 + j) * 2 * R, 2 * R)], sem_out),
            pltpu.async_copy(
                b_buf, b_hbm.at[pl.ds((b0 + j) * 2 * R * 4, 2 * R * 4)],
                sem_out),
        ])

    out_copies.append(pltpu.async_copy(
        scores_v, sc_hbm.at[pl.ds(b0 * R, BPW * R)], sem_out))
    for c in out_copies:
        c.wait()


def _vs_body(act_ref, sc_ref, vs_ref):
    i = pl.program_id(0)
    sc = sc_ref[pl.ds(i * 20, 20), :]
    vs_ref[...] = jax.nn.sigmoid(act_ref[...]) * sc[:, :, None]


_vs_tc = pl.pallas_call(
    _vs_body,
    out_shape=jax.ShapeDtypeStruct((R, B, V), jnp.float32),
    grid=(R // 20,),
    in_specs=[
        pl.BlockSpec((20, B, V), lambda i: (i, 0, 0)),
        pl.BlockSpec((R, B), lambda i: (0, 0)),
    ],
    out_specs=pl.BlockSpec((20, B, V), lambda i: (i, 0, 0)),
)


def kernel(pred_logits, pred_boxes, pred_actions, pred_rel_pairs, target_sizes):
    l1, b1, sc1 = _scpart(
        pred_logits.transpose(2, 0, 1), pred_boxes.reshape(-1),
        pred_rel_pairs.reshape(-1), target_sizes.reshape(-1))
    vs_t = _vs_tc(pred_actions.transpose(1, 0, 2), sc1.reshape(B, R).T)
    return (l1.reshape(B, 2 * R),
            b1.reshape(B, 4, 2 * R).transpose(0, 2, 1),
            vs_t.transpose(1, 0, 2))

# --- scband reference (transcript-rebuilt; emitter-appended) ---
"""Pipeline reference for scband-vrtrpost-process-55937654063234 (READ-ONLY COPY).

The authoritative reference and input builder live on the scoring server;
editing this copy changes nothing except your own understanding.
"""

import jax, jax.numpy as jnp
import numpy as np

VALID_OBJ_IDS = list(range(80))

def box_cxcywh_to_xyxy(x):
    cx, cy, w, h = jnp.split(x, 4, axis=-1)
    return jnp.concatenate([cx - 0.5 * w, cy - 0.5 * h, cx + 0.5 * w, cy + 0.5 * h], axis=-1)

def setup_inputs(seed: int = 0) -> dict:
    key = jax.random.key(seed)
    k1, k2, k3, k4, k5 = jax.random.split(key, 5)
    B, Q, C, R, V = 64, 300, 92, 100, 117
    pred_logits = jax.random.normal(k1, (B, Q, C), dtype=jnp.float32)
    pred_boxes = jax.random.uniform(k2, (B, Q, 4), dtype=jnp.float32, minval=0.05, maxval=0.45)
    pred_actions = jax.random.normal(k3, (B, R, V), dtype=jnp.float32)
    pred_rel_pairs = jax.random.randint(k4, (B, R, 2), 0, Q, dtype=jnp.int32)
    target_sizes = jax.random.uniform(k5, (B, 2), dtype=jnp.float32) * 512.0 + 512.0
    return {"pred_logits": pred_logits, "pred_boxes": pred_boxes, "pred_actions": pred_actions,
            "pred_rel_pairs": pred_rel_pairs, "target_sizes": target_sizes}

def reference(pred_logits, pred_boxes, pred_actions, pred_rel_pairs, target_sizes):
    # hico-det branch of VRTRPostProcess.forward, vectorized over batch
    valid_obj_ids = jnp.asarray(VALID_OBJ_IDS + [VALID_OBJ_IDS[-1] + 1], dtype=jnp.int32)
    # prob/scores/labels computed in original forward (unused in hico branch output, kept faithful)
    prob = jax.nn.softmax(pred_logits, axis=-1)
    scores = jnp.max(prob[..., :-1], axis=-1)
    labels_all = jnp.argmax(prob[..., :-1], axis=-1)
    # boxes: cxcywh -> xyxy, scaled to image sizes
    boxes = box_cxcywh_to_xyxy(pred_boxes)
    img_h = target_sizes[:, 0]
    img_w = target_sizes[:, 1]
    scale_fct = jnp.stack([img_w, img_h, img_w, img_h], axis=1)
    boxes = boxes * scale_fct[:, None, :]
    h_indices = pred_rel_pairs[:, :, 0]
    o_indices = pred_rel_pairs[:, :, 1]
    # gather valid-object logits at object indices of each relation pair
    out_obj_logits = jnp.take(pred_logits, valid_obj_ids, axis=-1)          # [B,Q,81]
    out_obj_logits = jnp.take_along_axis(out_obj_logits, o_indices[:, :, None], axis=1)  # [B,R,81]
    obj_prob = jax.nn.softmax(out_obj_logits, axis=-1)
    obj_scores = jnp.max(obj_prob[..., :-1], axis=-1)   # [B,R]
    obj_labels = jnp.argmax(obj_prob[..., :-1], axis=-1)  # [B,R]
    verb_scores = jax.nn.sigmoid(pred_actions)           # [B,R,V]
    sl = jnp.zeros_like(obj_labels)
    l = jnp.concatenate([sl, obj_labels], axis=1)        # [B,2R]
    sb = jnp.take_along_axis(boxes, h_indices[:, :, None], axis=1)  # [B,R,4]
    ob = jnp.take_along_axis(boxes, o_indices[:, :, None], axis=1)  # [B,R,4]
    b = jnp.concatenate([sb, ob], axis=1)                # [B,2R,4]
    vs = verb_scores * obj_scores[:, :, None]            # [B,R,V]
    return (l, b, vs)

if __name__ == "__main__":
    import jax
    _d = setup_inputs()
    print(jax.jit(kernel)(*tuple(_d.values())))

</pallas_src>

<mosaic_0001>
#map = affine_map<(d0, d1) -> (0, 0, 0)>
#map1 = affine_map<(d0, d1) -> (0)>
module attributes {stable_mosaic.version = 14 : i64} {
  func.func @_scpart(%arg0: i32, %arg1: i32, %arg2: memref<92x64x300xf32, #tpu.memory_space<hbm>>, %arg3: memref<76800xf32, #tpu.memory_space<hbm>>, %arg4: memref<12800xi32, #tpu.memory_space<hbm>>, %arg5: memref<128xf32, #tpu.memory_space<hbm>>, %arg6: memref<12800xi32, #tpu.memory_space<hbm>>, %arg7: memref<51200xf32, #tpu.memory_space<hbm>>, %arg8: memref<6400xf32, #tpu.memory_space<hbm>>, %arg9: memref<128xf32, #tpu.memory_space<vmem>>, %arg10: memref<200xf32, #tpu.memory_space<vmem>>, %arg11: memref<200xi32, #tpu.memory_space<vmem>>, %arg12: memref<92x300xf32, #tpu.memory_space<vmem>>, %arg13: memref<1200xf32, #tpu.memory_space<vmem>>, %arg14: memref<200xi32, #tpu.memory_space<vmem>>, %arg15: memref<800xf32, #tpu.memory_space<vmem>>, %arg16: memref<200xi32, #tpu.memory_space<vmem>>, %arg17: memref<92x300xf32, #tpu.memory_space<vmem>>, %arg18: memref<1200xf32, #tpu.memory_space<vmem>>, %arg19: memref<200xi32, #tpu.memory_space<vmem>>, %arg20: memref<800xf32, #tpu.memory_space<vmem>>, %arg21: memref<!tpu.dma_semaphore, #tpu.memory_space<semaphore_mem>>, %arg22: memref<!tpu.dma_semaphore, #tpu.memory_space<semaphore_mem>>, %arg23: memref<!tpu.dma_semaphore, #tpu.memory_space<semaphore_mem>>) attributes {dimension_semantics = [#tpu.dimension_semantics<core_parallel>, #tpu.dimension_semantics<subcore_parallel>], iteration_bounds = array<i64: 2, 16>, scalar_prefetch = 0 : i64, scratch_operands = 15 : i64, tpu.core_type = #tpu.core_type<sc_vector_subcore>, window_params = [{transform_indices = #map}, {transform_indices = #map1}, {transform_indices = #map1}, {transform_indices = #map1}, {transform_indices = #map1}, {transform_indices = #map1}, {transform_indices = #map1}]} {
    %mul3A = arith.constant 2 : i32
    %mul3A_0 = arith.muli %arg1, %mul3A : i32
    %add3A = arith.addi %mul3A_0, %arg0 : i32
    %mul3A_1 = arith.constant 2 : i32
    %mul3A_2 = arith.muli %add3A, %mul3A_1 : i32
    %add3A_3 = arith.constant 0 : i32
    %add3A_4 = arith.addi %mul3A_2, %add3A_3 : i32
    %dma_start3A = arith.constant 0 : i32
    %dma_start3A_5 = arith.constant 0 : i32
    %dma_start3A_6 = tpu.memref_slice %arg2[%dma_start3A, %add3A_4, %dma_start3A_5] : memref<92x64x300xf32, #tpu.memory_space<hbm>> -> memref<92x1x300xf32, #tpu.memory_space<hbm>>
    %dma_start3A_7 = tpu.memref_squeeze %dma_start3A_6 : memref<92x1x300xf32, #tpu.memory_space<hbm>> -> memref<92x300xf32, #tpu.memory_space<hbm>>
    %dma_start3A_8 = arith.constant 0 : i32
    %dma_start3A_9 = arith.constant 0 : i32
    %dma_start3A_10 = tpu.memref_slice %arg2[%dma_start3A_8, %add3A_4, %dma_start3A_9] : memref<92x64x300xf32, #tpu.memory_space<hbm>> -> memref<92x1x300xf32, #tpu.memory_space<hbm>>
    %dma_start3A_11 = tpu.memref_squeeze %dma_start3A_10 : memref<92x1x300xf32, #tpu.memory_space<hbm>> -> memref<92x300xf32, #tpu.memory_space<hbm>>
    tpu.enqueue_dma source(%dma_start3A_11 : memref<92x300xf32, #tpu.memory_space<hbm>>) target(%arg12 : memref<92x300xf32, #tpu.memory_space<vmem>>) target_semaphore(%arg21 : memref<!tpu.dma_semaphore, #tpu.memory_space<semaphore_mem>>)
    %mul3A_12 = arith.constant 300 : i32
    %mul3A_13 = arith.muli %add3A_4, %mul3A_12 : i32
    %mul3A_14 = arith.constant 4 : i32
    %mul3A_15 = arith.muli %mul3A_13, %mul3A_14 : i32
    %dma_start3A_16 = tpu.memref_slice %arg3[%mul3A_15] : memref<76800xf32, #tpu.memory_space<hbm>> -> memref<1200xf32, #tpu.memory_space<hbm>>
    %dma_start3A_17 = tpu.memref_slice %arg3[%mul3A_15] : memref<76800xf32, #tpu.memory_space<hbm>> -> memref<1200xf32, #tpu.memory_space<hbm>>
    tpu.enqueue_dma source(%dma_start3A_17 : memref<1200xf32, #tpu.memory_space<hbm>>) target(%arg13 : memref<1200xf32, #tpu.memory_space<vmem>>) target_semaphore(%arg21 : memref<!tpu.dma_semaphore, #tpu.memory_space<semaphore_mem>>)
    %mul3A_18 = arith.constant 100 : i32
    %mul3A_19 = arith.muli %add3A_4, %mul3A_18 : i32
    %mul3A_20 = arith.constant 2 : i32
    %mul3A_21 = arith.muli %mul3A_19, %mul3A_20 : i32
    %dma_start3A_22 = tpu.memref_slice %arg4[%mul3A_21] : memref<12800xi32, #tpu.memory_space<hbm>> -> memref<200xi32, #tpu.memory_space<hbm>>
    %dma_start3A_23 = tpu.memref_slice %arg4[%mul3A_21] : memref<12800xi32, #tpu.memory_space<hbm>> -> memref<200xi32, #tpu.memory_space<hbm>>
    tpu.enqueue_dma source(%dma_start3A_23 : memref<200xi32, #tpu.memory_space<hbm>>) target(%arg11 : memref<200xi32, #tpu.memory_space<vmem>>) target_semaphore(%arg21 : memref<!tpu.dma_semaphore, #tpu.memory_space<semaphore_mem>>)
    %add3A_24 = arith.constant 1 : i32
    %add3A_25 = arith.addi %mul3A_2, %add3A_24 : i32
    %dma_start3A_26 = arith.constant 0 : i32
    %dma_start3A_27 = arith.constant 0 : i32
    %dma_start3A_28 = tpu.memref_slice %arg2[%dma_start3A_26, %add3A_25, %dma_start3A_27] : memref<92x64x300xf32, #tpu.memory_space<hbm>> -> memref<92x1x300xf32, #tpu.memory_space<hbm>>
    %dma_start3A_29 = tpu.memref_squeeze %dma_start3A_28 : memref<92x1x300xf32, #tpu.memory_space<hbm>> -> memref<92x300xf32, #tpu.memory_space<hbm>>
    %dma_start3A_30 = arith.constant 0 : i32
    %dma_start3A_31 = arith.constant 0 : i32
    %dma_start3A_32 = tpu.memref_slice %arg2[%dma_start3A_30, %add3A_25, %dma_start3A_31] : memref<92x64x300xf32, #tpu.memory_space<hbm>> -> memref<92x1x300xf32, #tpu.memory_space<hbm>>
    %dma_start3A_33 = tpu.memref_squeeze %dma_start3A_32 : memref<92x1x300xf32, #tpu.memory_space<hbm>> -> memref<92x300xf32, #tpu.memory_space<hbm>>
    tpu.enqueue_dma source(%dma_start3A_33 : memref<92x300xf32, #tpu.memory_space<hbm>>) target(%arg17 : memref<92x300xf32, #tpu.memory_space<vmem>>) target_semaphore(%arg22 : memref<!tpu.dma_semaphore, #tpu.memory_space<semaphore_mem>>)
    %mul3A_34 = arith.constant 300 : i32
    %mul3A_35 = arith.muli %add3A_25, %mul3A_34 : i32
    %mul3A_36 = arith.constant 4 : i32
    %mul3A_37 = arith.muli %mul3A_35, %mul3A_36 : i32
    %dma_start3A_38 = tpu.memref_slice %arg3[%mul3A_37] : memref<76800xf32, #tpu.memory_space<hbm>> -> memref<1200xf32, #tpu.memory_space<hbm>>
    %dma_start3A_39 = tpu.memref_slice %arg3[%mul3A_37] : memref<76800xf32, #tpu.memory_space<hbm>> -> memref<1200xf32, #tpu.memory_space<hbm>>
    tpu.enqueue_dma source(%dma_start3A_39 : memref<1200xf32, #tpu.memory_space<hbm>>) target(%arg18 : memref<1200xf32, #tpu.memory_space<vmem>>) target_semaphore(%arg22 : memref<!tpu.dma_semaphore, #tpu.memory_space<semaphore_mem>>)
    %mul3A_40 = arith.constant 100 : i32
    %mul3A_41 = arith.muli %add3A_25, %mul3A_40 : i32
    %mul3A_42 = arith.constant 2 : i32
    %mul3A_43 = arith.muli %mul3A_41, %mul3A_42 : i32
    %dma_start3A_44 = tpu.memref_slice %arg4[%mul3A_43] : memref<12800xi32, #tpu.memory_space<hbm>> -> memref<200xi32, #tpu.memory_space<hbm>>
    %dma_start3A_45 = tpu.memref_slice %arg4[%mul3A_43] : memref<12800xi32, #tpu.memory_space<hbm>> -> memref<200xi32, #tpu.memory_space<hbm>>
    tpu.enqueue_dma source(%dma_start3A_45 : memref<200xi32, #tpu.memory_space<hbm>>) target(%arg16 : memref<200xi32, #tpu.memory_space<vmem>>) target_semaphore(%arg22 : memref<!tpu.dma_semaphore, #tpu.memory_space<semaphore_mem>>)
    "tpu.region"() ({
      %run_scoped3A = tpu.sem_alloc : memref<!tpu.dma_semaphore, #tpu.memory_space<semaphore_mem>>
      tpu.enqueue_dma source(%arg5 : memref<128xf32, #tpu.memory_space<hbm>>) target(%arg9 : memref<128xf32, #tpu.memory_space<vmem>>) target_semaphore(%run_scoped3A : memref<!tpu.dma_semaphore, #tpu.memory_space<semaphore_mem>>)
      tpu.wait_dma2 semaphore(%run_scoped3A : memref<!tpu.dma_semaphore, #tpu.memory_space<semaphore_mem>>) src(%arg5 : memref<128xf32, #tpu.memory_space<hbm>>) dst(%arg9 : memref<128xf32, #tpu.memory_space<vmem>>)
      tpu.yield
    }) : () -> ()
    %dma_wait3A = arith.constant 0 : i32
    %dma_wait3A_46 = arith.constant 0 : i32
    %dma_wait3A_47 = tpu.memref_slice %arg2[%dma_wait3A, %add3A_4, %dma_wait3A_46] : memref<92x64x300xf32, #tpu.memory_space<hbm>> -> memref<92x1x300xf32, #tpu.memory_space<hbm>>
    %dma_wait3A_48 = tpu.memref_squeeze %dma_wait3A_47 : memref<92x1x300xf32, #tpu.memory_space<hbm>> -> memref<92x300xf32, #tpu.memory_space<hbm>>
    %dma_wait3A_49 = arith.constant 0 : i32
    %dma_wait3A_50 = arith.constant 0 : i32
    %dma_wait3A_51 = tpu.memref_slice %arg2[%dma_wait3A_49, %add3A_4, %dma_wait3A_50] : memref<92x64x300xf32, #tpu.memory_space<hbm>> -> memref<92x1x300xf32, #tpu.memory_space<hbm>>
    %dma_wait3A_52 = tpu.memref_squeeze %dma_wait3A_51 : memref<92x1x300xf32, #tpu.memory_space<hbm>> -> memref<92x300xf32, #tpu.memory_space<hbm>>
    tpu.wait_dma2 semaphore(%arg21 : memref<!tpu.dma_semaphore, #tpu.memory_space<semaphore_mem>>) src(%dma_wait3A_52 : memref<92x300xf32, #tpu.memory_space<hbm>>) dst(%arg12 : memref<92x300xf32, #tpu.memory_space<vmem>>)
    %dma_wait3A_53 = tpu.memref_slice %arg3[%mul3A_15] : memref<76800xf32, #tpu.memory_space<hbm>> -> memref<1200xf32, #tpu.memory_space<hbm>>
    %dma_wait3A_54 = tpu.memref_slice %arg3[%mul3A_15] : memref<76800xf32, #tpu.memory_space<hbm>> -> memref<1200xf32, #tpu.memory_space<hbm>>
    tpu.wait_dma2 semaphore(%arg21 : memref<!tpu.dma_semaphore, #tpu.memory_space<semaphore_mem>>) src(%dma_wait3A_54 : memref<1200xf32, #tpu.memory_space<hbm>>) dst(%arg13 : memref<1200xf32, #tpu.memory_space<vmem>>)
    %dma_wait3A_55 = tpu.memref_slice %arg4[%mul3A_21] : memref<12800xi32, #tpu.memory_space<hbm>> -> memref<200xi32, #tpu.memory_space<hbm>>
    %dma_wait3A_56 = tpu.memref_slice %arg4[%mul3A_21] : memref<12800xi32, #tpu.memory_space<hbm>> -> memref<200xi32, #tpu.memory_space<hbm>>
    tpu.wait_dma2 semaphore(%arg21 : memref<!tpu.dma_semaphore, #tpu.memory_space<semaphore_mem>>) src(%dma_wait3A_56 : memref<200xi32, #tpu.memory_space<hbm>>) dst(%arg11 : memref<200xi32, #tpu.memory_space<vmem>>)
    %add3A_57 = arith.constant 0 : i32
    %add3A_58 = arith.addi %mul3A_2, %add3A_57 : i32
    %mul3A_59 = arith.constant 2 : i32
    %mul3A_60 = arith.muli %add3A_58, %mul3A_59 : i32
    %add3A_61 = arith.constant 0 : i32
    %add3A_62 = arith.addi %mul3A_60, %add3A_61 : i32
    %broadcast_in_dim3A = arith.constant 0 : i32
    %broadcast_in_dim3A_63 = vector.broadcast %broadcast_in_dim3A : i32 to vector<16xi32>
    %add3A_64 = vector.broadcast %add3A_62 : i32 to vector<16xi32>
    %add3A_65 = arith.addi %broadcast_in_dim3A_63, %add3A_64 : vector<16xi32>
    %gather3A = tpu.vector_load_idx %arg9[%add3A_65] : memref<128xf32, #tpu.memory_space<vmem>>[vector<16xi32>], vector<16xf32>,
    %add3A_66 = arith.constant 0 : i32
    %add3A_67 = arith.addi %mul3A_2, %add3A_66 : i32
    %mul3A_68 = arith.constant 2 : i32
    %mul3A_69 = arith.muli %add3A_67, %mul3A_68 : i32
    %add3A_70 = arith.constant 1 : i32
    %add3A_71 = arith.addi %mul3A_69, %add3A_70 : i32
    %broadcast_in_dim3A_72 = arith.constant 0 : i32
    %broadcast_in_dim3A_73 = vector.broadcast %broadcast_in_dim3A_72 : i32 to vector<16xi32>
    %add3A_74 = vector.broadcast %add3A_71 : i32 to vector<16xi32>
    %add3A_75 = arith.addi %broadcast_in_dim3A_73, %add3A_74 : vector<16xi32>
    %gather3A_76 = tpu.vector_load_idx %arg9[%add3A_75] : memref<128xf32, #tpu.memory_space<vmem>>[vector<16xi32>], vector<16xf32>,
    %iota3A = tpu.iota {dimensions = array<i32: 0>} : vector<16xi32>
    %add3A_77 = arith.constant 0 : i32
    %add3A_78 = vector.broadcast %add3A_77 : i32 to vector<16xi32>
    %add3A_79 = arith.addi %iota3A, %add3A_78 : vector<16xi32>
    %min3A = arith.constant 99 : i32
    %min3A_80 = vector.broadcast %min3A : i32 to vector<16xi32>
    %min3A_81 = arith.minsi %add3A_79, %min3A_80 : vector<16xi32>
    %mul3A_82 = arith.constant 2 : i32
    %mul3A_83 = vector.broadcast %mul3A_82 : i32 to vector<16xi32>
    %mul3A_84 = arith.muli %min3A_81, %mul3A_83 : vector<16xi32>
    %add3A_85 = arith.constant 1 : i32
    %add3A_86 = vector.broadcast %add3A_85 : i32 to vector<16xi32>
    %add3A_87 = arith.addi %mul3A_84, %add3A_86 : vector<16xi32>
    %gather3A_88 = tpu.vector_load_idx %arg11[%add3A_87] : memref<200xi32, #tpu.memory_space<vmem>>[vector<16xi32>], vector<16xi32>,
    %iota3A_89 = tpu.iota {dimensions = array<i32: 0>} : vector<16xi32>
    %add3A_90 = arith.constant 16 : i32
    %add3A_91 = vector.broadcast %add3A_90 : i32 to vector<16xi32>
    %add3A_92 = arith.addi %iota3A_89, %add3A_91 : vector<16xi32>
    %min3A_93 = arith.constant 99 : i32
    %min3A_94 = vector.broadcast %min3A_93 : i32 to vector<16xi32>
    %min3A_95 = arith.minsi %add3A_92, %min3A_94 : vector<16xi32>
    %mul3A_96 = arith.constant 2 : i32
    %mul3A_97 = vector.broadcast %mul3A_96 : i32 to vector<16xi32>
    %mul3A_98 = arith.muli %min3A_95, %mul3A_97 : vector<16xi32>
    %add3A_99 = arith.constant 1 : i32
    %add3A_100 = vector.broadcast %add3A_99 : i32 to vector<16xi32>
    %add3A_101 = arith.addi %mul3A_98, %add3A_100 : vector<16xi32>
    %gather3A_102 = tpu.vector_load_idx %arg11[%add3A_101] : memref<200xi32, #tpu.memory_space<vmem>>[vector<16xi32>], vector<16xi32>,
    %iota3A_103 = tpu.iota {dimensions = array<i32: 0>} : vector<16xi32>
    %add3A_104 = arith.constant 32 : i32
    %add3A_105 = vector.broadcast %add3A_104 : i32 to vector<16xi32>
    %add3A_106 = arith.addi %iota3A_103, %add3A_105 : vector<16xi32>
    %min3A_107 = arith.constant 99 : i32
    %min3A_108 = vector.broadcast %min3A_107 : i32 to vector<16xi32>
    %min3A_109 = arith.minsi %add3A_106, %min3A_108 : vector<16xi32>
    %mul3A_110 = arith.constant 2 : i32
    %mul3A_111 = vector.broadcast %mul3A_110 : i32 to vector<16xi32>
    %mul3A_112 = arith.muli %min3A_109, %mul3A_111 : vector<16xi32>
    %add3A_113 = arith.constant 1 : i32
    %add3A_114 = vector.broadcast %add3A_113 : i32 to vector<16xi32>
    %add3A_115 = arith.addi %mul3A_112, %add3A_114 : vector<16xi32>
    %gather3A_116 = tpu.vector_load_idx %arg11[%add3A_115] : memref<200xi32, #tpu.memory_space<vmem>>[vector<16xi32>], vector<16xi32>,
    %iota3A_117 = tpu.iota {dimensions = array<i32: 0>} : vector<16xi32>
    %add3A_118 = arith.constant 48 : i32
    %add3A_119 = vector.broadcast %add3A_118 : i32 to vector<16xi32>
    %add3A_120 = arith.addi %iota3A_117, %add3A_119 : vector<16xi32>
    %min3A_121 = arith.constant 99 : i32
    %min3A_122 = vector.broadcast %min3A_121 : i32 to vector<16xi32>
    %min3A_123 = arith.minsi %add3A_120, %min3A_122 : vector<16xi32>
    %mul3A_124 = arith.constant 2 : i32
    %mul3A_125 = vector.broadcast %mul3A_124 : i32 to vector<16xi32>
    %mul3A_126 = arith.muli %min3A_123, %mul3A_125 : vector<16xi32>
    %add3A_127 = arith.constant 1 : i32
    %add3A_128 = vector.broadcast %add3A_127 : i32 to vector<16xi32>
    %add3A_129 = arith.addi %mul3A_126, %add3A_128 : vector<16xi32>
    %gather3A_130 = tpu.vector_load_idx %arg11[%add3A_129] : memref<200xi32, #tpu.memory_space<vmem>>[vector<16xi32>], vector<16xi32>,
    %iota3A_131 = tpu.iota {dimensions = array<i32: 0>} : vector<16xi32>
    %add3A_132 = arith.constant 64 : i32
    %add3A_133 = vector.broadcast %add3A_132 : i32 to vector<16xi32>
    %add3A_134 = arith.addi %iota3A_131, %add3A_133 : vector<16xi32>
    %min3A_135 = arith.constant 99 : i32
    %min3A_136 = vector.broadcast %min3A_135 : i32 to vector<16xi32>
    %min3A_137 = arith.minsi %add3A_134, %min3A_136 : vector<16xi32>
    %mul3A_138 = arith.constant 2 : i32
    %mul3A_139 = vector.broadcast %mul3A_138 : i32 to vector<16xi32>
    %mul3A_140 = arith.muli %min3A_137, %mul3A_139 : vector<16xi32>
    %add3A_141 = arith.constant 1 : i32
    %add3A_142 = vector.broadcast %add3A_141 : i32 to vector<16xi32>
    %add3A_143 = arith.addi %mul3A_140, %add3A_142 : vector<16xi32>
    %gather3A_144 = tpu.vector_load_idx %arg11[%add3A_143] : memref<200xi32, #tpu.memory_space<vmem>>[vector<16xi32>], vector<16xi32>,
    %iota3A_145 = tpu.iota {dimensions = array<i32: 0>} : vector<16xi32>
    %add3A_146 = arith.constant 80 : i32
    %add3A_147 = vector.broadcast %add3A_146 : i32 to vector<16xi32>
    %add3A_148 = arith.addi %iota3A_145, %add3A_147 : vector<16xi32>
    %min3A_149 = arith.constant 99 : i32
    %min3A_150 = vector.broadcast %min3A_149 : i32 to vector<16xi32>
    %min3A_151 = arith.minsi %add3A_148, %min3A_150 : vector<16xi32>
    %mul3A_152 = arith.constant 2 : i32
    %mul3A_153 = vector.broadcast %mul3A_152 : i32 to vector<16xi32>
    %mul3A_154 = arith.muli %min3A_151, %mul3A_153 : vector<16xi32>
    %add3A_155 = arith.constant 1 : i32
    %add3A_156 = vector.broadcast %add3A_155 : i32 to vector<16xi32>
    %add3A_157 = arith.addi %mul3A_154, %add3A_156 : vector<16xi32>
    %gather3A_158 = tpu.vector_load_idx %arg11[%add3A_157] : memref<200xi32, #tpu.memory_space<vmem>>[vector<16xi32>], vector<16xi32>,
    %iota3A_159 = tpu.iota {dimensions = array<i32: 0>} : vector<16xi32>
    %add3A_160 = arith.constant 96 : i32
    %add3A_161 = vector.broadcast %add3A_160 : i32 to vector<16xi32>
    %add3A_162 = arith.addi %iota3A_159, %add3A_161 : vector<16xi32>
    %lt3A = arith.constant 100 : i32
    %lt3A_163 = vector.broadcast %lt3A : i32 to vector<16xi32>
    %lt3A_164 = arith.cmpi slt, %add3A_162, %lt3A_163 : vector<16xi32>
    %min3A_165 = arith.constant 99 : i32
    %min3A_166 = vector.broadcast %min3A_165 : i32 to vector<16xi32>
    %min3A_167 = arith.minsi %add3A_162, %min3A_166 : vector<16xi32>
    %mul3A_168 = arith.constant 2 : i32
    %mul3A_169 = vector.broadcast %mul3A_168 : i32 to vector<16xi32>
    %mul3A_170 = arith.muli %min3A_167, %mul3A_169 : vector<16xi32>
    %add3A_171 = arith.constant 1 : i32
    %add3A_172 = vector.broadcast %add3A_171 : i32 to vector<16xi32>
    %add3A_173 = arith.addi %mul3A_170, %add3A_172 : vector<16xi32>
    %gather3A_174 = tpu.vector_load_idx %arg11[%add3A_173] : memref<200xi32, #tpu.memory_space<vmem>>[vector<16xi32>], vector<16xi32>,
    %parallel_loop3A = arith.constant 0 : i32
    %parallel_loop3A_175 = arith.constant 7 : i32
    %parallel_loop3A_176 = arith.constant 1 : i32
    scf.for %parallel_loop3A_811 = %parallel_loop3A to %parallel_loop3A_175 step %parallel_loop3A_176  : i32 {
      %parallel_loop3A_812 = tpu.iota {dimensions = array<i32: 0>} : vector<16xi32>
      %parallel_loop3A_813 = arith.constant 16 : i32
      %parallel_loop3A_814 = arith.muli %parallel_loop3A_811, %parallel_loop3A_813 : i32
      %parallel_loop3A_815 = vector.broadcast %parallel_loop3A_814 : i32 to vector<16xi32>
      %parallel_loop3A_816 = arith.addi %parallel_loop3A_812, %parallel_loop3A_815 : vector<16xi32>
      %parallel_loop3A_817 = arith.constant 100 : i32
      %parallel_loop3A_818 = vector.broadcast %parallel_loop3A_817 : i32 to vector<16xi32>
      %parallel_loop3A_819 = arith.cmpi slt, %parallel_loop3A_816, %parallel_loop3A_818 : vector<16xi32>
      %parallel_loop3A_820 = arith.constant 99 : i32
      %parallel_loop3A_821 = vector.broadcast %parallel_loop3A_820 : i32 to vector<16xi32>
      %parallel_loop3A_822 = arith.minsi %parallel_loop3A_816, %parallel_loop3A_821 : vector<16xi32>
      %parallel_loop3A_823 = arith.constant 0 : i32
      %parallel_loop3A_824 = vector.broadcast %parallel_loop3A_823 : i32 to vector<16xi32>
      %parallel_loop3A_825 = arith.constant 0 : i32
      %parallel_loop3A_826 = vector.broadcast %parallel_loop3A_825 : i32 to vector<16xi32>
      %parallel_loop3A_827 = arith.addi %parallel_loop3A_824, %parallel_loop3A_826 : vector<16xi32>
      tpu.vector_store_idx %arg14[%parallel_loop3A_822], %parallel_loop3A_827 masked %parallel_loop3A_819 : memref<200xi32, #tpu.memory_space<vmem>>[vector<16xi32>], vector<16xi32>, vector<16xi1>
      %parallel_loop3A_828 = arith.constant 2 : i32
      %parallel_loop3A_829 = vector.broadcast %parallel_loop3A_828 : i32 to vector<16xi32>
      %parallel_loop3A_830 = arith.muli %parallel_loop3A_822, %parallel_loop3A_829 : vector<16xi32>
      %parallel_loop3A_831 = arith.constant 0 : i32
      %parallel_loop3A_832 = vector.broadcast %parallel_loop3A_831 : i32 to vector<16xi32>
      %parallel_loop3A_833 = arith.addi %parallel_loop3A_830, %parallel_loop3A_832 : vector<16xi32>
      %parallel_loop3A_834 = tpu.vector_load_idx %arg11[%parallel_loop3A_833] : memref<200xi32, #tpu.memory_space<vmem>>[vector<16xi32>], vector<16xi32>,
      %parallel_loop3A_835 = arith.constant 4 : i32
      %parallel_loop3A_836 = vector.broadcast %parallel_loop3A_835 : i32 to vector<16xi32>
      %parallel_loop3A_837 = arith.muli %parallel_loop3A_834, %parallel_loop3A_836 : vector<16xi32>
      %parallel_loop3A_838 = arith.constant 0 : i32
      %parallel_loop3A_839 = vector.broadcast %parallel_loop3A_838 : i32 to vector<16xi32>
      %parallel_loop3A_840 = arith.addi %parallel_loop3A_837, %parallel_loop3A_839 : vector<16xi32>
      %parallel_loop3A_841 = tpu.vector_load_idx %arg13[%parallel_loop3A_840] : memref<1200xf32, #tpu.memory_space<vmem>>[vector<16xi32>], vector<16xf32>,
      %parallel_loop3A_842 = arith.constant 4 : i32
      %parallel_loop3A_843 = vector.broadcast %parallel_loop3A_842 : i32 to vector<16xi32>
      %parallel_loop3A_844 = arith.muli %parallel_loop3A_834, %parallel_loop3A_843 : vector<16xi32>
      %parallel_loop3A_845 = arith.constant 1 : i32
      %parallel_loop3A_846 = vector.broadcast %parallel_loop3A_845 : i32 to vector<16xi32>
      %parallel_loop3A_847 = arith.addi %parallel_loop3A_844, %parallel_loop3A_846 : vector<16xi32>
      %parallel_loop3A_848 = tpu.vector_load_idx %arg13[%parallel_loop3A_847] : memref<1200xf32, #tpu.memory_space<vmem>>[vector<16xi32>], vector<16xf32>,
      %parallel_loop3A_849 = arith.constant 4 : i32
      %parallel_loop3A_850 = vector.broadcast %parallel_loop3A_849 : i32 to vector<16xi32>
      %parallel_loop3A_851 = arith.muli %parallel_loop3A_834, %parallel_loop3A_850 : vector<16xi32>
      %parallel_loop3A_852 = arith.constant 2 : i32
      %parallel_loop3A_853 = vector.broadcast %parallel_loop3A_852 : i32 to vector<16xi32>
      %parallel_loop3A_854 = arith.addi %parallel_loop3A_851, %parallel_loop3A_853 : vector<16xi32>
      %parallel_loop3A_855 = tpu.vector_load_idx %arg13[%parallel_loop3A_854] : memref<1200xf32, #tpu.memory_space<vmem>>[vector<16xi32>], vector<16xf32>,
      %parallel_loop3A_856 = arith.constant 4 : i32
      %parallel_loop3A_857 = vector.broadcast %parallel_loop3A_856 : i32 to vector<16xi32>
      %parallel_loop3A_858 = arith.muli %parallel_loop3A_834, %parallel_loop3A_857 : vector<16xi32>
      %parallel_loop3A_859 = arith.constant 3 : i32
      %parallel_loop3A_860 = vector.broadcast %parallel_loop3A_859 : i32 to vector<16xi32>
      %parallel_loop3A_861 = arith.addi %parallel_loop3A_858, %parallel_loop3A_860 : vector<16xi32>
      %parallel_loop3A_862 = tpu.vector_load_idx %arg13[%parallel_loop3A_861] : memref<1200xf32, #tpu.memory_space<vmem>>[vector<16xi32>], vector<16xf32>,
      %parallel_loop3A_863 = arith.constant 0 : i32
      %parallel_loop3A_864 = vector.broadcast %parallel_loop3A_863 : i32 to vector<16xi32>
      %parallel_loop3A_865 = arith.addi %parallel_loop3A_822, %parallel_loop3A_864 : vector<16xi32>
      %parallel_loop3A_866 = arith.constant 0 : i32
      %parallel_loop3A_867 = vector.broadcast %parallel_loop3A_866 : i32 to vector<16xi32>
      %parallel_loop3A_868 = arith.addi %parallel_loop3A_865, %parallel_loop3A_867 : vector<16xi32>
      %parallel_loop3A_869 = arith.constant 5.000000e-01 : f32
      %parallel_loop3A_870 = vector.broadcast %parallel_loop3A_869 : f32 to vector<16xf32>
      %parallel_loop3A_871 = arith.mulf %parallel_loop3A_870, %parallel_loop3A_855 : vector<16xf32>
      %parallel_loop3A_872 = arith.subf %parallel_loop3A_841, %parallel_loop3A_871 : vector<16xf32>
      %parallel_loop3A_873 = arith.mulf %parallel_loop3A_872, %gather3A_76 : vector<16xf32>
      tpu.vector_store_idx %arg15[%parallel_loop3A_868], %parallel_loop3A_873 masked %parallel_loop3A_819 : memref<800xf32, #tpu.memory_space<vmem>>[vector<16xi32>], vector<16xf32>, vector<16xi1>
      %parallel_loop3A_874 = arith.constant 200 : i32
      %parallel_loop3A_875 = vector.broadcast %parallel_loop3A_874 : i32 to vector<16xi32>
      %parallel_loop3A_876 = arith.addi %parallel_loop3A_865, %parallel_loop3A_875 : vector<16xi32>
      %parallel_loop3A_877 = arith.constant 5.000000e-01 : f32
      %parallel_loop3A_878 = vector.broadcast %parallel_loop3A_877 : f32 to vector<16xf32>
      %parallel_loop3A_879 = arith.mulf %parallel_loop3A_878, %parallel_loop3A_862 : vector<16xf32>
      %parallel_loop3A_880 = arith.subf %parallel_loop3A_848, %parallel_loop3A_879 : vector<16xf32>
      %parallel_loop3A_881 = arith.mulf %parallel_loop3A_880, %gather3A : vector<16xf32>
      tpu.vector_store_idx %arg15[%parallel_loop3A_876], %parallel_loop3A_881 masked %parallel_loop3A_819 : memref<800xf32, #tpu.memory_space<vmem>>[vector<16xi32>], vector<16xf32>, vector<16xi1>
      %parallel_loop3A_882 = arith.constant 400 : i32
      %parallel_loop3A_883 = vector.broadcast %parallel_loop3A_882 : i32 to vector<16xi32>
      %parallel_loop3A_884 = arith.addi %parallel_loop3A_865, %parallel_loop3A_883 : vector<16xi32>
      %parallel_loop3A_885 = arith.constant 5.000000e-01 : f32
      %parallel_loop3A_886 = vector.broadcast %parallel_loop3A_885 : f32 to vector<16xf32>
      %parallel_loop3A_887 = arith.mulf %parallel_loop3A_886, %parallel_loop3A_855 : vector<16xf32>
      %parallel_loop3A_888 = arith.addf %parallel_loop3A_841, %parallel_loop3A_887 : vector<16xf32>
      %parallel_loop3A_889 = arith.mulf %parallel_loop3A_888, %gather3A_76 : vector<16xf32>
      tpu.vector_store_idx %arg15[%parallel_loop3A_884], %parallel_loop3A_889 masked %parallel_loop3A_819 : memref<800xf32, #tpu.memory_space<vmem>>[vector<16xi32>], vector<16xf32>, vector<16xi1>
      %parallel_loop3A_890 = arith.constant 600 : i32
      %parallel_loop3A_891 = vector.broadcast %parallel_loop3A_890 : i32 to vector<16xi32>
      %parallel_loop3A_892 = arith.addi %parallel_loop3A_865, %parallel_loop3A_891 : vector<16xi32>
      %parallel_loop3A_893 = arith.constant 5.000000e-01 : f32
      %parallel_loop3A_894 = vector.broadcast %parallel_loop3A_893 : f32 to vector<16xf32>
      %parallel_loop3A_895 = arith.mulf %parallel_loop3A_894, %parallel_loop3A_862 : vector<16xf32>
      %parallel_loop3A_896 = arith.addf %parallel_loop3A_848, %parallel_loop3A_895 : vector<16xf32>
      %parallel_loop3A_897 = arith.mulf %parallel_loop3A_896, %gather3A : vector<16xf32>
      tpu.vector_store_idx %arg15[%parallel_loop3A_892], %parallel_loop3A_897 masked %parallel_loop3A_819 : memref<800xf32, #tpu.memory_space<vmem>>[vector<16xi32>], vector<16xf32>, vector<16xi1>
      %parallel_loop3A_898 = arith.constant 2 : i32
      %parallel_loop3A_899 = vector.broadcast %parallel_loop3A_898 : i32 to vector<16xi32>
      %parallel_loop3A_900 = arith.muli %parallel_loop3A_822, %parallel_loop3A_899 : vector<16xi32>
      %parallel_loop3A_901 = arith.constant 1 : i32
      %parallel_loop3A_902 = vector.broadcast %parallel_loop3A_901 : i32 to vector<16xi32>
      %parallel_loop3A_903 = arith.addi %parallel_loop3A_900, %parallel_loop3A_902 : vector<16xi32>
      %parallel_loop3A_904 = tpu.vector_load_idx %arg11[%parallel_loop3A_903] : memref<200xi32, #tpu.memory_space<vmem>>[vector<16xi32>], vector<16xi32>,
      %parallel_loop3A_905 = arith.constant 4 : i32
      %parallel_loop3A_906 = vector.broadcast %parallel_loop3A_905 : i32 to vector<16xi32>
      %parallel_loop3A_907 = arith.muli %parallel_loop3A_904, %parallel_loop3A_906 : vector<16xi32>
      %parallel_loop3A_908 = arith.constant 0 : i32
      %parallel_loop3A_909 = vector.broadcast %parallel_loop3A_908 : i32 to vector<16xi32>
      %parallel_loop3A_910 = arith.addi %parallel_loop3A_907, %parallel_loop3A_909 : vector<16xi32>
      %parallel_loop3A_911 = tpu.vector_load_idx %arg13[%parallel_loop3A_910] : memref<1200xf32, #tpu.memory_space<vmem>>[vector<16xi32>], vector<16xf32>,
      %parallel_loop3A_912 = arith.constant 4 : i32
      %parallel_loop3A_913 = vector.broadcast %parallel_loop3A_912 : i32 to vector<16xi32>
      %parallel_loop3A_914 = arith.muli %parallel_loop3A_904, %parallel_loop3A_913 : vector<16xi32>
      %parallel_loop3A_915 = arith.constant 1 : i32
      %parallel_loop3A_916 = vector.broadcast %parallel_loop3A_915 : i32 to vector<16xi32>
      %parallel_loop3A_917 = arith.addi %parallel_loop3A_914, %parallel_loop3A_916 : vector<16xi32>
      %parallel_loop3A_918 = tpu.vector_load_idx %arg13[%parallel_loop3A_917] : memref<1200xf32, #tpu.memory_space<vmem>>[vector<16xi32>], vector<16xf32>,
      %parallel_loop3A_919 = arith.constant 4 : i32
      %parallel_loop3A_920 = vector.broadcast %parallel_loop3A_919 : i32 to vector<16xi32>
      %parallel_loop3A_921 = arith.muli %parallel_loop3A_904, %parallel_loop3A_920 : vector<16xi32>
      %parallel_loop3A_922 = arith.constant 2 : i32
      %parallel_loop3A_923 = vector.broadcast %parallel_loop3A_922 : i32 to vector<16xi32>
      %parallel_loop3A_924 = arith.addi %parallel_loop3A_921, %parallel_loop3A_923 : vector<16xi32>
      %parallel_loop3A_925 = tpu.vector_load_idx %arg13[%parallel_loop3A_924] : memref<1200xf32, #tpu.memory_space<vmem>>[vector<16xi32>], vector<16xf32>,
      %parallel_loop3A_926 = arith.constant 4 : i32
      %parallel_loop3A_927 = vector.broadcast %parallel_loop3A_926 : i32 to vector<16xi32>
      %parallel_loop3A_928 = arith.muli %parallel_loop3A_904, %parallel_loop3A_927 : vector<16xi32>
      %parallel_loop3A_929 = arith.constant 3 : i32
      %parallel_loop3A_930 = vector.broadcast %parallel_loop3A_929 : i32 to vector<16xi32>
      %parallel_loop3A_931 = arith.addi %parallel_loop3A_928, %parallel_loop3A_930 : vector<16xi32>
      %parallel_loop3A_932 = tpu.vector_load_idx %arg13[%parallel_loop3A_931] : memref<1200xf32, #tpu.memory_space<vmem>>[vector<16xi32>], vector<16xf32>,
      %parallel_loop3A_933 = arith.constant 100 : i32
      %parallel_loop3A_934 = vector.broadcast %parallel_loop3A_933 : i32 to vector<16xi32>
      %parallel_loop3A_935 = arith.addi %parallel_loop3A_822, %parallel_loop3A_934 : vector<16xi32>
      %parallel_loop3A_936 = arith.constant 0 : i32
      %parallel_loop3A_937 = vector.broadcast %parallel_loop3A_936 : i32 to vector<16xi32>
      %parallel_loop3A_938 = arith.addi %parallel_loop3A_935, %parallel_loop3A_937 : vector<16xi32>
      %parallel_loop3A_939 = arith.constant 5.000000e-01 : f32
      %parallel_loop3A_940 = vector.broadcast %parallel_loop3A_939 : f32 to vector<16xf32>
      %parallel_loop3A_941 = arith.mulf %parallel_loop3A_940, %parallel_loop3A_925 : vector<16xf32>
      %parallel_loop3A_942 = arith.subf %parallel_loop3A_911, %parallel_loop3A_941 : vector<16xf32>
      %parallel_loop3A_943 = arith.mulf %parallel_loop3A_942, %gather3A_76 : vector<16xf32>
      tpu.vector_store_idx %arg15[%parallel_loop3A_938], %parallel_loop3A_943 masked %parallel_loop3A_819 : memref<800xf32, #tpu.memory_space<vmem>>[vector<16xi32>], vector<16xf32>, vector<16xi1>
      %parallel_loop3A_944 = arith.constant 200 : i32
      %parallel_loop3A_945 = vector.broadcast %parallel_loop3A_944 : i32 to vector<16xi32>
      %parallel_loop3A_946 = arith.addi %parallel_loop3A_935, %parallel_loop3A_945 : vector<16xi32>
      %parallel_loop3A_947 = arith.constant 5.000000e-01 : f32
      %parallel_loop3A_948 = vector.broadcast %parallel_loop3A_947 : f32 to vector<16xf32>
      %parallel_loop3A_949 = arith.mulf %parallel_loop3A_948, %parallel_loop3A_932 : vector<16xf32>
      %parallel_loop3A_950 = arith.subf %parallel_loop3A_918, %parallel_loop3A_949 : vector<16xf32>
      %parallel_loop3A_951 = arith.mulf %parallel_loop3A_950, %gather3A : vector<16xf32>
      tpu.vector_store_idx %arg15[%parallel_loop3A_946], %parallel_loop3A_951 masked %parallel_loop3A_819 : memref<800xf32, #tpu.memory_space<vmem>>[vector<16xi32>], vector<16xf32>, vector<16xi1>
      %parallel_loop3A_952 = arith.constant 400 : i32
      %parallel_loop3A_953 = vector.broadcast %parallel_loop3A_952 : i32 to vector<16xi32>
      %parallel_loop3A_954 = arith.addi %parallel_loop3A_935, %parallel_loop3A_953 : vector<16xi32>
      %parallel_loop3A_955 = arith.constant 5.000000e-01 : f32
      %parallel_loop3A_956 = vector.broadcast %parallel_loop3A_955 : f32 to vector<16xf32>
      %parallel_loop3A_957 = arith.mulf %parallel_loop3A_956, %parallel_loop3A_925 : vector<16xf32>
      %parallel_loop3A_958 = arith.addf %parallel_loop3A_911, %parallel_loop3A_957 : vector<16xf32>
      %parallel_loop3A_959 = arith.mulf %parallel_loop3A_958, %gather3A_76 : vector<16xf32>
      tpu.vector_store_idx %arg15[%parallel_loop3A_954], %parallel_loop3A_959 masked %parallel_loop3A_819 : memref<800xf32, #tpu.memory_space<vmem>>[vector<16xi32>], vector<16xf32>, vector<16xi1>
      %parallel_loop3A_960 = arith.constant 600 : i32
      %parallel_loop3A_961 = vector.broadcast %parallel_loop3A_960 : i32 to vector<16xi32>
      %parallel_loop3A_962 = arith.addi %parallel_loop3A_935, %parallel_loop3A_961 : vector<16xi32>
      %parallel_loop3A_963 = arith.constant 5.000000e-01 : f32
      %parallel_loop3A_964 = vector.broadcast %parallel_loop3A_963 : f32 to vector<16xf32>
      %parallel_loop3A_965 = arith.mulf %parallel_loop3A_964, %parallel_loop3A_932 : vector<16xf32>
      %parallel_loop3A_966 = arith.addf %parallel_loop3A_918, %parallel_loop3A_965 : vector<16xf32>
      %parallel_loop3A_967 = arith.mulf %parallel_loop3A_966, %gather3A : vector<16xf32>
      tpu.vector_store_idx %arg15[%parallel_loop3A_962], %parallel_loop3A_967 masked %parallel_loop3A_819 : memref<800xf32, #tpu.memory_space<vmem>>[vector<16xi32>], vector<16xf32>, vector<16xi1>
    } {sc.loop_unroll_factor = 1 : i64, sc.parallel_access}
    %broadcast_in_dim3A_177 = arith.constant 0.000000e+00 : f32
    %broadcast_in_dim3A_178 = vector.broadcast %broadcast_in_dim3A_177 : f32 to vector<16xf32>
    %add3A_179 = arith.constant 0xFF800000 : f32
    %add3A_180 = vector.broadcast %add3A_179 : f32 to vector<16xf32>
    %add3A_181 = arith.addf %broadcast_in_dim3A_178, %add3A_180 : vector<16xf32>
    %broadcast_in_dim3A_182 = arith.constant 0.000000e+00 : f32
    %broadcast_in_dim3A_183 = vector.broadcast %broadcast_in_dim3A_182 : f32 to vector<16xf32>
    %add3A_184 = arith.constant 0xFF800000 : f32
    %add3A_185 = vector.broadcast %add3A_184 : f32 to vector<16xf32>
    %add3A_186 = arith.addf %broadcast_in_dim3A_183, %add3A_185 : vector<16xf32>
    %broadcast_in_dim3A_187 = arith.constant 0.000000e+00 : f32
    %broadcast_in_dim3A_188 = vector.broadcast %broadcast_in_dim3A_187 : f32 to vector<16xf32>
    %add3A_189 = arith.constant 0xFF800000 : f32
    %add3A_190 = vector.broadcast %add3A_189 : f32 to vector<16xf32>
    %add3A_191 = arith.addf %broadcast_in_dim3A_188, %add3A_190 : vector<16xf32>
    %broadcast_in_dim3A_192 = arith.constant 0.000000e+00 : f32
    %broadcast_in_dim3A_193 = vector.broadcast %broadcast_in_dim3A_192 : f32 to vector<16xf32>
    %add3A_194 = arith.constant 0xFF800000 : f32
    %add3A_195 = vector.broadcast %add3A_194 : f32 to vector<16xf32>
    %add3A_196 = arith.addf %broadcast_in_dim3A_193, %add3A_195 : vector<16xf32>
    %broadcast_in_dim3A_197 = arith.constant 0.000000e+00 : f32
    %broadcast_in_dim3A_198 = vector.broadcast %broadcast_in_dim3A_197 : f32 to vector<16xf32>
    %add3A_199 = arith.constant 0xFF800000 : f32
    %add3A_200 = vector.broadcast %add3A_199 : f32 to vector<16xf32>
    %add3A_201 = arith.addf %broadcast_in_dim3A_198, %add3A_200 : vector<16xf32>
    %broadcast_in_dim3A_202 = arith.constant 0.000000e+00 : f32
    %broadcast_in_dim3A_203 = vector.broadcast %broadcast_in_dim3A_202 : f32 to vector<16xf32>
    %add3A_204 = arith.constant 0xFF800000 : f32
    %add3A_205 = vector.broadcast %add3A_204 : f32 to vector<16xf32>
    %add3A_206 = arith.addf %broadcast_in_dim3A_203, %add3A_205 : vector<16xf32>
    %broadcast_in_dim3A_207 = arith.constant 0.000000e+00 : f32
    %broadcast_in_dim3A_208 = vector.broadcast %broadcast_in_dim3A_207 : f32 to vector<16xf32>
    %add3A_209 = arith.constant 0xFF800000 : f32
    %add3A_210 = vector.broadcast %add3A_209 : f32 to vector<16xf32>
    %add3A_211 = arith.addf %broadcast_in_dim3A_208, %add3A_210 : vector<16xf32>
    %broadcast_in_dim3A_212 = arith.constant 0 : i32
    %broadcast_in_dim3A_213 = vector.broadcast %broadcast_in_dim3A_212 : i32 to vector<16xi32>
    %add3A_214 = arith.constant 0 : i32
    %add3A_215 = vector.broadcast %add3A_214 : i32 to vector<16xi32>
    %add3A_216 = arith.addi %broadcast_in_dim3A_213, %add3A_215 : vector<16xi32>
    %broadcast_in_dim3A_217 = arith.constant 0 : i32
    %broadcast_in_dim3A_218 = vector.broadcast %broadcast_in_dim3A_217 : i32 to vector<16xi32>
    %add3A_219 = arith.constant 0 : i32
    %add3A_220 = vector.broadcast %add3A_219 : i32 to vector<16xi32>
    %add3A_221 = arith.addi %broadcast_in_dim3A_218, %add3A_220 : vector<16xi32>
    %broadcast_in_dim3A_222 = arith.constant 0 : i32
    %broadcast_in_dim3A_223 = vector.broadcast %broadcast_in_dim3A_222 : i32 to vector<16xi32>
    %add3A_224 = arith.constant 0 : i32
    %add3A_225 = vector.broadcast %add3A_224 : i32 to vector<16xi32>
    %add3A_226 = arith.addi %broadcast_in_dim3A_223, %add3A_225 : vector<16xi32>
    %broadcast_in_dim3A_227 = arith.constant 0 : i32
    %broadcast_in_dim3A_228 = vector.broadcast %broadcast_in_dim3A_227 : i32 to vector<16xi32>
    %add3A_229 = arith.constant 0 : i32
    %add3A_230 = vector.broadcast %add3A_229 : i32 to vector<16xi32>
    %add3A_231 = arith.addi %broadcast_in_dim3A_228, %add3A_230 : vector<16xi32>
    %broadcast_in_dim3A_232 = arith.constant 0 : i32
    %broadcast_in_dim3A_233 = vector.broadcast %broadcast_in_dim3A_232 : i32 to vector<16xi32>
    %add3A_234 = arith.constant 0 : i32
    %add3A_235 = vector.broadcast %add3A_234 : i32 to vector<16xi32>
    %add3A_236 = arith.addi %broadcast_in_dim3A_233, %add3A_235 : vector<16xi32>
    %broadcast_in_dim3A_237 = arith.constant 0 : i32
    %broadcast_in_dim3A_238 = vector.broadcast %broadcast_in_dim3A_237 : i32 to vector<16xi32>
    %add3A_239 = arith.constant 0 : i32
    %add3A_240 = vector.broadcast %add3A_239 : i32 to vector<16xi32>
    %add3A_241 = arith.addi %broadcast_in_dim3A_238, %add3A_240 : vector<16xi32>
    %broadcast_in_dim3A_242 = arith.constant 0 : i32
    %broadcast_in_dim3A_243 = vector.broadcast %broadcast_in_dim3A_242 : i32 to vector<16xi32>
    %add3A_244 = arith.constant 0 : i32
    %add3A_245 = vector.broadcast %add3A_244 : i32 to vector<16xi32>
    %add3A_246 = arith.addi %broadcast_in_dim3A_243, %add3A_245 : vector<16xi32>
    %parallel_loop3A_247 = arith.constant 0 : i32
    %parallel_loop3A_248 = arith.constant 80 : i32
    %parallel_loop3A_249 = arith.constant 1 : i32
    %parallel_loop3A_250:14 = scf.for %parallel_loop3A_811 = %parallel_loop3A_247 to %parallel_loop3A_248 step %parallel_loop3A_249 iter_args(%parallel_loop3A_812 = %add3A_181, %parallel_loop3A_813 = %add3A_186, %parallel_loop3A_814 = %add3A_191, %parallel_loop3A_815 = %add3A_196, %parallel_loop3A_816 = %add3A_201, %parallel_loop3A_817 = %add3A_206, %parallel_loop3A_818 = %add3A_211, %parallel_loop3A_819 = %add3A_216, %parallel_loop3A_820 = %add3A_221, %parallel_loop3A_821 = %add3A_226, %parallel_loop3A_822 = %add3A_231, %parallel_loop3A_823 = %add3A_236, %parallel_loop3A_824 = %add3A_241, %parallel_loop3A_825 = %add3A_246) -> (vector<16xf32>, vector<16xf32>, vector<16xf32>, vector<16xf32>, vector<16xf32>, vector<16xf32>, vector<16xf32>, vector<16xi32>, vector<16xi32>, vector<16xi32>, vector<16xi32>, vector<16xi32>, vector<16xi32>, vector<16xi32>)  : i32 {
      %parallel_loop3A_826 = arith.constant 0 : i32
      %parallel_loop3A_827 = vector.broadcast %parallel_loop3A_826 : i32 to vector<16xi32>
      %parallel_loop3A_828 = vector.broadcast %parallel_loop3A_811 : i32 to vector<16xi32>
      %parallel_loop3A_829 = arith.addi %parallel_loop3A_827, %parallel_loop3A_828 : vector<16xi32>
      %parallel_loop3A_830 = tpu.vector_load_idx %arg12[%parallel_loop3A_829, %gather3A_88] : memref<92x300xf32, #tpu.memory_space<vmem>>[vector<16xi32>, vector<16xi32>], vector<16xf32>,
      %parallel_loop3A_831 = arith.cmpf ogt, %parallel_loop3A_830, %parallel_loop3A_812 : vector<16xf32>
      %parallel_loop3A_832 = arith.select %parallel_loop3A_831, %parallel_loop3A_830, %parallel_loop3A_812 : vector<16xi1>, vector<16xf32>
      %parallel_loop3A_833 = arith.select %parallel_loop3A_831, %parallel_loop3A_829, %parallel_loop3A_819 : vector<16xi1>, vector<16xi32>
      %parallel_loop3A_834 = tpu.vector_load_idx %arg12[%parallel_loop3A_829, %gather3A_102] : memref<92x300xf32, #tpu.memory_space<vmem>>[vector<16xi32>, vector<16xi32>], vector<16xf32>,
      %parallel_loop3A_835 = arith.cmpf ogt, %parallel_loop3A_834, %parallel_loop3A_813 : vector<16xf32>
      %parallel_loop3A_836 = arith.select %parallel_loop3A_835, %parallel_loop3A_834, %parallel_loop3A_813 : vector<16xi1>, vector<16xf32>
      %parallel_loop3A_837 = arith.select %parallel_loop3A_835, %parallel_loop3A_829, %parallel_loop3A_820 : vector<16xi1>, vector<16xi32>
      %parallel_loop3A_838 = tpu.vector_load_idx %arg12[%parallel_loop3A_829, %gather3A_116] : memref<92x300xf32, #tpu.memory_space<vmem>>[vector<16xi32>, vector<16xi32>], vector<16xf32>,
      %parallel_loop3A_839 = arith.cmpf ogt, %parallel_loop3A_838, %parallel_loop3A_814 : vector<16xf32>
      %parallel_loop3A_840 = arith.select %parallel_loop3A_839, %parallel_loop3A_838, %parallel_loop3A_814 : vector<16xi1>, vector<16xf32>
      %parallel_loop3A_841 = arith.select %parallel_loop3A_839, %parallel_loop3A_829, %parallel_loop3A_821 : vector<16xi1>, vector<16xi32>
      %parallel_loop3A_842 = tpu.vector_load_idx %arg12[%parallel_loop3A_829, %gather3A_130] : memref<92x300xf32, #tpu.memory_space<vmem>>[vector<16xi32>, vector<16xi32>], vector<16xf32>,
      %parallel_loop3A_843 = arith.cmpf ogt, %parallel_loop3A_842, %parallel_loop3A_815 : vector<16xf32>
      %parallel_loop3A_844 = arith.select %parallel_loop3A_843, %parallel_loop3A_842, %parallel_loop3A_815 : vector<16xi1>, vector<16xf32>
      %parallel_loop3A_845 = arith.select %parallel_loop3A_843, %parallel_loop3A_829, %parallel_loop3A_822 : vector<16xi1>, vector<16xi32>
      %parallel_loop3A_846 = tpu.vector_load_idx %arg12[%parallel_loop3A_829, %gather3A_144] : memref<92x300xf32, #tpu.memory_space<vmem>>[vector<16xi32>, vector<16xi32>], vector<16xf32>,
      %parallel_loop3A_847 = arith.cmpf ogt, %parallel_loop3A_846, %parallel_loop3A_816 : vector<16xf32>
      %parallel_loop3A_848 = arith.select %parallel_loop3A_847, %parallel_loop3A_846, %parallel_loop3A_816 : vector<16xi1>, vector<16xf32>
      %parallel_loop3A_849 = arith.select %parallel_loop3A_847, %parallel_loop3A_829, %parallel_loop3A_823 : vector<16xi1>, vector<16xi32>
      %parallel_loop3A_850 = tpu.vector_load_idx %arg12[%parallel_loop3A_829, %gather3A_158] : memref<92x300xf32, #tpu.memory_space<vmem>>[vector<16xi32>, vector<16xi32>], vector<16xf32>,
      %parallel_loop3A_851 = arith.cmpf ogt, %parallel_loop3A_850, %parallel_loop3A_817 : vector<16xf32>
      %parallel_loop3A_852 = arith.select %parallel_loop3A_851, %parallel_loop3A_850, %parallel_loop3A_817 : vector<16xi1>, vector<16xf32>
      %parallel_loop3A_853 = arith.select %parallel_loop3A_851, %parallel_loop3A_829, %parallel_loop3A_824 : vector<16xi1>, vector<16xi32>
      %parallel_loop3A_854 = tpu.vector_load_idx %arg12[%parallel_loop3A_829, %gather3A_174] : memref<92x300xf32, #tpu.memory_space<vmem>>[vector<16xi32>, vector<16xi32>], vector<16xf32>,
      %parallel_loop3A_855 = arith.cmpf ogt, %parallel_loop3A_854, %parallel_loop3A_818 : vector<16xf32>
      %parallel_loop3A_856 = arith.select %parallel_loop3A_855, %parallel_loop3A_854, %parallel_loop3A_818 : vector<16xi1>, vector<16xf32>
      %parallel_loop3A_857 = arith.select %parallel_loop3A_855, %parallel_loop3A_829, %parallel_loop3A_825 : vector<16xi1>, vector<16xi32>
      scf.yield %parallel_loop3A_832, %parallel_loop3A_836, %parallel_loop3A_840, %parallel_loop3A_844, %parallel_loop3A_848, %parallel_loop3A_852, %parallel_loop3A_856, %parallel_loop3A_833, %parallel_loop3A_837, %parallel_loop3A_841, %parallel_loop3A_845, %parallel_loop3A_849, %parallel_loop3A_853, %parallel_loop3A_857 : vector<16xf32>, vector<16xf32>, vector<16xf32>, vector<16xf32>, vector<16xf32>, vector<16xf32>, vector<16xf32>, vector<16xi32>, vector<16xi32>, vector<16xi32>, vector<16xi32>, vector<16xi32>, vector<16xi32>, vector<16xi32>
    } {sc.loop_unroll_factor = 4 : i64, sc.parallel_access}
    %broadcast_in_dim3A_251 = arith.constant 0 : i32
    %broadcast_in_dim3A_252 = vector.broadcast %broadcast_in_dim3A_251 : i32 to vector<16xi32>
    %add3A_253 = arith.constant 80 : i32
    %add3A_254 = vector.broadcast %add3A_253 : i32 to vector<16xi32>
    %add3A_255 = arith.addi %broadcast_in_dim3A_252, %add3A_254 : vector<16xi32>
    %gather3A_256 = tpu.vector_load_idx %arg12[%add3A_255, %gather3A_88] : memref<92x300xf32, #tpu.memory_space<vmem>>[vector<16xi32>, vector<16xi32>], vector<16xf32>,
    %max3A = arith.maximumf %parallel_loop3A_250#0, %gather3A_256 : vector<16xf32>
    %broadcast_in_dim3A_257 = arith.constant 0 : i32
    %broadcast_in_dim3A_258 = vector.broadcast %broadcast_in_dim3A_257 : i32 to vector<16xi32>
    %add3A_259 = arith.constant 80 : i32
    %add3A_260 = vector.broadcast %add3A_259 : i32 to vector<16xi32>
    %add3A_261 = arith.addi %broadcast_in_dim3A_258, %add3A_260 : vector<16xi32>
    %gather3A_262 = tpu.vector_load_idx %arg12[%add3A_261, %gather3A_102] : memref<92x300xf32, #tpu.memory_space<vmem>>[vector<16xi32>, vector<16xi32>], vector<16xf32>,
    %max3A_263 = arith.maximumf %parallel_loop3A_250#1, %gather3A_262 : vector<16xf32>
    %broadcast_in_dim3A_264 = arith.constant 0 : i32
    %broadcast_in_dim3A_265 = vector.broadcast %broadcast_in_dim3A_264 : i32 to vector<16xi32>
    %add3A_266 = arith.constant 80 : i32
    %add3A_267 = vector.broadcast %add3A_266 : i32 to vector<16xi32>
    %add3A_268 = arith.addi %broadcast_in_dim3A_265, %add3A_267 : vector<16xi32>
    %gather3A_269 = tpu.vector_load_idx %arg12[%add3A_268, %gather3A_116] : memref<92x300xf32, #tpu.memory_space<vmem>>[vector<16xi32>, vector<16xi32>], vector<16xf32>,
    %max3A_270 = arith.maximumf %parallel_loop3A_250#2, %gather3A_269 : vector<16xf32>
    %broadcast_in_dim3A_271 = arith.constant 0 : i32
    %broadcast_in_dim3A_272 = vector.broadcast %broadcast_in_dim3A_271 : i32 to vector<16xi32>
    %add3A_273 = arith.constant 80 : i32
    %add3A_274 = vector.broadcast %add3A_273 : i32 to vector<16xi32>
    %add3A_275 = arith.addi %broadcast_in_dim3A_272, %add3A_274 : vector<16xi32>
    %gather3A_276 = tpu.vector_load_idx %arg12[%add3A_275, %gather3A_130] : memref<92x300xf32, #tpu.memory_space<vmem>>[vector<16xi32>, vector<16xi32>], vector<16xf32>,
    %max3A_277 = arith.maximumf %parallel_loop3A_250#3, %gather3A_276 : vector<16xf32>
    %broadcast_in_dim3A_278 = arith.constant 0 : i32
    %broadcast_in_dim3A_279 = vector.broadcast %broadcast_in_dim3A_278 : i32 to vector<16xi32>
    %add3A_280 = arith.constant 80 : i32
    %add3A_281 = vector.broadcast %add3A_280 : i32 to vector<16xi32>
    %add3A_282 = arith.addi %broadcast_in_dim3A_279, %add3A_281 : vector<16xi32>
    %gather3A_283 = tpu.vector_load_idx %arg12[%add3A_282, %gather3A_144] : memref<92x300xf32, #tpu.memory_space<vmem>>[vector<16xi32>, vector<16xi32>], vector<16xf32>,
    %max3A_284 = arith.maximumf %parallel_loop3A_250#4, %gather3A_283 : vector<16xf32>
    %broadcast_in_dim3A_285 = arith.constant 0 : i32
    %broadcast_in_dim3A_286 = vector.broadcast %broadcast_in_dim3A_285 : i32 to vector<16xi32>
    %add3A_287 = arith.constant 80 : i32
    %add3A_288 = vector.broadcast %add3A_287 : i32 to vector<16xi32>
    %add3A_289 = arith.addi %broadcast_in_dim3A_286, %add3A_288 : vector<16xi32>
    %gather3A_290 = tpu.vector_load_idx %arg12[%add3A_289, %gather3A_158] : memref<92x300xf32, #tpu.memory_space<vmem>>[vector<16xi32>, vector<16xi32>], vector<16xf32>,
    %max3A_291 = arith.maximumf %parallel_loop3A_250#5, %gather3A_290 : vector<16xf32>
    %broadcast_in_dim3A_292 = arith.constant 0 : i32
    %broadcast_in_dim3A_293 = vector.broadcast %broadcast_in_dim3A_292 : i32 to vector<16xi32>
    %add3A_294 = arith.constant 80 : i32
    %add3A_295 = vector.broadcast %add3A_294 : i32 to vector<16xi32>
    %add3A_296 = arith.addi %broadcast_in_dim3A_293, %add3A_295 : vector<16xi32>
    %gather3A_297 = tpu.vector_load_idx %arg12[%add3A_296, %gather3A_174] : memref<92x300xf32, #tpu.memory_space<vmem>>[vector<16xi32>, vector<16xi32>], vector<16xf32>,
    %max3A_298 = arith.maximumf %parallel_loop3A_250#6, %gather3A_297 : vector<16xf32>
    %broadcast_in_dim3A_299 = arith.constant 0.000000e+00 : f32
    %broadcast_in_dim3A_300 = vector.broadcast %broadcast_in_dim3A_299 : f32 to vector<16xf32>
    %add3A_301 = arith.constant 0.000000e+00 : f32
    %add3A_302 = vector.broadcast %add3A_301 : f32 to vector<16xf32>
    %add3A_303 = arith.addf %broadcast_in_dim3A_300, %add3A_302 : vector<16xf32>
    %broadcast_in_dim3A_304 = arith.constant 0.000000e+00 : f32
    %broadcast_in_dim3A_305 = vector.broadcast %broadcast_in_dim3A_304 : f32 to vector<16xf32>
    %add3A_306 = arith.constant 0.000000e+00 : f32
    %add3A_307 = vector.broadcast %add3A_306 : f32 to vector<16xf32>
    %add3A_308 = arith.addf %broadcast_in_dim3A_305, %add3A_307 : vector<16xf32>
    %broadcast_in_dim3A_309 = arith.constant 0.000000e+00 : f32
    %broadcast_in_dim3A_310 = vector.broadcast %broadcast_in_dim3A_309 : f32 to vector<16xf32>
    %add3A_311 = arith.constant 0.000000e+00 : f32
    %add3A_312 = vector.broadcast %add3A_311 : f32 to vector<16xf32>
    %add3A_313 = arith.addf %broadcast_in_dim3A_310, %add3A_312 : vector<16xf32>
    %broadcast_in_dim3A_314 = arith.constant 0.000000e+00 : f32
    %broadcast_in_dim3A_315 = vector.broadcast %broadcast_in_dim3A_314 : f32 to vector<16xf32>
    %add3A_316 = arith.constant 0.000000e+00 : f32
    %add3A_317 = vector.broadcast %add3A_316 : f32 to vector<16xf32>
    %add3A_318 = arith.addf %broadcast_in_dim3A_315, %add3A_317 : vector<16xf32>
    %broadcast_in_dim3A_319 = arith.constant 0.000000e+00 : f32
    %broadcast_in_dim3A_320 = vector.broadcast %broadcast_in_dim3A_319 : f32 to vector<16xf32>
    %add3A_321 = arith.constant 0.000000e+00 : f32
    %add3A_322 = vector.broadcast %add3A_321 : f32 to vector<16xf32>
    %add3A_323 = arith.addf %broadcast_in_dim3A_320, %add3A_322 : vector<16xf32>
    %broadcast_in_dim3A_324 = arith.constant 0.000000e+00 : f32
    %broadcast_in_dim3A_325 = vector.broadcast %broadcast_in_dim3A_324 : f32 to vector<16xf32>
    %add3A_326 = arith.constant 0.000000e+00 : f32
    %add3A_327 = vector.broadcast %add3A_326 : f32 to vector<16xf32>
    %add3A_328 = arith.addf %broadcast_in_dim3A_325, %add3A_327 : vector<16xf32>
    %broadcast_in_dim3A_329 = arith.constant 0.000000e+00 : f32
    %broadcast_in_dim3A_330 = vector.broadcast %broadcast_in_dim3A_329 : f32 to vector<16xf32>
    %add3A_331 = arith.constant 0.000000e+00 : f32
    %add3A_332 = vector.broadcast %add3A_331 : f32 to vector<16xf32>
    %add3A_333 = arith.addf %broadcast_in_dim3A_330, %add3A_332 : vector<16xf32>
    %parallel_loop3A_334 = arith.constant 0 : i32
    %parallel_loop3A_335 = arith.constant 81 : i32
    %parallel_loop3A_336 = arith.constant 1 : i32
    %parallel_loop3A_337:7 = scf.for %parallel_loop3A_811 = %parallel_loop3A_334 to %parallel_loop3A_335 step %parallel_loop3A_336 iter_args(%parallel_loop3A_812 = %add3A_303, %parallel_loop3A_813 = %add3A_308, %parallel_loop3A_814 = %add3A_313, %parallel_loop3A_815 = %add3A_318, %parallel_loop3A_816 = %add3A_323, %parallel_loop3A_817 = %add3A_328, %parallel_loop3A_818 = %add3A_333) -> (vector<16xf32>, vector<16xf32>, vector<16xf32>, vector<16xf32>, vector<16xf32>, vector<16xf32>, vector<16xf32>)  : i32 {
      %parallel_loop3A_819 = arith.constant 0 : i32
      %parallel_loop3A_820 = vector.broadcast %parallel_loop3A_819 : i32 to vector<16xi32>
      %parallel_loop3A_821 = vector.broadcast %parallel_loop3A_811 : i32 to vector<16xi32>
      %parallel_loop3A_822 = arith.addi %parallel_loop3A_820, %parallel_loop3A_821 : vector<16xi32>
      %parallel_loop3A_823 = tpu.vector_load_idx %arg12[%parallel_loop3A_822, %gather3A_88] : memref<92x300xf32, #tpu.memory_space<vmem>>[vector<16xi32>, vector<16xi32>], vector<16xf32>,
      %parallel_loop3A_824 = arith.subf %parallel_loop3A_823, %max3A : vector<16xf32>
      %parallel_loop3A_825 = math.exp %parallel_loop3A_824 : vector<16xf32>
      %parallel_loop3A_826 = arith.addf %parallel_loop3A_812, %parallel_loop3A_825 : vector<16xf32>
      %parallel_loop3A_827 = tpu.vector_load_idx %arg12[%parallel_loop3A_822, %gather3A_102] : memref<92x300xf32, #tpu.memory_space<vmem>>[vector<16xi32>, vector<16xi32>], vector<16xf32>,
      %parallel_loop3A_828 = arith.subf %parallel_loop3A_827, %max3A_263 : vector<16xf32>
      %parallel_loop3A_829 = math.exp %parallel_loop3A_828 : vector<16xf32>
      %parallel_loop3A_830 = arith.addf %parallel_loop3A_813, %parallel_loop3A_829 : vector<16xf32>
      %parallel_loop3A_831 = tpu.vector_load_idx %arg12[%parallel_loop3A_822, %gather3A_116] : memref<92x300xf32, #tpu.memory_space<vmem>>[vector<16xi32>, vector<16xi32>], vector<16xf32>,
      %parallel_loop3A_832 = arith.subf %parallel_loop3A_831, %max3A_270 : vector<16xf32>
      %parallel_loop3A_833 = math.exp %parallel_loop3A_832 : vector<16xf32>
      %parallel_loop3A_834 = arith.addf %parallel_loop3A_814, %parallel_loop3A_833 : vector<16xf32>
      %parallel_loop3A_835 = tpu.vector_load_idx %arg12[%parallel_loop3A_822, %gather3A_130] : memref<92x300xf32, #tpu.memory_space<vmem>>[vector<16xi32>, vector<16xi32>], vector<16xf32>,
      %parallel_loop3A_836 = arith.subf %parallel_loop3A_835, %max3A_277 : vector<16xf32>
      %parallel_loop3A_837 = math.exp %parallel_loop3A_836 : vector<16xf32>
      %parallel_loop3A_838 = arith.addf %parallel_loop3A_815, %parallel_loop3A_837 : vector<16xf32>
      %parallel_loop3A_839 = tpu.vector_load_idx %arg12[%parallel_loop3A_822, %gather3A_144] : memref<92x300xf32, #tpu.memory_space<vmem>>[vector<16xi32>, vector<16xi32>], vector<16xf32>,
      %parallel_loop3A_840 = arith.subf %parallel_loop3A_839, %max3A_284 : vector<16xf32>
      %parallel_loop3A_841 = math.exp %parallel_loop3A_840 : vector<16xf32>
      %parallel_loop3A_842 = arith.addf %parallel_loop3A_816, %parallel_loop3A_841 : vector<16xf32>
      %parallel_loop3A_843 = tpu.vector_load_idx %arg12[%parallel_loop3A_822, %gather3A_158] : memref<92x300xf32, #tpu.memory_space<vmem>>[vector<16xi32>, vector<16xi32>], vector<16xf32>,
      %parallel_loop3A_844 = arith.subf %parallel_loop3A_843, %max3A_291 : vector<16xf32>
      %parallel_loop3A_845 = math.exp %parallel_loop3A_844 : vector<16xf32>
      %parallel_loop3A_846 = arith.addf %parallel_loop3A_817, %parallel_loop3A_845 : vector<16xf32>
      %parallel_loop3A_847 = tpu.vector_load_idx %arg12[%parallel_loop3A_822, %gather3A_174] : memref<92x300xf32, #tpu.memory_space<vmem>>[vector<16xi32>, vector<16xi32>], vector<16xf32>,
      %parallel_loop3A_848 = arith.subf %parallel_loop3A_847, %max3A_298 : vector<16xf32>
      %parallel_loop3A_849 = math.exp %parallel_loop3A_848 : vector<16xf32>
      %parallel_loop3A_850 = arith.addf %parallel_loop3A_818, %parallel_loop3A_849 : vector<16xf32>
      scf.yield %parallel_loop3A_826, %parallel_loop3A_830, %parallel_loop3A_834, %parallel_loop3A_838, %parallel_loop3A_842, %parallel_loop3A_846, %parallel_loop3A_850 : vector<16xf32>, vector<16xf32>, vector<16xf32>, vector<16xf32>, vector<16xf32>, vector<16xf32>, vector<16xf32>
    } {sc.loop_unroll_factor = 3 : i64, sc.parallel_access}
    %sub3A = arith.subf %parallel_loop3A_250#0, %max3A : vector<16xf32>
    %exp3A = math.exp %sub3A : vector<16xf32>
    %div3A = arith.divf %exp3A, %parallel_loop3A_337#0 : vector<16xf32>
    %add3A_338 = arith.constant 0 : i32
    %add3A_339 = vector.broadcast %add3A_338 : i32 to vector<16xi32>
    %add3A_340 = arith.addi %min3A_81, %add3A_339 : vector<16xi32>
    tpu.vector_store_idx %arg10[%add3A_340], %div3A : memref<200xf32, #tpu.memory_space<vmem>>[vector<16xi32>], vector<16xf32>,
    %add3A_341 = arith.constant 100 : i32
    %add3A_342 = vector.broadcast %add3A_341 : i32 to vector<16xi32>
    %add3A_343 = arith.addi %min3A_81, %add3A_342 : vector<16xi32>
    tpu.vector_store_idx %arg14[%add3A_343], %parallel_loop3A_250#7 : memref<200xi32, #tpu.memory_space<vmem>>[vector<16xi32>], vector<16xi32>,
    %sub3A_344 = arith.subf %parallel_loop3A_250#1, %max3A_263 : vector<16xf32>
    %exp3A_345 = math.exp %sub3A_344 : vector<16xf32>
    %div3A_346 = arith.divf %exp3A_345, %parallel_loop3A_337#1 : vector<16xf32>
    %add3A_347 = arith.constant 0 : i32
    %add3A_348 = vector.broadcast %add3A_347 : i32 to vector<16xi32>
    %add3A_349 = arith.addi %min3A_95, %add3A_348 : vector<16xi32>
    tpu.vector_store_idx %arg10[%add3A_349], %div3A_346 : memref<200xf32, #tpu.memory_space<vmem>>[vector<16xi32>], vector<16xf32>,
    %add3A_350 = arith.constant 100 : i32
    %add3A_351 = vector.broadcast %add3A_350 : i32 to vector<16xi32>
    %add3A_352 = arith.addi %min3A_95, %add3A_351 : vector<16xi32>
    tpu.vector_store_idx %arg14[%add3A_352], %parallel_loop3A_250#8 : memref<200xi32, #tpu.memory_space<vmem>>[vector<16xi32>], vector<16xi32>,
    %sub3A_353 = arith.subf %parallel_loop3A_250#2, %max3A_270 : vector<16xf32>
    %exp3A_354 = math.exp %sub3A_353 : vector<16xf32>
    %div3A_355 = arith.divf %exp3A_354, %parallel_loop3A_337#2 : vector<16xf32>
    %add3A_356 = arith.constant 0 : i32
    %add3A_357 = vector.broadcast %add3A_356 : i32 to vector<16xi32>
    %add3A_358 = arith.addi %min3A_109, %add3A_357 : vector<16xi32>
    tpu.vector_store_idx %arg10[%add3A_358], %div3A_355 : memref<200xf32, #tpu.memory_space<vmem>>[vector<16xi32>], vector<16xf32>,
    %add3A_359 = arith.constant 100 : i32
    %add3A_360 = vector.broadcast %add3A_359 : i32 to vector<16xi32>
    %add3A_361 = arith.addi %min3A_109, %add3A_360 : vector<16xi32>
    tpu.vector_store_idx %arg14[%add3A_361], %parallel_loop3A_250#9 : memref<200xi32, #tpu.memory_space<vmem>>[vector<16xi32>], vector<16xi32>,
    %sub3A_362 = arith.subf %parallel_loop3A_250#3, %max3A_277 : vector<16xf32>
    %exp3A_363 = math.exp %sub3A_362 : vector<16xf32>
    %div3A_364 = arith.divf %exp3A_363, %parallel_loop3A_337#3 : vector<16xf32>
    %add3A_365 = arith.constant 0 : i32
    %add3A_366 = vector.broadcast %add3A_365 : i32 to vector<16xi32>
    %add3A_367 = arith.addi %min3A_123, %add3A_366 : vector<16xi32>
    tpu.vector_store_idx %arg10[%add3A_367], %div3A_364 : memref<200xf32, #tpu.memory_space<vmem>>[vector<16xi32>], vector<16xf32>,
    %add3A_368 = arith.constant 100 : i32
    %add3A_369 = vector.broadcast %add3A_368 : i32 to vector<16xi32>
    %add3A_370 = arith.addi %min3A_123, %add3A_369 : vector<16xi32>
    tpu.vector_store_idx %arg14[%add3A_370], %parallel_loop3A_250#10 : memref<200xi32, #tpu.memory_space<vmem>>[vector<16xi32>], vector<16xi32>,
    %sub3A_371 = arith.subf %parallel_loop3A_250#4, %max3A_284 : vector<16xf32>
    %exp3A_372 = math.exp %sub3A_371 : vector<16xf32>
    %div3A_373 = arith.divf %exp3A_372, %parallel_loop3A_337#4 : vector<16xf32>
    %add3A_374 = arith.constant 0 : i32
    %add3A_375 = vector.broadcast %add3A_374 : i32 to vector<16xi32>
    %add3A_376 = arith.addi %min3A_137, %add3A_375 : vector<16xi32>
    tpu.vector_store_idx %arg10[%add3A_376], %div3A_373 : memref<200xf32, #tpu.memory_space<vmem>>[vector<16xi32>], vector<16xf32>,
    %add3A_377 = arith.constant 100 : i32
    %add3A_378 = vector.broadcast %add3A_377 : i32 to vector<16xi32>
    %add3A_379 = arith.addi %min3A_137, %add3A_378 : vector<16xi32>
    tpu.vector_store_idx %arg14[%add3A_379], %parallel_loop3A_250#11 : memref<200xi32, #tpu.memory_space<vmem>>[vector<16xi32>], vector<16xi32>,
    %sub3A_380 = arith.subf %parallel_loop3A_250#5, %max3A_291 : vector<16xf32>
    %exp3A_381 = math.exp %sub3A_380 : vector<16xf32>
    %div3A_382 = arith.divf %exp3A_381, %parallel_loop3A_337#5 : vector<16xf32>
    %add3A_383 = arith.constant 0 : i32
    %add3A_384 = vector.broadcast %add3A_383 : i32 to vector<16xi32>
    %add3A_385 = arith.addi %min3A_151, %add3A_384 : vector<16xi32>
    tpu.vector_store_idx %arg10[%add3A_385], %div3A_382 : memref<200xf32, #tpu.memory_space<vmem>>[vector<16xi32>], vector<16xf32>,
    %add3A_386 = arith.constant 100 : i32
    %add3A_387 = vector.broadcast %add3A_386 : i32 to vector<16xi32>
    %add3A_388 = arith.addi %min3A_151, %add3A_387 : vector<16xi32>
    tpu.vector_store_idx %arg14[%add3A_388], %parallel_loop3A_250#12 : memref<200xi32, #tpu.memory_space<vmem>>[vector<16xi32>], vector<16xi32>,
    %sub3A_389 = arith.subf %parallel_loop3A_250#6, %max3A_298 : vector<16xf32>
    %exp3A_390 = math.exp %sub3A_389 : vector<16xf32>
    %div3A_391 = arith.divf %exp3A_390, %parallel_loop3A_337#6 : vector<16xf32>
    %add3A_392 = arith.constant 0 : i32
    %add3A_393 = vector.broadcast %add3A_392 : i32 to vector<16xi32>
    %add3A_394 = arith.addi %min3A_167, %add3A_393 : vector<16xi32>
    tpu.vector_store_idx %arg10[%add3A_394], %div3A_391 masked %lt3A_164 : memref<200xf32, #tpu.memory_space<vmem>>[vector<16xi32>], vector<16xf32>, vector<16xi1>
    %add3A_395 = arith.constant 100 : i32
    %add3A_396 = vector.broadcast %add3A_395 : i32 to vector<16xi32>
    %add3A_397 = arith.addi %min3A_167, %add3A_396 : vector<16xi32>
    tpu.vector_store_idx %arg14[%add3A_397], %parallel_loop3A_250#13 masked %lt3A_164 : memref<200xi32, #tpu.memory_space<vmem>>[vector<16xi32>], vector<16xi32>, vector<16xi1>
    %add3A_398 = arith.constant 0 : i32
    %add3A_399 = arith.addi %mul3A_2, %add3A_398 : i32
    %mul3A_400 = arith.constant 2 : i32
    %mul3A_401 = arith.muli %add3A_399, %mul3A_400 : i32
    %mul3A_402 = arith.constant 100 : i32
    %mul3A_403 = arith.muli %mul3A_401, %mul3A_402 : i32
    %dma_start3A_404 = tpu.memref_slice %arg6[%mul3A_403] : memref<12800xi32, #tpu.memory_space<hbm>> -> memref<200xi32, #tpu.memory_space<hbm>>
    %dma_start3A_405 = tpu.memref_slice %arg6[%mul3A_403] : memref<12800xi32, #tpu.memory_space<hbm>> -> memref<200xi32, #tpu.memory_space<hbm>>
    tpu.enqueue_dma source(%arg14 : memref<200xi32, #tpu.memory_space<vmem>>) target(%dma_start3A_405 : memref<200xi32, #tpu.memory_space<hbm>>) target_semaphore(%arg23 : memref<!tpu.dma_semaphore, #tpu.memory_space<semaphore_mem>>)
    %add3A_406 = arith.constant 0 : i32
    %add3A_407 = arith.addi %mul3A_2, %add3A_406 : i32
    %mul3A_408 = arith.constant 2 : i32
    %mul3A_409 = arith.muli %add3A_407, %mul3A_408 : i32
    %mul3A_410 = arith.constant 100 : i32
    %mul3A_411 = arith.muli %mul3A_409, %mul3A_410 : i32
    %mul3A_412 = arith.constant 4 : i32
    %mul3A_413 = arith.muli %mul3A_411, %mul3A_412 : i32
    %dma_start3A_414 = tpu.memref_slice %arg7[%mul3A_413] : memref<51200xf32, #tpu.memory_space<hbm>> -> memref<800xf32, #tpu.memory_space<hbm>>
    %dma_start3A_415 = tpu.memref_slice %arg7[%mul3A_413] : memref<51200xf32, #tpu.memory_space<hbm>> -> memref<800xf32, #tpu.memory_space<hbm>>
    tpu.enqueue_dma source(%arg15 : memref<800xf32, #tpu.memory_space<vmem>>) target(%dma_start3A_415 : memref<800xf32, #tpu.memory_space<hbm>>) target_semaphore(%arg23 : memref<!tpu.dma_semaphore, #tpu.memory_space<semaphore_mem>>)
    %dma_wait3A_416 = arith.constant 0 : i32
    %dma_wait3A_417 = arith.constant 0 : i32
    %dma_wait3A_418 = tpu.memref_slice %arg2[%dma_wait3A_416, %add3A_25, %dma_wait3A_417] : memref<92x64x300xf32, #tpu.memory_space<hbm>> -> memref<92x1x300xf32, #tpu.memory_space<hbm>>
    %dma_wait3A_419 = tpu.memref_squeeze %dma_wait3A_418 : memref<92x1x300xf32, #tpu.memory_space<hbm>> -> memref<92x300xf32, #tpu.memory_space<hbm>>
    %dma_wait3A_420 = arith.constant 0 : i32
    %dma_wait3A_421 = arith.constant 0 : i32
    %dma_wait3A_422 = tpu.memref_slice %arg2[%dma_wait3A_420, %add3A_25, %dma_wait3A_421] : memref<92x64x300xf32, #tpu.memory_space<hbm>> -> memref<92x1x300xf32, #tpu.memory_space<hbm>>
    %dma_wait3A_423 = tpu.memref_squeeze %dma_wait3A_422 : memref<92x1x300xf32, #tpu.memory_space<hbm>> -> memref<92x300xf32, #tpu.memory_space<hbm>>
    tpu.wait_dma2 semaphore(%arg22 : memref<!tpu.dma_semaphore, #tpu.memory_space<semaphore_mem>>) src(%dma_wait3A_423 : memref<92x300xf32, #tpu.memory_space<hbm>>) dst(%arg17 : memref<92x300xf32, #tpu.memory_space<vmem>>)
    %dma_wait3A_424 = tpu.memref_slice %arg3[%mul3A_37] : memref<76800xf32, #tpu.memory_space<hbm>> -> memref<1200xf32, #tpu.memory_space<hbm>>
    %dma_wait3A_425 = tpu.memref_slice %arg3[%mul3A_37] : memref<76800xf32, #tpu.memory_space<hbm>> -> memref<1200xf32, #tpu.memory_space<hbm>>
    tpu.wait_dma2 semaphore(%arg22 : memref<!tpu.dma_semaphore, #tpu.memory_space<semaphore_mem>>) src(%dma_wait3A_425 : memref<1200xf32, #tpu.memory_space<hbm>>) dst(%arg18 : memref<1200xf32, #tpu.memory_space<vmem>>)
    %dma_wait3A_426 = tpu.memref_slice %arg4[%mul3A_43] : memref<12800xi32, #tpu.memory_space<hbm>> -> memref<200xi32, #tpu.memory_space<hbm>>
    %dma_wait3A_427 = tpu.memref_slice %arg4[%mul3A_43] : memref<12800xi32, #tpu.memory_space<hbm>> -> memref<200xi32, #tpu.memory_space<hbm>>
    tpu.wait_dma2 semaphore(%arg22 : memref<!tpu.dma_semaphore, #tpu.memory_space<semaphore_mem>>) src(%dma_wait3A_427 : memref<200xi32, #tpu.memory_space<hbm>>) dst(%arg16 : memref<200xi32, #tpu.memory_space<vmem>>)
    %add3A_428 = arith.constant 1 : i32
    %add3A_429 = arith.addi %mul3A_2, %add3A_428 : i32
    %mul3A_430 = arith.constant 2 : i32
    %mul3A_431 = arith.muli %add3A_429, %mul3A_430 : i32
    %add3A_432 = arith.constant 0 : i32
    %add3A_433 = arith.addi %mul3A_431, %add3A_432 : i32
    %broadcast_in_dim3A_434 = arith.constant 0 : i32
    %broadcast_in_dim3A_435 = vector.broadcast %broadcast_in_dim3A_434 : i32 to vector<16xi32>
    %add3A_436 = vector.broadcast %add3A_433 : i32 to vector<16xi32>
    %add3A_437 = arith.addi %broadcast_in_dim3A_435, %add3A_436 : vector<16xi32>
    %gather3A_438 = tpu.vector_load_idx %arg9[%add3A_437] : memref<128xf32, #tpu.memory_space<vmem>>[vector<16xi32>], vector<16xf32>,
    %add3A_439 = arith.constant 1 : i32
    %add3A_440 = arith.addi %mul3A_2, %add3A_439 : i32
    %mul3A_441 = arith.constant 2 : i32
    %mul3A_442 = arith.muli %add3A_440, %mul3A_441 : i32
    %add3A_443 = arith.constant 1 : i32
    %add3A_444 = arith.addi %mul3A_442, %add3A_443 : i32
    %broadcast_in_dim3A_445 = arith.constant 0 : i32
    %broadcast_in_dim3A_446 = vector.broadcast %broadcast_in_dim3A_445 : i32 to vector<16xi32>
    %add3A_447 = vector.broadcast %add3A_444 : i32 to vector<16xi32>
    %add3A_448 = arith.addi %broadcast_in_dim3A_446, %add3A_447 : vector<16xi32>
    %gather3A_449 = tpu.vector_load_idx %arg9[%add3A_448] : memref<128xf32, #tpu.memory_space<vmem>>[vector<16xi32>], vector<16xf32>,
    %iota3A_450 = tpu.iota {dimensions = array<i32: 0>} : vector<16xi32>
    %add3A_451 = arith.constant 0 : i32
    %add3A_452 = vector.broadcast %add3A_451 : i32 to vector<16xi32>
    %add3A_453 = arith.addi %iota3A_450, %add3A_452 : vector<16xi32>
    %min3A_454 = arith.constant 99 : i32
    %min3A_455 = vector.broadcast %min3A_454 : i32 to vector<16xi32>
    %min3A_456 = arith.minsi %add3A_453, %min3A_455 : vector<16xi32>
    %mul3A_457 = arith.constant 2 : i32
    %mul3A_458 = vector.broadcast %mul3A_457 : i32 to vector<16xi32>
    %mul3A_459 = arith.muli %min3A_456, %mul3A_458 : vector<16xi32>
    %add3A_460 = arith.constant 1 : i32
    %add3A_461 = vector.broadcast %add3A_460 : i32 to vector<16xi32>
    %add3A_462 = arith.addi %mul3A_459, %add3A_461 : vector<16xi32>
    %gather3A_463 = tpu.vector_load_idx %arg16[%add3A_462] : memref<200xi32, #tpu.memory_space<vmem>>[vector<16xi32>], vector<16xi32>,
    %iota3A_464 = tpu.iota {dimensions = array<i32: 0>} : vector<16xi32>
    %add3A_465 = arith.constant 16 : i32
    %add3A_466 = vector.broadcast %add3A_465 : i32 to vector<16xi32>
    %add3A_467 = arith.addi %iota3A_464, %add3A_466 : vector<16xi32>
    %min3A_468 = arith.constant 99 : i32
    %min3A_469 = vector.broadcast %min3A_468 : i32 to vector<16xi32>
    %min3A_470 = arith.minsi %add3A_467, %min3A_469 : vector<16xi32>
    %mul3A_471 = arith.constant 2 : i32
    %mul3A_472 = vector.broadcast %mul3A_471 : i32 to vector<16xi32>
    %mul3A_473 = arith.muli %min3A_470, %mul3A_472 : vector<16xi32>
    %add3A_474 = arith.constant 1 : i32
    %add3A_475 = vector.broadcast %add3A_474 : i32 to vector<16xi32>
    %add3A_476 = arith.addi %mul3A_473, %add3A_475 : vector<16xi32>
    %gather3A_477 = tpu.vector_load_idx %arg16[%add3A_476] : memref<200xi32, #tpu.memory_space<vmem>>[vector<16xi32>], vector<16xi32>,
    %iota3A_478 = tpu.iota {dimensions = array<i32: 0>} : vector<16xi32>
    %add3A_479 = arith.constant 32 : i32
    %add3A_480 = vector.broadcast %add3A_479 : i32 to vector<16xi32>
    %add3A_481 = arith.addi %iota3A_478, %add3A_480 : vector<16xi32>
    %min3A_482 = arith.constant 99 : i32
    %min3A_483 = vector.broadcast %min3A_482 : i32 to vector<16xi32>
    %min3A_484 = arith.minsi %add3A_481, %min3A_483 : vector<16xi32>
    %mul3A_485 = arith.constant 2 : i32
    %mul3A_486 = vector.broadcast %mul3A_485 : i32 to vector<16xi32>
    %mul3A_487 = arith.muli %min3A_484, %mul3A_486 : vector<16xi32>
    %add3A_488 = arith.constant 1 : i32
    %add3A_489 = vector.broadcast %add3A_488 : i32 to vector<16xi32>
    %add3A_490 = arith.addi %mul3A_487, %add3A_489 : vector<16xi32>
    %gather3A_491 = tpu.vector_load_idx %arg16[%add3A_490] : memref<200xi32, #tpu.memory_space<vmem>>[vector<16xi32>], vector<16xi32>,
    %iota3A_492 = tpu.iota {dimensions = array<i32: 0>} : vector<16xi32>
    %add3A_493 = arith.constant 48 : i32
    %add3A_494 = vector.broadcast %add3A_493 : i32 to vector<16xi32>
    %add3A_495 = arith.addi %iota3A_492, %add3A_494 : vector<16xi32>
    %min3A_496 = arith.constant 99 : i32
    %min3A_497 = vector.broadcast %min3A_496 : i32 to vector<16xi32>
    %min3A_498 = arith.minsi %add3A_495, %min3A_497 : vector<16xi32>
    %mul3A_499 = arith.constant 2 : i32
    %mul3A_500 = vector.broadcast %mul3A_499 : i32 to vector<16xi32>
    %mul3A_501 = arith.muli %min3A_498, %mul3A_500 : vector<16xi32>
    %add3A_502 = arith.constant 1 : i32
    %add3A_503 = vector.broadcast %add3A_502 : i32 to vector<16xi32>
    %add3A_504 = arith.addi %mul3A_501, %add3A_503 : vector<16xi32>
    %gather3A_505 = tpu.vector_load_idx %arg16[%add3A_504] : memref<200xi32, #tpu.memory_space<vmem>>[vector<16xi32>], vector<16xi32>,
    %iota3A_506 = tpu.iota {dimensions = array<i32: 0>} : vector<16xi32>
    %add3A_507 = arith.constant 64 : i32
    %add3A_508 = vector.broadcast %add3A_507 : i32 to vector<16xi32>
    %add3A_509 = arith.addi %iota3A_506, %add3A_508 : vector<16xi32>
    %min3A_510 = arith.constant 99 : i32
    %min3A_511 = vector.broadcast %min3A_510 : i32 to vector<16xi32>
    %min3A_512 = arith.minsi %add3A_509, %min3A_511 : vector<16xi32>
    %mul3A_513 = arith.constant 2 : i32
    %mul3A_514 = vector.broadcast %mul3A_513 : i32 to vector<16xi32>
    %mul3A_515 = arith.muli %min3A_512, %mul3A_514 : vector<16xi32>
    %add3A_516 = arith.constant 1 : i32
    %add3A_517 = vector.broadcast %add3A_516 : i32 to vector<16xi32>
    %add3A_518 = arith.addi %mul3A_515, %add3A_517 : vector<16xi32>
    %gather3A_519 = tpu.vector_load_idx %arg16[%add3A_518] : memref<200xi32, #tpu.memory_space<vmem>>[vector<16xi32>], vector<16xi32>,
    %iota3A_520 = tpu.iota {dimensions = array<i32: 0>} : vector<16xi32>
    %add3A_521 = arith.constant 80 : i32
    %add3A_522 = vector.broadcast %add3A_521 : i32 to vector<16xi32>
    %add3A_523 = arith.addi %iota3A_520, %add3A_522 : vector<16xi32>
    %min3A_524 = arith.constant 99 : i32
    %min3A_525 = vector.broadcast %min3A_524 : i32 to vector<16xi32>
    %min3A_526 = arith.minsi %add3A_523, %min3A_525 : vector<16xi32>
    %mul3A_527 = arith.constant 2 : i32
    %mul3A_528 = vector.broadcast %mul3A_527 : i32 to vector<16xi32>
    %mul3A_529 = arith.muli %min3A_526, %mul3A_528 : vector<16xi32>
    %add3A_530 = arith.constant 1 : i32
    %add3A_531 = vector.broadcast %add3A_530 : i32 to vector<16xi32>
    %add3A_532 = arith.addi %mul3A_529, %add3A_531 : vector<16xi32>
    %gather3A_533 = tpu.vector_load_idx %arg16[%add3A_532] : memref<200xi32, #tpu.memory_space<vmem>>[vector<16xi32>], vector<16xi32>,
    %iota3A_534 = tpu.iota {dimensions = array<i32: 0>} : vector<16xi32>
    %add3A_535 = arith.constant 96 : i32
    %add3A_536 = vector.broadcast %add3A_535 : i32 to vector<16xi32>
    %add3A_537 = arith.addi %iota3A_534, %add3A_536 : vector<16xi32>
    %lt3A_538 = arith.constant 100 : i32
    %lt3A_539 = vector.broadcast %lt3A_538 : i32 to vector<16xi32>
    %lt3A_540 = arith.cmpi slt, %add3A_537, %lt3A_539 : vector<16xi32>
    %min3A_541 = arith.constant 99 : i32
    %min3A_542 = vector.broadcast %min3A_541 : i32 to vector<16xi32>
    %min3A_543 = arith.minsi %add3A_537, %min3A_542 : vector<16xi32>
    %mul3A_544 = arith.constant 2 : i32
    %mul3A_545 = vector.broadcast %mul3A_544 : i32 to vector<16xi32>
    %mul3A_546 = arith.muli %min3A_543, %mul3A_545 : vector<16xi32>
    %add3A_547 = arith.constant 1 : i32
    %add3A_548 = vector.broadcast %add3A_547 : i32 to vector<16xi32>
    %add3A_549 = arith.addi %mul3A_546, %add3A_548 : vector<16xi32>
    %gather3A_550 = tpu.vector_load_idx %arg16[%add3A_549] : memref<200xi32, #tpu.memory_space<vmem>>[vector<16xi32>], vector<16xi32>,
    %parallel_loop3A_551 = arith.constant 0 : i32
    %parallel_loop3A_552 = arith.constant 7 : i32
    %parallel_loop3A_553 = arith.constant 1 : i32
    scf.for %parallel_loop3A_811 = %parallel_loop3A_551 to %parallel_loop3A_552 step %parallel_loop3A_553  : i32 {
      %parallel_loop3A_812 = tpu.iota {dimensions = array<i32: 0>} : vector<16xi32>
      %parallel_loop3A_813 = arith.constant 16 : i32
      %parallel_loop3A_814 = arith.muli %parallel_loop3A_811, %parallel_loop3A_813 : i32
      %parallel_loop3A_815 = vector.broadcast %parallel_loop3A_814 : i32 to vector<16xi32>
      %parallel_loop3A_816 = arith.addi %parallel_loop3A_812, %parallel_loop3A_815 : vector<16xi32>
      %parallel_loop3A_817 = arith.constant 100 : i32
      %parallel_loop3A_818 = vector.broadcast %parallel_loop3A_817 : i32 to vector<16xi32>
      %parallel_loop3A_819 = arith.cmpi slt, %parallel_loop3A_816, %parallel_loop3A_818 : vector<16xi32>
      %parallel_loop3A_820 = arith.constant 99 : i32
      %parallel_loop3A_821 = vector.broadcast %parallel_loop3A_820 : i32 to vector<16xi32>
      %parallel_loop3A_822 = arith.minsi %parallel_loop3A_816, %parallel_loop3A_821 : vector<16xi32>
      %parallel_loop3A_823 = arith.constant 0 : i32
      %parallel_loop3A_824 = vector.broadcast %parallel_loop3A_823 : i32 to vector<16xi32>
      %parallel_loop3A_825 = arith.constant 0 : i32
      %parallel_loop3A_826 = vector.broadcast %parallel_loop3A_825 : i32 to vector<16xi32>
      %parallel_loop3A_827 = arith.addi %parallel_loop3A_824, %parallel_loop3A_826 : vector<16xi32>
      tpu.vector_store_idx %arg19[%parallel_loop3A_822], %parallel_loop3A_827 masked %parallel_loop3A_819 : memref<200xi32, #tpu.memory_space<vmem>>[vector<16xi32>], vector<16xi32>, vector<16xi1>
      %parallel_loop3A_828 = arith.constant 2 : i32
      %parallel_loop3A_829 = vector.broadcast %parallel_loop3A_828 : i32 to vector<16xi32>
      %parallel_loop3A_830 = arith.muli %parallel_loop3A_822, %parallel_loop3A_829 : vector<16xi32>
      %parallel_loop3A_831 = arith.constant 0 : i32
      %parallel_loop3A_832 = vector.broadcast %parallel_loop3A_831 : i32 to vector<16xi32>
      %parallel_loop3A_833 = arith.addi %parallel_loop3A_830, %parallel_loop3A_832 : vector<16xi32>
      %parallel_loop3A_834 = tpu.vector_load_idx %arg16[%parallel_loop3A_833] : memref<200xi32, #tpu.memory_space<vmem>>[vector<16xi32>], vector<16xi32>,
      %parallel_loop3A_835 = arith.constant 4 : i32
      %parallel_loop3A_836 = vector.broadcast %parallel_loop3A_835 : i32 to vector<16xi32>
      %parallel_loop3A_837 = arith.muli %parallel_loop3A_834, %parallel_loop3A_836 : vector<16xi32>
      %parallel_loop3A_838 = arith.constant 0 : i32
      %parallel_loop3A_839 = vector.broadcast %parallel_loop3A_838 : i32 to vector<16xi32>
      %parallel_loop3A_840 = arith.addi %parallel_loop3A_837, %parallel_loop3A_839 : vector<16xi32>
      %parallel_loop3A_841 = tpu.vector_load_idx %arg18[%parallel_loop3A_840] : memref<1200xf32, #tpu.memory_space<vmem>>[vector<16xi32>], vector<16xf32>,
      %parallel_loop3A_842 = arith.constant 4 : i32
      %parallel_loop3A_843 = vector.broadcast %parallel_loop3A_842 : i32 to vector<16xi32>
      %parallel_loop3A_844 = arith.muli %parallel_loop3A_834, %parallel_loop3A_843 : vector<16xi32>
      %parallel_loop3A_845 = arith.constant 1 : i32
      %parallel_loop3A_846 = vector.broadcast %parallel_loop3A_845 : i32 to vector<16xi32>
      %parallel_loop3A_847 = arith.addi %parallel_loop3A_844, %parallel_loop3A_846 : vector<16xi32>
      %parallel_loop3A_848 = tpu.vector_load_idx %arg18[%parallel_loop3A_847] : memref<1200xf32, #tpu.memory_space<vmem>>[vector<16xi32>], vector<16xf32>,
      %parallel_loop3A_849 = arith.constant 4 : i32
      %parallel_loop3A_850 = vector.broadcast %parallel_loop3A_849 : i32 to vector<16xi32>
      %parallel_loop3A_851 = arith.muli %parallel_loop3A_834, %parallel_loop3A_850 : vector<16xi32>
      %parallel_loop3A_852 = arith.constant 2 : i32
      %parallel_loop3A_853 = vector.broadcast %parallel_loop3A_852 : i32 to vector<16xi32>
      %parallel_loop3A_854 = arith.addi %parallel_loop3A_851, %parallel_loop3A_853 : vector<16xi32>
      %parallel_loop3A_855 = tpu.vector_load_idx %arg18[%parallel_loop3A_854] : memref<1200xf32, #tpu.memory_space<vmem>>[vector<16xi32>], vector<16xf32>,
      %parallel_loop3A_856 = arith.constant 4 : i32
      %parallel_loop3A_857 = vector.broadcast %parallel_loop3A_856 : i32 to vector<16xi32>
      %parallel_loop3A_858 = arith.muli %parallel_loop3A_834, %parallel_loop3A_857 : vector<16xi32>
      %parallel_loop3A_859 = arith.constant 3 : i32
      %parallel_loop3A_860 = vector.broadcast %parallel_loop3A_859 : i32 to vector<16xi32>
      %parallel_loop3A_861 = arith.addi %parallel_loop3A_858, %parallel_loop3A_860 : vector<16xi32>
      %parallel_loop3A_862 = tpu.vector_load_idx %arg18[%parallel_loop3A_861] : memref<1200xf32, #tpu.memory_space<vmem>>[vector<16xi32>], vector<16xf32>,
      %parallel_loop3A_863 = arith.constant 0 : i32
      %parallel_loop3A_864 = vector.broadcast %parallel_loop3A_863 : i32 to vector<16xi32>
      %parallel_loop3A_865 = arith.addi %parallel_loop3A_822, %parallel_loop3A_864 : vector<16xi32>
      %parallel_loop3A_866 = arith.constant 0 : i32
      %parallel_loop3A_867 = vector.broadcast %parallel_loop3A_866 : i32 to vector<16xi32>
      %parallel_loop3A_868 = arith.addi %parallel_loop3A_865, %parallel_loop3A_867 : vector<16xi32>
      %parallel_loop3A_869 = arith.constant 5.000000e-01 : f32
      %parallel_loop3A_870 = vector.broadcast %parallel_loop3A_869 : f32 to vector<16xf32>
      %parallel_loop3A_871 = arith.mulf %parallel_loop3A_870, %parallel_loop3A_855 : vector<16xf32>
      %parallel_loop3A_872 = arith.subf %parallel_loop3A_841, %parallel_loop3A_871 : vector<16xf32>
      %parallel_loop3A_873 = arith.mulf %parallel_loop3A_872, %gather3A_449 : vector<16xf32>
      tpu.vector_store_idx %arg20[%parallel_loop3A_868], %parallel_loop3A_873 masked %parallel_loop3A_819 : memref<800xf32, #tpu.memory_space<vmem>>[vector<16xi32>], vector<16xf32>, vector<16xi1>
      %parallel_loop3A_874 = arith.constant 200 : i32
      %parallel_loop3A_875 = vector.broadcast %parallel_loop3A_874 : i32 to vector<16xi32>
      %parallel_loop3A_876 = arith.addi %parallel_loop3A_865, %parallel_loop3A_875 : vector<16xi32>
      %parallel_loop3A_877 = arith.constant 5.000000e-01 : f32
      %parallel_loop3A_878 = vector.broadcast %parallel_loop3A_877 : f32 to vector<16xf32>
      %parallel_loop3A_879 = arith.mulf %parallel_loop3A_878, %parallel_loop3A_862 : vector<16xf32>
      %parallel_loop3A_880 = arith.subf %parallel_loop3A_848, %parallel_loop3A_879 : vector<16xf32>
      %parallel_loop3A_881 = arith.mulf %parallel_loop3A_880, %gather3A_438 : vector<16xf32>
      tpu.vector_store_idx %arg20[%parallel_loop3A_876], %parallel_loop3A_881 masked %parallel_loop3A_819 : memref<800xf32, #tpu.memory_space<vmem>>[vector<16xi32>], vector<16xf32>, vector<16xi1>
      %parallel_loop3A_882 = arith.constant 400 : i32
      %parallel_loop3A_883 = vector.broadcast %parallel_loop3A_882 : i32 to vector<16xi32>
      %parallel_loop3A_884 = arith.addi %parallel_loop3A_865, %parallel_loop3A_883 : vector<16xi32>
      %parallel_loop3A_885 = arith.constant 5.000000e-01 : f32
      %parallel_loop3A_886 = vector.broadcast %parallel_loop3A_885 : f32 to vector<16xf32>
      %parallel_loop3A_887 = arith.mulf %parallel_loop3A_886, %parallel_loop3A_855 : vector<16xf32>
      %parallel_loop3A_888 = arith.addf %parallel_loop3A_841, %parallel_loop3A_887 : vector<16xf32>
      %parallel_loop3A_889 = arith.mulf %parallel_loop3A_888, %gather3A_449 : vector<16xf32>
      tpu.vector_store_idx %arg20[%parallel_loop3A_884], %parallel_loop3A_889 masked %parallel_loop3A_819 : memref<800xf32, #tpu.memory_space<vmem>>[vector<16xi32>], vector<16xf32>, vector<16xi1>
      %parallel_loop3A_890 = arith.constant 600 : i32
      %parallel_loop3A_891 = vector.broadcast %parallel_loop3A_890 : i32 to vector<16xi32>
      %parallel_loop3A_892 = arith.addi %parallel_loop3A_865, %parallel_loop3A_891 : vector<16xi32>
      %parallel_loop3A_893 = arith.constant 5.000000e-01 : f32
      %parallel_loop3A_894 = vector.broadcast %parallel_loop3A_893 : f32 to vector<16xf32>
      %parallel_loop3A_895 = arith.mulf %parallel_loop3A_894, %parallel_loop3A_862 : vector<16xf32>
      %parallel_loop3A_896 = arith.addf %parallel_loop3A_848, %parallel_loop3A_895 : vector<16xf32>
      %parallel_loop3A_897 = arith.mulf %parallel_loop3A_896, %gather3A_438 : vector<16xf32>
      tpu.vector_store_idx %arg20[%parallel_loop3A_892], %parallel_loop3A_897 masked %parallel_loop3A_819 : memref<800xf32, #tpu.memory_space<vmem>>[vector<16xi32>], vector<16xf32>, vector<16xi1>
      %parallel_loop3A_898 = arith.constant 2 : i32
      %parallel_loop3A_899 = vector.broadcast %parallel_loop3A_898 : i32 to vector<16xi32>
      %parallel_loop3A_900 = arith.muli %parallel_loop3A_822, %parallel_loop3A_899 : vector<16xi32>
      %parallel_loop3A_901 = arith.constant 1 : i32
      %parallel_loop3A_902 = vector.broadcast %parallel_loop3A_901 : i32 to vector<16xi32>
      %parallel_loop3A_903 = arith.addi %parallel_loop3A_900, %parallel_loop3A_902 : vector<16xi32>
      %parallel_loop3A_904 = tpu.vector_load_idx %arg16[%parallel_loop3A_903] : memref<200xi32, #tpu.memory_space<vmem>>[vector<16xi32>], vector<16xi32>,
      %parallel_loop3A_905 = arith.constant 4 : i32
      %parallel_loop3A_906 = vector.broadcast %parallel_loop3A_905 : i32 to vector<16xi32>
      %parallel_loop3A_907 = arith.muli %parallel_loop3A_904, %parallel_loop3A_906 : vector<16xi32>
      %parallel_loop3A_908 = arith.constant 0 : i32
      %parallel_loop3A_909 = vector.broadcast %parallel_loop3A_908 : i32 to vector<16xi32>
      %parallel_loop3A_910 = arith.addi %parallel_loop3A_907, %parallel_loop3A_909 : vector<16xi32>
      %parallel_loop3A_911 = tpu.vector_load_idx %arg18[%parallel_loop3A_910] : memref<1200xf32, #tpu.memory_space<vmem>>[vector<16xi32>], vector<16xf32>,
      %parallel_loop3A_912 = arith.constant 4 : i32
      %parallel_loop3A_913 = vector.broadcast %parallel_loop3A_912 : i32 to vector<16xi32>
      %parallel_loop3A_914 = arith.muli %parallel_loop3A_904, %parallel_loop3A_913 : vector<16xi32>
      %parallel_loop3A_915 = arith.constant 1 : i32
      %parallel_loop3A_916 = vector.broadcast %parallel_loop3A_915 : i32 to vector<16xi32>
      %parallel_loop3A_917 = arith.addi %parallel_loop3A_914, %parallel_loop3A_916 : vector<16xi32>
      %parallel_loop3A_918 = tpu.vector_load_idx %arg18[%parallel_loop3A_917] : memref<1200xf32, #tpu.memory_space<vmem>>[vector<16xi32>], vector<16xf32>,
      %parallel_loop3A_919 = arith.constant 4 : i32
      %parallel_loop3A_920 = vector.broadcast %parallel_loop3A_919 : i32 to vector<16xi32>
      %parallel_loop3A_921 = arith.muli %parallel_loop3A_904, %parallel_loop3A_920 : vector<16xi32>
      %parallel_loop3A_922 = arith.constant 2 : i32
      %parallel_loop3A_923 = vector.broadcast %parallel_loop3A_922 : i32 to vector<16xi32>
      %parallel_loop3A_924 = arith.addi %parallel_loop3A_921, %parallel_loop3A_923 : vector<16xi32>
      %parallel_loop3A_925 = tpu.vector_load_idx %arg18[%parallel_loop3A_924] : memref<1200xf32, #tpu.memory_space<vmem>>[vector<16xi32>], vector<16xf32>,
      %parallel_loop3A_926 = arith.constant 4 : i32
      %parallel_loop3A_927 = vector.broadcast %parallel_loop3A_926 : i32 to vector<16xi32>
      %parallel_loop3A_928 = arith.muli %parallel_loop3A_904, %parallel_loop3A_927 : vector<16xi32>
      %parallel_loop3A_929 = arith.constant 3 : i32
      %parallel_loop3A_930 = vector.broadcast %parallel_loop3A_929 : i32 to vector<16xi32>
      %parallel_loop3A_931 = arith.addi %parallel_loop3A_928, %parallel_loop3A_930 : vector<16xi32>
      %parallel_loop3A_932 = tpu.vector_load_idx %arg18[%parallel_loop3A_931] : memref<1200xf32, #tpu.memory_space<vmem>>[vector<16xi32>], vector<16xf32>,
      %parallel_loop3A_933 = arith.constant 100 : i32
      %parallel_loop3A_934 = vector.broadcast %parallel_loop3A_933 : i32 to vector<16xi32>
      %parallel_loop3A_935 = arith.addi %parallel_loop3A_822, %parallel_loop3A_934 : vector<16xi32>
      %parallel_loop3A_936 = arith.constant 0 : i32
      %parallel_loop3A_937 = vector.broadcast %parallel_loop3A_936 : i32 to vector<16xi32>
      %parallel_loop3A_938 = arith.addi %parallel_loop3A_935, %parallel_loop3A_937 : vector<16xi32>
      %parallel_loop3A_939 = arith.constant 5.000000e-01 : f32
      %parallel_loop3A_940 = vector.broadcast %parallel_loop3A_939 : f32 to vector<16xf32>
      %parallel_loop3A_941 = arith.mulf %parallel_loop3A_940, %parallel_loop3A_925 : vector<16xf32>
      %parallel_loop3A_942 = arith.subf %parallel_loop3A_911, %parallel_loop3A_941 : vector<16xf32>
      %parallel_loop3A_943 = arith.mulf %parallel_loop3A_942, %gather3A_449 : vector<16xf32>
      tpu.vector_store_idx %arg20[%parallel_loop3A_938], %parallel_loop3A_943 masked %parallel_loop3A_819 : memref<800xf32, #tpu.memory_space<vmem>>[vector<16xi32>], vector<16xf32>, vector<16xi1>
      %parallel_loop3A_944 = arith.constant 200 : i32
      %parallel_loop3A_945 = vector.broadcast %parallel_loop3A_944 : i32 to vector<16xi32>
      %parallel_loop3A_946 = arith.addi %parallel_loop3A_935, %parallel_loop3A_945 : vector<16xi32>
      %parallel_loop3A_947 = arith.constant 5.000000e-01 : f32
      %parallel_loop3A_948 = vector.broadcast %parallel_loop3A_947 : f32 to vector<16xf32>
      %parallel_loop3A_949 = arith.mulf %parallel_loop3A_948, %parallel_loop3A_932 : vector<16xf32>
      %parallel_loop3A_950 = arith.subf %parallel_loop3A_918, %parallel_loop3A_949 : vector<16xf32>
      %parallel_loop3A_951 = arith.mulf %parallel_loop3A_950, %gather3A_438 : vector<16xf32>
      tpu.vector_store_idx %arg20[%parallel_loop3A_946], %parallel_loop3A_951 masked %parallel_loop3A_819 : memref<800xf32, #tpu.memory_space<vmem>>[vector<16xi32>], vector<16xf32>, vector<16xi1>
      %parallel_loop3A_952 = arith.constant 400 : i32
      %parallel_loop3A_953 = vector.broadcast %parallel_loop3A_952 : i32 to vector<16xi32>
      %parallel_loop3A_954 = arith.addi %parallel_loop3A_935, %parallel_loop3A_953 : vector<16xi32>
      %parallel_loop3A_955 = arith.constant 5.000000e-01 : f32
      %parallel_loop3A_956 = vector.broadcast %parallel_loop3A_955 : f32 to vector<16xf32>
      %parallel_loop3A_957 = arith.mulf %parallel_loop3A_956, %parallel_loop3A_925 : vector<16xf32>
      %parallel_loop3A_958 = arith.addf %parallel_loop3A_911, %parallel_loop3A_957 : vector<16xf32>
      %parallel_loop3A_959 = arith.mulf %parallel_loop3A_958, %gather3A_449 : vector<16xf32>
      tpu.vector_store_idx %arg20[%parallel_loop3A_954], %parallel_loop3A_959 masked %parallel_loop3A_819 : memref<800xf32, #tpu.memory_space<vmem>>[vector<16xi32>], vector<16xf32>, vector<16xi1>
      %parallel_loop3A_960 = arith.constant 600 : i32
      %parallel_loop3A_961 = vector.broadcast %parallel_loop3A_960 : i32 to vector<16xi32>
      %parallel_loop3A_962 = arith.addi %parallel_loop3A_935, %parallel_loop3A_961 : vector<16xi32>
      %parallel_loop3A_963 = arith.constant 5.000000e-01 : f32
      %parallel_loop3A_964 = vector.broadcast %parallel_loop3A_963 : f32 to vector<16xf32>
      %parallel_loop3A_965 = arith.mulf %parallel_loop3A_964, %parallel_loop3A_932 : vector<16xf32>
      %parallel_loop3A_966 = arith.addf %parallel_loop3A_918, %parallel_loop3A_965 : vector<16xf32>
      %parallel_loop3A_967 = arith.mulf %parallel_loop3A_966, %gather3A_438 : vector<16xf32>
      tpu.vector_store_idx %arg20[%parallel_loop3A_962], %parallel_loop3A_967 masked %parallel_loop3A_819 : memref<800xf32, #tpu.memory_space<vmem>>[vector<16xi32>], vector<16xf32>, vector<16xi1>
    } {sc.loop_unroll_factor = 1 : i64, sc.parallel_access}
    %broadcast_in_dim3A_554 = arith.constant 0.000000e+00 : f32
    %broadcast_in_dim3A_555 = vector.broadcast %broadcast_in_dim3A_554 : f32 to vector<16xf32>
    %add3A_556 = arith.constant 0xFF800000 : f32
    %add3A_557 = vector.broadcast %add3A_556 : f32 to vector<16xf32>
    %add3A_558 = arith.addf %broadcast_in_dim3A_555, %add3A_557 : vector<16xf32>
    %broadcast_in_dim3A_559 = arith.constant 0.000000e+00 : f32
    %broadcast_in_dim3A_560 = vector.broadcast %broadcast_in_dim3A_559 : f32 to vector<16xf32>
    %add3A_561 = arith.constant 0xFF800000 : f32
    %add3A_562 = vector.broadcast %add3A_561 : f32 to vector<16xf32>
    %add3A_563 = arith.addf %broadcast_in_dim3A_560, %add3A_562 : vector<16xf32>
    %broadcast_in_dim3A_564 = arith.constant 0.000000e+00 : f32
    %broadcast_in_dim3A_565 = vector.broadcast %broadcast_in_dim3A_564 : f32 to vector<16xf32>
    %add3A_566 = arith.constant 0xFF800000 : f32
    %add3A_567 = vector.broadcast %add3A_566 : f32 to vector<16xf32>
    %add3A_568 = arith.addf %broadcast_in_dim3A_565, %add3A_567 : vector<16xf32>
    %broadcast_in_dim3A_569 = arith.constant 0.000000e+00 : f32
    %broadcast_in_dim3A_570 = vector.broadcast %broadcast_in_dim3A_569 : f32 to vector<16xf32>
    %add3A_571 = arith.constant 0xFF800000 : f32
    %add3A_572 = vector.broadcast %add3A_571 : f32 to vector<16xf32>
    %add3A_573 = arith.addf %broadcast_in_dim3A_570, %add3A_572 : vector<16xf32>
    %broadcast_in_dim3A_574 = arith.constant 0.000000e+00 : f32
    %broadcast_in_dim3A_575 = vector.broadcast %broadcast_in_dim3A_574 : f32 to vector<16xf32>
    %add3A_576 = arith.constant 0xFF800000 : f32
    %add3A_577 = vector.broadcast %add3A_576 : f32 to vector<16xf32>
    %add3A_578 = arith.addf %broadcast_in_dim3A_575, %add3A_577 : vector<16xf32>
    %broadcast_in_dim3A_579 = arith.constant 0.000000e+00 : f32
    %broadcast_in_dim3A_580 = vector.broadcast %broadcast_in_dim3A_579 : f32 to vector<16xf32>
    %add3A_581 = arith.constant 0xFF800000 : f32
    %add3A_582 = vector.broadcast %add3A_581 : f32 to vector<16xf32>
    %add3A_583 = arith.addf %broadcast_in_dim3A_580, %add3A_582 : vector<16xf32>
    %broadcast_in_dim3A_584 = arith.constant 0.000000e+00 : f32
    %broadcast_in_dim3A_585 = vector.broadcast %broadcast_in_dim3A_584 : f32 to vector<16xf32>
    %add3A_586 = arith.constant 0xFF800000 : f32
    %add3A_587 = vector.broadcast %add3A_586 : f32 to vector<16xf32>
    %add3A_588 = arith.addf %broadcast_in_dim3A_585, %add3A_587 : vector<16xf32>
    %broadcast_in_dim3A_589 = arith.constant 0 : i32
    %broadcast_in_dim3A_590 = vector.broadcast %broadcast_in_dim3A_589 : i32 to vector<16xi32>
    %add3A_591 = arith.constant 0 : i32
    %add3A_592 = vector.broadcast %add3A_591 : i32 to vector<16xi32>
    %add3A_593 = arith.addi %broadcast_in_dim3A_590, %add3A_592 : vector<16xi32>
    %broadcast_in_dim3A_594 = arith.constant 0 : i32
    %broadcast_in_dim3A_595 = vector.broadcast %broadcast_in_dim3A_594 : i32 to vector<16xi32>
    %add3A_596 = arith.constant 0 : i32
    %add3A_597 = vector.broadcast %add3A_596 : i32 to vector<16xi32>
    %add3A_598 = arith.addi %broadcast_in_dim3A_595, %add3A_597 : vector<16xi32>
    %broadcast_in_dim3A_599 = arith.constant 0 : i32
    %broadcast_in_dim3A_600 = vector.broadcast %broadcast_in_dim3A_599 : i32 to vector<16xi32>
    %add3A_601 = arith.constant 0 : i32
    %add3A_602 = vector.broadcast %add3A_601 : i32 to vector<16xi32>
    %add3A_603 = arith.addi %broadcast_in_dim3A_600, %add3A_602 : vector<16xi32>
    %broadcast_in_dim3A_604 = arith.constant 0 : i32
    %broadcast_in_dim3A_605 = vector.broadcast %broadcast_in_dim3A_604 : i32 to vector<16xi32>
    %add3A_606 = arith.constant 0 : i32
    %add3A_607 = vector.broadcast %add3A_606 : i32 to vector<16xi32>
    %add3A_608 = arith.addi %broadcast_in_dim3A_605, %add3A_607 : vector<16xi32>
    %broadcast_in_dim3A_609 = arith.constant 0 : i32
    %broadcast_in_dim3A_610 = vector.broadcast %broadcast_in_dim3A_609 : i32 to vector<16xi32>
    %add3A_611 = arith.constant 0 : i32
    %add3A_612 = vector.broadcast %add3A_611 : i32 to vector<16xi32>
    %add3A_613 = arith.addi %broadcast_in_dim3A_610, %add3A_612 : vector<16xi32>
    %broadcast_in_dim3A_614 = arith.constant 0 : i32
    %broadcast_in_dim3A_615 = vector.broadcast %broadcast_in_dim3A_614 : i32 to vector<16xi32>
    %add3A_616 = arith.constant 0 : i32
    %add3A_617 = vector.broadcast %add3A_616 : i32 to vector<16xi32>
    %add3A_618 = arith.addi %broadcast_in_dim3A_615, %add3A_617 : vector<16xi32>
    %broadcast_in_dim3A_619 = arith.constant 0 : i32
    %broadcast_in_dim3A_620 = vector.broadcast %broadcast_in_dim3A_619 : i32 to vector<16xi32>
    %add3A_621 = arith.constant 0 : i32
    %add3A_622 = vector.broadcast %add3A_621 : i32 to vector<16xi32>
    %add3A_623 = arith.addi %broadcast_in_dim3A_620, %add3A_622 : vector<16xi32>
    %parallel_loop3A_624 = arith.constant 0 : i32
    %parallel_loop3A_625 = arith.constant 80 : i32
    %parallel_loop3A_626 = arith.constant 1 : i32
    %parallel_loop3A_627:14 = scf.for %parallel_loop3A_811 = %parallel_loop3A_624 to %parallel_loop3A_625 step %parallel_loop3A_626 iter_args(%parallel_loop3A_812 = %add3A_558, %parallel_loop3A_813 = %add3A_563, %parallel_loop3A_814 = %add3A_568, %parallel_loop3A_815 = %add3A_573, %parallel_loop3A_816 = %add3A_578, %parallel_loop3A_817 = %add3A_583, %parallel_loop3A_818 = %add3A_588, %parallel_loop3A_819 = %add3A_593, %parallel_loop3A_820 = %add3A_598, %parallel_loop3A_821 = %add3A_603, %parallel_loop3A_822 = %add3A_608, %parallel_loop3A_823 = %add3A_613, %parallel_loop3A_824 = %add3A_618, %parallel_loop3A_825 = %add3A_623) -> (vector<16xf32>, vector<16xf32>, vector<16xf32>, vector<16xf32>, vector<16xf32>, vector<16xf32>, vector<16xf32>, vector<16xi32>, vector<16xi32>, vector<16xi32>, vector<16xi32>, vector<16xi32>, vector<16xi32>, vector<16xi32>)  : i32 {
      %parallel_loop3A_826 = arith.constant 0 : i32
      %parallel_loop3A_827 = vector.broadcast %parallel_loop3A_826 : i32 to vector<16xi32>
      %parallel_loop3A_828 = vector.broadcast %parallel_loop3A_811 : i32 to vector<16xi32>
      %parallel_loop3A_829 = arith.addi %parallel_loop3A_827, %parallel_loop3A_828 : vector<16xi32>
      %parallel_loop3A_830 = tpu.vector_load_idx %arg17[%parallel_loop3A_829, %gather3A_463] : memref<92x300xf32, #tpu.memory_space<vmem>>[vector<16xi32>, vector<16xi32>], vector<16xf32>,
      %parallel_loop3A_831 = arith.cmpf ogt, %parallel_loop3A_830, %parallel_loop3A_812 : vector<16xf32>
      %parallel_loop3A_832 = arith.select %parallel_loop3A_831, %parallel_loop3A_830, %parallel_loop3A_812 : vector<16xi1>, vector<16xf32>
      %parallel_loop3A_833 = arith.select %parallel_loop3A_831, %parallel_loop3A_829, %parallel_loop3A_819 : vector<16xi1>, vector<16xi32>
      %parallel_loop3A_834 = tpu.vector_load_idx %arg17[%parallel_loop3A_829, %gather3A_477] : memref<92x300xf32, #tpu.memory_space<vmem>>[vector<16xi32>, vector<16xi32>], vector<16xf32>,
      %parallel_loop3A_835 = arith.cmpf ogt, %parallel_loop3A_834, %parallel_loop3A_813 : vector<16xf32>
      %parallel_loop3A_836 = arith.select %parallel_loop3A_835, %parallel_loop3A_834, %parallel_loop3A_813 : vector<16xi1>, vector<16xf32>
      %parallel_loop3A_837 = arith.select %parallel_loop3A_835, %parallel_loop3A_829, %parallel_loop3A_820 : vector<16xi1>, vector<16xi32>
      %parallel_loop3A_838 = tpu.vector_load_idx %arg17[%parallel_loop3A_829, %gather3A_491] : memref<92x300xf32, #tpu.memory_space<vmem>>[vector<16xi32>, vector<16xi32>], vector<16xf32>,
      %parallel_loop3A_839 = arith.cmpf ogt, %parallel_loop3A_838, %parallel_loop3A_814 : vector<16xf32>
      %parallel_loop3A_840 = arith.select %parallel_loop3A_839, %parallel_loop3A_838, %parallel_loop3A_814 : vector<16xi1>, vector<16xf32>
      %parallel_loop3A_841 = arith.select %parallel_loop3A_839, %parallel_loop3A_829, %parallel_loop3A_821 : vector<16xi1>, vector<16xi32>
      %parallel_loop3A_842 = tpu.vector_load_idx %arg17[%parallel_loop3A_829, %gather3A_505] : memref<92x300xf32, #tpu.memory_space<vmem>>[vector<16xi32>, vector<16xi32>], vector<16xf32>,
      %parallel_loop3A_843 = arith.cmpf ogt, %parallel_loop3A_842, %parallel_loop3A_815 : vector<16xf32>
      %parallel_loop3A_844 = arith.select %parallel_loop3A_843, %parallel_loop3A_842, %parallel_loop3A_815 : vector<16xi1>, vector<16xf32>
      %parallel_loop3A_845 = arith.select %parallel_loop3A_843, %parallel_loop3A_829, %parallel_loop3A_822 : vector<16xi1>, vector<16xi32>
      %parallel_loop3A_846 = tpu.vector_load_idx %arg17[%parallel_loop3A_829, %gather3A_519] : memref<92x300xf32, #tpu.memory_space<vmem>>[vector<16xi32>, vector<16xi32>], vector<16xf32>,
      %parallel_loop3A_847 = arith.cmpf ogt, %parallel_loop3A_846, %parallel_loop3A_816 : vector<16xf32>
      %parallel_loop3A_848 = arith.select %parallel_loop3A_847, %parallel_loop3A_846, %parallel_loop3A_816 : vector<16xi1>, vector<16xf32>
      %parallel_loop3A_849 = arith.select %parallel_loop3A_847, %parallel_loop3A_829, %parallel_loop3A_823 : vector<16xi1>, vector<16xi32>
      %parallel_loop3A_850 = tpu.vector_load_idx %arg17[%parallel_loop3A_829, %gather3A_533] : memref<92x300xf32, #tpu.memory_space<vmem>>[vector<16xi32>, vector<16xi32>], vector<16xf32>,
      %parallel_loop3A_851 = arith.cmpf ogt, %parallel_loop3A_850, %parallel_loop3A_817 : vector<16xf32>
      %parallel_loop3A_852 = arith.select %parallel_loop3A_851, %parallel_loop3A_850, %parallel_loop3A_817 : vector<16xi1>, vector<16xf32>
      %parallel_loop3A_853 = arith.select %parallel_loop3A_851, %parallel_loop3A_829, %parallel_loop3A_824 : vector<16xi1>, vector<16xi32>
      %parallel_loop3A_854 = tpu.vector_load_idx %arg17[%parallel_loop3A_829, %gather3A_550] : memref<92x300xf32, #tpu.memory_space<vmem>>[vector<16xi32>, vector<16xi32>], vector<16xf32>,
      %parallel_loop3A_855 = arith.cmpf ogt, %parallel_loop3A_854, %parallel_loop3A_818 : vector<16xf32>
      %parallel_loop3A_856 = arith.select %parallel_loop3A_855, %parallel_loop3A_854, %parallel_loop3A_818 : vector<16xi1>, vector<16xf32>
      %parallel_loop3A_857 = arith.select %parallel_loop3A_855, %parallel_loop3A_829, %parallel_loop3A_825 : vector<16xi1>, vector<16xi32>
      scf.yield %parallel_loop3A_832, %parallel_loop3A_836, %parallel_loop3A_840, %parallel_loop3A_844, %parallel_loop3A_848, %parallel_loop3A_852, %parallel_loop3A_856, %parallel_loop3A_833, %parallel_loop3A_837, %parallel_loop3A_841, %parallel_loop3A_845, %parallel_loop3A_849, %parallel_loop3A_853, %parallel_loop3A_857 : vector<16xf32>, vector<16xf32>, vector<16xf32>, vector<16xf32>, vector<16xf32>, vector<16xf32>, vector<16xf32>, vector<16xi32>, vector<16xi32>, vector<16xi32>, vector<16xi32>, vector<16xi32>, vector<16xi32>, vector<16xi32>
    } {sc.loop_unroll_factor = 4 : i64, sc.parallel_access}
    %broadcast_in_dim3A_628 = arith.constant 0 : i32
    %broadcast_in_dim3A_629 = vector.broadcast %broadcast_in_dim3A_628 : i32 to vector<16xi32>
    %add3A_630 = arith.constant 80 : i32
    %add3A_631 = vector.broadcast %add3A_630 : i32 to vector<16xi32>
    %add3A_632 = arith.addi %broadcast_in_dim3A_629, %add3A_631 : vector<16xi32>
    %gather3A_633 = tpu.vector_load_idx %arg17[%add3A_632, %gather3A_463] : memref<92x300xf32, #tpu.memory_space<vmem>>[vector<16xi32>, vector<16xi32>], vector<16xf32>,
    %max3A_634 = arith.maximumf %parallel_loop3A_627#0, %gather3A_633 : vector<16xf32>
    %broadcast_in_dim3A_635 = arith.constant 0 : i32
    %broadcast_in_dim3A_636 = vector.broadcast %broadcast_in_dim3A_635 : i32 to vector<16xi32>
    %add3A_637 = arith.constant 80 : i32
    %add3A_638 = vector.broadcast %add3A_637 : i32 to vector<16xi32>
    %add3A_639 = arith.addi %broadcast_in_dim3A_636, %add3A_638 : vector<16xi32>
    %gather3A_640 = tpu.vector_load_idx %arg17[%add3A_639, %gather3A_477] : memref<92x300xf32, #tpu.memory_space<vmem>>[vector<16xi32>, vector<16xi32>], vector<16xf32>,
    %max3A_641 = arith.maximumf %parallel_loop3A_627#1, %gather3A_640 : vector<16xf32>
    %broadcast_in_dim3A_642 = arith.constant 0 : i32
    %broadcast_in_dim3A_643 = vector.broadcast %broadcast_in_dim3A_642 : i32 to vector<16xi32>
    %add3A_644 = arith.constant 80 : i32
    %add3A_645 = vector.broadcast %add3A_644 : i32 to vector<16xi32>
    %add3A_646 = arith.addi %broadcast_in_dim3A_643, %add3A_645 : vector<16xi32>
    %gather3A_647 = tpu.vector_load_idx %arg17[%add3A_646, %gather3A_491] : memref<92x300xf32, #tpu.memory_space<vmem>>[vector<16xi32>, vector<16xi32>], vector<16xf32>,
    %max3A_648 = arith.maximumf %parallel_loop3A_627#2, %gather3A_647 : vector<16xf32>
    %broadcast_in_dim3A_649 = arith.constant 0 : i32
    %broadcast_in_dim3A_650 = vector.broadcast %broadcast_in_dim3A_649 : i32 to vector<16xi32>
    %add3A_651 = arith.constant 80 : i32
    %add3A_652 = vector.broadcast %add3A_651 : i32 to vector<16xi32>
    %add3A_653 = arith.addi %broadcast_in_dim3A_650, %add3A_652 : vector<16xi32>
    %gather3A_654 = tpu.vector_load_idx %arg17[%add3A_653, %gather3A_505] : memref<92x300xf32, #tpu.memory_space<vmem>>[vector<16xi32>, vector<16xi32>], vector<16xf32>,
    %max3A_655 = arith.maximumf %parallel_loop3A_627#3, %gather3A_654 : vector<16xf32>
    %broadcast_in_dim3A_656 = arith.constant 0 : i32
    %broadcast_in_dim3A_657 = vector.broadcast %broadcast_in_dim3A_656 : i32 to vector<16xi32>
    %add3A_658 = arith.constant 80 : i32
    %add3A_659 = vector.broadcast %add3A_658 : i32 to vector<16xi32>
    %add3A_660 = arith.addi %broadcast_in_dim3A_657, %add3A_659 : vector<16xi32>
    %gather3A_661 = tpu.vector_load_idx %arg17[%add3A_660, %gather3A_519] : memref<92x300xf32, #tpu.memory_space<vmem>>[vector<16xi32>, vector<16xi32>], vector<16xf32>,
    %max3A_662 = arith.maximumf %parallel_loop3A_627#4, %gather3A_661 : vector<16xf32>
    %broadcast_in_dim3A_663 = arith.constant 0 : i32
    %broadcast_in_dim3A_664 = vector.broadcast %broadcast_in_dim3A_663 : i32 to vector<16xi32>
    %add3A_665 = arith.constant 80 : i32
    %add3A_666 = vector.broadcast %add3A_665 : i32 to vector<16xi32>
    %add3A_667 = arith.addi %broadcast_in_dim3A_664, %add3A_666 : vector<16xi32>
    %gather3A_668 = tpu.vector_load_idx %arg17[%add3A_667, %gather3A_533] : memref<92x300xf32, #tpu.memory_space<vmem>>[vector<16xi32>, vector<16xi32>], vector<16xf32>,
    %max3A_669 = arith.maximumf %parallel_loop3A_627#5, %gather3A_668 : vector<16xf32>
    %broadcast_in_dim3A_670 = arith.constant 0 : i32
    %broadcast_in_dim3A_671 = vector.broadcast %broadcast_in_dim3A_670 : i32 to vector<16xi32>
    %add3A_672 = arith.constant 80 : i32
    %add3A_673 = vector.broadcast %add3A_672 : i32 to vector<16xi32>
    %add3A_674 = arith.addi %broadcast_in_dim3A_671, %add3A_673 : vector<16xi32>
    %gather3A_675 = tpu.vector_load_idx %arg17[%add3A_674, %gather3A_550] : memref<92x300xf32, #tpu.memory_space<vmem>>[vector<16xi32>, vector<16xi32>], vector<16xf32>,
    %max3A_676 = arith.maximumf %parallel_loop3A_627#6, %gather3A_675 : vector<16xf32>
    %broadcast_in_dim3A_677 = arith.constant 0.000000e+00 : f32
    %broadcast_in_dim3A_678 = vector.broadcast %broadcast_in_dim3A_677 : f32 to vector<16xf32>
    %add3A_679 = arith.constant 0.000000e+00 : f32
    %add3A_680 = vector.broadcast %add3A_679 : f32 to vector<16xf32>
    %add3A_681 = arith.addf %broadcast_in_dim3A_678, %add3A_680 : vector<16xf32>
    %broadcast_in_dim3A_682 = arith.constant 0.000000e+00 : f32
    %broadcast_in_dim3A_683 = vector.broadcast %broadcast_in_dim3A_682 : f32 to vector<16xf32>
    %add3A_684 = arith.constant 0.000000e+00 : f32
    %add3A_685 = vector.broadcast %add3A_684 : f32 to vector<16xf32>
    %add3A_686 = arith.addf %broadcast_in_dim3A_683, %add3A_685 : vector<16xf32>
    %broadcast_in_dim3A_687 = arith.constant 0.000000e+00 : f32
    %broadcast_in_dim3A_688 = vector.broadcast %broadcast_in_dim3A_687 : f32 to vector<16xf32>
    %add3A_689 = arith.constant 0.000000e+00 : f32
    %add3A_690 = vector.broadcast %add3A_689 : f32 to vector<16xf32>
    %add3A_691 = arith.addf %broadcast_in_dim3A_688, %add3A_690 : vector<16xf32>
    %broadcast_in_dim3A_692 = arith.constant 0.000000e+00 : f32
    %broadcast_in_dim3A_693 = vector.broadcast %broadcast_in_dim3A_692 : f32 to vector<16xf32>
    %add3A_694 = arith.constant 0.000000e+00 : f32
    %add3A_695 = vector.broadcast %add3A_694 : f32 to vector<16xf32>
    %add3A_696 = arith.addf %broadcast_in_dim3A_693, %add3A_695 : vector<16xf32>
    %broadcast_in_dim3A_697 = arith.constant 0.000000e+00 : f32
    %broadcast_in_dim3A_698 = vector.broadcast %broadcast_in_dim3A_697 : f32 to vector<16xf32>
    %add3A_699 = arith.constant 0.000000e+00 : f32
    %add3A_700 = vector.broadcast %add3A_699 : f32 to vector<16xf32>
    %add3A_701 = arith.addf %broadcast_in_dim3A_698, %add3A_700 : vector<16xf32>
    %broadcast_in_dim3A_702 = arith.constant 0.000000e+00 : f32
    %broadcast_in_dim3A_703 = vector.broadcast %broadcast_in_dim3A_702 : f32 to vector<16xf32>
    %add3A_704 = arith.constant 0.000000e+00 : f32
    %add3A_705 = vector.broadcast %add3A_704 : f32 to vector<16xf32>
    %add3A_706 = arith.addf %broadcast_in_dim3A_703, %add3A_705 : vector<16xf32>
    %broadcast_in_dim3A_707 = arith.constant 0.000000e+00 : f32
    %broadcast_in_dim3A_708 = vector.broadcast %broadcast_in_dim3A_707 : f32 to vector<16xf32>
    %add3A_709 = arith.constant 0.000000e+00 : f32
    %add3A_710 = vector.broadcast %add3A_709 : f32 to vector<16xf32>
    %add3A_711 = arith.addf %broadcast_in_dim3A_708, %add3A_710 : vector<16xf32>
    %parallel_loop3A_712 = arith.constant 0 : i32
    %parallel_loop3A_713 = arith.constant 81 : i32
    %parallel_loop3A_714 = arith.constant 1 : i32
    %parallel_loop3A_715:7 = scf.for %parallel_loop3A_811 = %parallel_loop3A_712 to %parallel_loop3A_713 step %parallel_loop3A_714 iter_args(%parallel_loop3A_812 = %add3A_681, %parallel_loop3A_813 = %add3A_686, %parallel_loop3A_814 = %add3A_691, %parallel_loop3A_815 = %add3A_696, %parallel_loop3A_816 = %add3A_701, %parallel_loop3A_817 = %add3A_706, %parallel_loop3A_818 = %add3A_711) -> (vector<16xf32>, vector<16xf32>, vector<16xf32>, vector<16xf32>, vector<16xf32>, vector<16xf32>, vector<16xf32>)  : i32 {
      %parallel_loop3A_819 = arith.constant 0 : i32
      %parallel_loop3A_820 = vector.broadcast %parallel_loop3A_819 : i32 to vector<16xi32>
      %parallel_loop3A_821 = vector.broadcast %parallel_loop3A_811 : i32 to vector<16xi32>
      %parallel_loop3A_822 = arith.addi %parallel_loop3A_820, %parallel_loop3A_821 : vector<16xi32>
      %parallel_loop3A_823 = tpu.vector_load_idx %arg17[%parallel_loop3A_822, %gather3A_463] : memref<92x300xf32, #tpu.memory_space<vmem>>[vector<16xi32>, vector<16xi32>], vector<16xf32>,
      %parallel_loop3A_824 = arith.subf %parallel_loop3A_823, %max3A_634 : vector<16xf32>
      %parallel_loop3A_825 = math.exp %parallel_loop3A_824 : vector<16xf32>
      %parallel_loop3A_826 = arith.addf %parallel_loop3A_812, %parallel_loop3A_825 : vector<16xf32>
      %parallel_loop3A_827 = tpu.vector_load_idx %arg17[%parallel_loop3A_822, %gather3A_477] : memref<92x300xf32, #tpu.memory_space<vmem>>[vector<16xi32>, vector<16xi32>], vector<16xf32>,
      %parallel_loop3A_828 = arith.subf %parallel_loop3A_827, %max3A_641 : vector<16xf32>
      %parallel_loop3A_829 = math.exp %parallel_loop3A_828 : vector<16xf32>
      %parallel_loop3A_830 = arith.addf %parallel_loop3A_813, %parallel_loop3A_829 : vector<16xf32>
      %parallel_loop3A_831 = tpu.vector_load_idx %arg17[%parallel_loop3A_822, %gather3A_491] : memref<92x300xf32, #tpu.memory_space<vmem>>[vector<16xi32>, vector<16xi32>], vector<16xf32>,
      %parallel_loop3A_832 = arith.subf %parallel_loop3A_831, %max3A_648 : vector<16xf32>
      %parallel_loop3A_833 = math.exp %parallel_loop3A_832 : vector<16xf32>
      %parallel_loop3A_834 = arith.addf %parallel_loop3A_814, %parallel_loop3A_833 : vector<16xf32>
      %parallel_loop3A_835 = tpu.vector_load_idx %arg17[%parallel_loop3A_822, %gather3A_505] : memref<92x300xf32, #tpu.memory_space<vmem>>[vector<16xi32>, vector<16xi32>], vector<16xf32>,
      %parallel_loop3A_836 = arith.subf %parallel_loop3A_835, %max3A_655 : vector<16xf32>
      %parallel_loop3A_837 = math.exp %parallel_loop3A_836 : vector<16xf32>
      %parallel_loop3A_838 = arith.addf %parallel_loop3A_815, %parallel_loop3A_837 : vector<16xf32>
      %parallel_loop3A_839 = tpu.vector_load_idx %arg17[%parallel_loop3A_822, %gather3A_519] : memref<92x300xf32, #tpu.memory_space<vmem>>[vector<16xi32>, vector<16xi32>], vector<16xf32>,
      %parallel_loop3A_840 = arith.subf %parallel_loop3A_839, %max3A_662 : vector<16xf32>
      %parallel_loop3A_841 = math.exp %parallel_loop3A_840 : vector<16xf32>
      %parallel_loop3A_842 = arith.addf %parallel_loop3A_816, %parallel_loop3A_841 : vector<16xf32>
      %parallel_loop3A_843 = tpu.vector_load_idx %arg17[%parallel_loop3A_822, %gather3A_533] : memref<92x300xf32, #tpu.memory_space<vmem>>[vector<16xi32>, vector<16xi32>], vector<16xf32>,
      %parallel_loop3A_844 = arith.subf %parallel_loop3A_843, %max3A_669 : vector<16xf32>
      %parallel_loop3A_845 = math.exp %parallel_loop3A_844 : vector<16xf32>
      %parallel_loop3A_846 = arith.addf %parallel_loop3A_817, %parallel_loop3A_845 : vector<16xf32>
      %parallel_loop3A_847 = tpu.vector_load_idx %arg17[%parallel_loop3A_822, %gather3A_550] : memref<92x300xf32, #tpu.memory_space<vmem>>[vector<16xi32>, vector<16xi32>], vector<16xf32>,
      %parallel_loop3A_848 = arith.subf %parallel_loop3A_847, %max3A_676 : vector<16xf32>
      %parallel_loop3A_849 = math.exp %parallel_loop3A_848 : vector<16xf32>
      %parallel_loop3A_850 = arith.addf %parallel_loop3A_818, %parallel_loop3A_849 : vector<16xf32>
      scf.yield %parallel_loop3A_826, %parallel_loop3A_830, %parallel_loop3A_834, %parallel_loop3A_838, %parallel_loop3A_842, %parallel_loop3A_846, %parallel_loop3A_850 : vector<16xf32>, vector<16xf32>, vector<16xf32>, vector<16xf32>, vector<16xf32>, vector<16xf32>, vector<16xf32>
    } {sc.loop_unroll_factor = 3 : i64, sc.parallel_access}
    %sub3A_716 = arith.subf %parallel_loop3A_627#0, %max3A_634 : vector<16xf32>
    %exp3A_717 = math.exp %sub3A_716 : vector<16xf32>
    %div3A_718 = arith.divf %exp3A_717, %parallel_loop3A_715#0 : vector<16xf32>
    %add3A_719 = arith.constant 100 : i32
    %add3A_720 = vector.broadcast %add3A_719 : i32 to vector<16xi32>
    %add3A_721 = arith.addi %min3A_456, %add3A_720 : vector<16xi32>
    tpu.vector_store_idx %arg10[%add3A_721], %div3A_718 : memref<200xf32, #tpu.memory_space<vmem>>[vector<16xi32>], vector<16xf32>,
    %add3A_722 = arith.constant 100 : i32
    %add3A_723 = vector.broadcast %add3A_722 : i32 to vector<16xi32>
    %add3A_724 = arith.addi %min3A_456, %add3A_723 : vector<16xi32>
    tpu.vector_store_idx %arg19[%add3A_724], %parallel_loop3A_627#7 : memref<200xi32, #tpu.memory_space<vmem>>[vector<16xi32>], vector<16xi32>,
    %sub3A_725 = arith.subf %parallel_loop3A_627#1, %max3A_641 : vector<16xf32>
    %exp3A_726 = math.exp %sub3A_725 : vector<16xf32>
    %div3A_727 = arith.divf %exp3A_726, %parallel_loop3A_715#1 : vector<16xf32>
    %add3A_728 = arith.constant 100 : i32
    %add3A_729 = vector.broadcast %add3A_728 : i32 to vector<16xi32>
    %add3A_730 = arith.addi %min3A_470, %add3A_729 : vector<16xi32>
    tpu.vector_store_idx %arg10[%add3A_730], %div3A_727 : memref<200xf32, #tpu.memory_space<vmem>>[vector<16xi32>], vector<16xf32>,
    %add3A_731 = arith.constant 100 : i32
    %add3A_732 = vector.broadcast %add3A_731 : i32 to vector<16xi32>
    %add3A_733 = arith.addi %min3A_470, %add3A_732 : vector<16xi32>
    tpu.vector_store_idx %arg19[%add3A_733], %parallel_loop3A_627#8 : memref<200xi32, #tpu.memory_space<vmem>>[vector<16xi32>], vector<16xi32>,
    %sub3A_734 = arith.subf %parallel_loop3A_627#2, %max3A_648 : vector<16xf32>
    %exp3A_735 = math.exp %sub3A_734 : vector<16xf32>
    %div3A_736 = arith.divf %exp3A_735, %parallel_loop3A_715#2 : vector<16xf32>
    %add3A_737 = arith.constant 100 : i32
    %add3A_738 = vector.broadcast %add3A_737 : i32 to vector<16xi32>
    %add3A_739 = arith.addi %min3A_484, %add3A_738 : vector<16xi32>
    tpu.vector_store_idx %arg10[%add3A_739], %div3A_736 : memref<200xf32, #tpu.memory_space<vmem>>[vector<16xi32>], vector<16xf32>,
    %add3A_740 = arith.constant 100 : i32
    %add3A_741 = vector.broadcast %add3A_740 : i32 to vector<16xi32>
    %add3A_742 = arith.addi %min3A_484, %add3A_741 : vector<16xi32>
    tpu.vector_store_idx %arg19[%add3A_742], %parallel_loop3A_627#9 : memref<200xi32, #tpu.memory_space<vmem>>[vector<16xi32>], vector<16xi32>,
    %sub3A_743 = arith.subf %parallel_loop3A_627#3, %max3A_655 : vector<16xf32>
    %exp3A_744 = math.exp %sub3A_743 : vector<16xf32>
    %div3A_745 = arith.divf %exp3A_744, %parallel_loop3A_715#3 : vector<16xf32>
    %add3A_746 = arith.constant 100 : i32
    %add3A_747 = vector.broadcast %add3A_746 : i32 to vector<16xi32>
    %add3A_748 = arith.addi %min3A_498, %add3A_747 : vector<16xi32>
    tpu.vector_store_idx %arg10[%add3A_748], %div3A_745 : memref<200xf32, #tpu.memory_space<vmem>>[vector<16xi32>], vector<16xf32>,
    %add3A_749 = arith.constant 100 : i32
    %add3A_750 = vector.broadcast %add3A_749 : i32 to vector<16xi32>
    %add3A_751 = arith.addi %min3A_498, %add3A_750 : vector<16xi32>
    tpu.vector_store_idx %arg19[%add3A_751], %parallel_loop3A_627#10 : memref<200xi32, #tpu.memory_space<vmem>>[vector<16xi32>], vector<16xi32>,
    %sub3A_752 = arith.subf %parallel_loop3A_627#4, %max3A_662 : vector<16xf32>
    %exp3A_753 = math.exp %sub3A_752 : vector<16xf32>
    %div3A_754 = arith.divf %exp3A_753, %parallel_loop3A_715#4 : vector<16xf32>
    %add3A_755 = arith.constant 100 : i32
    %add3A_756 = vector.broadcast %add3A_755 : i32 to vector<16xi32>
    %add3A_757 = arith.addi %min3A_512, %add3A_756 : vector<16xi32>
    tpu.vector_store_idx %arg10[%add3A_757], %div3A_754 : memref<200xf32, #tpu.memory_space<vmem>>[vector<16xi32>], vector<16xf32>,
    %add3A_758 = arith.constant 100 : i32
    %add3A_759 = vector.broadcast %add3A_758 : i32 to vector<16xi32>
    %add3A_760 = arith.addi %min3A_512, %add3A_759 : vector<16xi32>
    tpu.vector_store_idx %arg19[%add3A_760], %parallel_loop3A_627#11 : memref<200xi32, #tpu.memory_space<vmem>>[vector<16xi32>], vector<16xi32>,
    %sub3A_761 = arith.subf %parallel_loop3A_627#5, %max3A_669 : vector<16xf32>
    %exp3A_762 = math.exp %sub3A_761 : vector<16xf32>
    %div3A_763 = arith.divf %exp3A_762, %parallel_loop3A_715#5 : vector<16xf32>
    %add3A_764 = arith.constant 100 : i32
    %add3A_765 = vector.broadcast %add3A_764 : i32 to vector<16xi32>
    %add3A_766 = arith.addi %min3A_526, %add3A_765 : vector<16xi32>
    tpu.vector_store_idx %arg10[%add3A_766], %div3A_763 : memref<200xf32, #tpu.memory_space<vmem>>[vector<16xi32>], vector<16xf32>,
    %add3A_767 = arith.constant 100 : i32
    %add3A_768 = vector.broadcast %add3A_767 : i32 to vector<16xi32>
    %add3A_769 = arith.addi %min3A_526, %add3A_768 : vector<16xi32>
    tpu.vector_store_idx %arg19[%add3A_769], %parallel_loop3A_627#12 : memref<200xi32, #tpu.memory_space<vmem>>[vector<16xi32>], vector<16xi32>,
    %sub3A_770 = arith.subf %parallel_loop3A_627#6, %max3A_676 : vector<16xf32>
    %exp3A_771 = math.exp %sub3A_770 : vector<16xf32>
    %div3A_772 = arith.divf %exp3A_771, %parallel_loop3A_715#6 : vector<16xf32>
    %add3A_773 = arith.constant 100 : i32
    %add3A_774 = vector.broadcast %add3A_773 : i32 to vector<16xi32>
    %add3A_775 = arith.addi %min3A_543, %add3A_774 : vector<16xi32>
    tpu.vector_store_idx %arg10[%add3A_775], %div3A_772 masked %lt3A_540 : memref<200xf32, #tpu.memory_space<vmem>>[vector<16xi32>], vector<16xf32>, vector<16xi1>
    %add3A_776 = arith.constant 100 : i32
    %add3A_777 = vector.broadcast %add3A_776 : i32 to vector<16xi32>
    %add3A_778 = arith.addi %min3A_543, %add3A_777 : vector<16xi32>
    tpu.vector_store_idx %arg19[%add3A_778], %parallel_loop3A_627#13 masked %lt3A_540 : memref<200xi32, #tpu.memory_space<vmem>>[vector<16xi32>], vector<16xi32>, vector<16xi1>
    %add3A_779 = arith.constant 1 : i32
    %add3A_780 = arith.addi %mul3A_2, %add3A_779 : i32
    %mul3A_781 = arith.constant 2 : i32
    %mul3A_782 = arith.muli %add3A_780, %mul3A_781 : i32
    %mul3A_783 = arith.constant 100 : i32
    %mul3A_784 = arith.muli %mul3A_782, %mul3A_783 : i32
    %dma_start3A_785 = tpu.memref_slice %arg6[%mul3A_784] : memref<12800xi32, #tpu.memory_space<hbm>> -> memref<200xi32, #tpu.memory_space<hbm>>
    %dma_start3A_786 = tpu.memref_slice %arg6[%mul3A_784] : memref<12800xi32, #tpu.memory_space<hbm>> -> memref<200xi32, #tpu.memory_space<hbm>>
    tpu.enqueue_dma source(%arg19 : memref<200xi32, #tpu.memory_space<vmem>>) target(%dma_start3A_786 : memref<200xi32, #tpu.memory_space<hbm>>) target_semaphore(%arg23 : memref<!tpu.dma_semaphore, #tpu.memory_space<semaphore_mem>>)
    %add3A_787 = arith.constant 1 : i32
    %add3A_788 = arith.addi %mul3A_2, %add3A_787 : i32
    %mul3A_789 = arith.constant 2 : i32
    %mul3A_790 = arith.muli %add3A_788, %mul3A_789 : i32
    %mul3A_791 = arith.constant 100 : i32
    %mul3A_792 = arith.muli %mul3A_790, %mul3A_791 : i32
    %mul3A_793 = arith.constant 4 : i32
    %mul3A_794 = arith.muli %mul3A_792, %mul3A_793 : i32
    %dma_start3A_795 = tpu.memref_slice %arg7[%mul3A_794] : memref<51200xf32, #tpu.memory_space<hbm>> -> memref<800xf32, #tpu.memory_space<hbm>>
    %dma_start3A_796 = tpu.memref_slice %arg7[%mul3A_794] : memref<51200xf32, #tpu.memory_space<hbm>> -> memref<800xf32, #tpu.memory_space<hbm>>
    tpu.enqueue_dma source(%arg20 : memref<800xf32, #tpu.memory_space<vmem>>) target(%dma_start3A_796 : memref<800xf32, #tpu.memory_space<hbm>>) target_semaphore(%arg23 : memref<!tpu.dma_semaphore, #tpu.memory_space<semaphore_mem>>)
    %mul3A_797 = arith.constant 100 : i32
    %mul3A_798 = arith.muli %mul3A_2, %mul3A_797 : i32
    %dma_start3A_799 = tpu.memref_slice %arg8[%mul3A_798] : memref<6400xf32, #tpu.memory_space<hbm>> -> memref<200xf32, #tpu.memory_space<hbm>>
    %dma_start3A_800 = tpu.memref_slice %arg8[%mul3A_798] : memref<6400xf32, #tpu.memory_space<hbm>> -> memref<200xf32, #tpu.memory_space<hbm>>
    tpu.enqueue_dma source(%arg10 : memref<200xf32, #tpu.memory_space<vmem>>) target(%dma_start3A_800 : memref<200xf32, #tpu.memory_space<hbm>>) target_semaphore(%arg23 : memref<!tpu.dma_semaphore, #tpu.memory_space<semaphore_mem>>)
    %dma_wait3A_801 = tpu.memref_slice %arg6[%mul3A_403] : memref<12800xi32, #tpu.memory_space<hbm>> -> memref<200xi32, #tpu.memory_space<hbm>>
    %dma_wait3A_802 = tpu.memref_slice %arg6[%mul3A_403] : memref<12800xi32, #tpu.memory_space<hbm>> -> memref<200xi32, #tpu.memory_space<hbm>>
    tpu.wait_dma2 semaphore(%arg23 : memref<!tpu.dma_semaphore, #tpu.memory_space<semaphore_mem>>) src(%arg14 : memref<200xi32, #tpu.memory_space<vmem>>) dst(%dma_wait3A_802 : memref<200xi32, #tpu.memory_space<hbm>>)
    %dma_wait3A_803 = tpu.memref_slice %arg7[%mul3A_413] : memref<51200xf32, #tpu.memory_space<hbm>> -> memref<800xf32, #tpu.memory_space<hbm>>
    %dma_wait3A_804 = tpu.memref_slice %arg7[%mul3A_413] : memref<51200xf32, #tpu.memory_space<hbm>> -> memref<800xf32, #tpu.memory_space<hbm>>
    tpu.wait_dma2 semaphore(%arg23 : memref<!tpu.dma_semaphore, #tpu.memory_space<semaphore_mem>>) src(%arg15 : memref<800xf32, #tpu.memory_space<vmem>>) dst(%dma_wait3A_804 : memref<800xf32, #tpu.memory_space<hbm>>)
    %dma_wait3A_805 = tpu.memref_slice %arg6[%mul3A_784] : memref<12800xi32, #tpu.memory_space<hbm>> -> memref<200xi32, #tpu.memory_space<hbm>>
    %dma_wait3A_806 = tpu.memref_slice %arg6[%mul3A_784] : memref<12800xi32, #tpu.memory_space<hbm>> -> memref<200xi32, #tpu.memory_space<hbm>>
    tpu.wait_dma2 semaphore(%arg23 : memref<!tpu.dma_semaphore, #tpu.memory_space<semaphore_mem>>) src(%arg19 : memref<200xi32, #tpu.memory_space<vmem>>) dst(%dma_wait3A_806 : memref<200xi32, #tpu.memory_space<hbm>>)
    %dma_wait3A_807 = tpu.memref_slice %arg7[%mul3A_794] : memref<51200xf32, #tpu.memory_space<hbm>> -> memref<800xf32, #tpu.memory_space<hbm>>
    %dma_wait3A_808 = tpu.memref_slice %arg7[%mul3A_794] : memref<51200xf32, #tpu.memory_space<hbm>> -> memref<800xf32, #tpu.memory_space<hbm>>
    tpu.wait_dma2 semaphore(%arg23 : memref<!tpu.dma_semaphore, #tpu.memory_space<semaphore_mem>>) src(%arg20 : memref<800xf32, #tpu.memory_space<vmem>>) dst(%dma_wait3A_808 : memref<800xf32, #tpu.memory_space<hbm>>)
    %dma_wait3A_809 = tpu.memref_slice %arg8[%mul3A_798] : memref<6400xf32, #tpu.memory_space<hbm>> -> memref<200xf32, #tpu.memory_space<hbm>>
    %dma_wait3A_810 = tpu.memref_slice %arg8[%mul3A_798] : memref<6400xf32, #tpu.memory_space<hbm>> -> memref<200xf32, #tpu.memory_space<hbm>>
    tpu.wait_dma2 semaphore(%arg23 : memref<!tpu.dma_semaphore, #tpu.memory_space<semaphore_mem>>) src(%arg10 : memref<200xf32, #tpu.memory_space<vmem>>) dst(%dma_wait3A_810 : memref<200xf32, #tpu.memory_space<hbm>>)
    return
  }
}

module attributes {stable_mosaic.version = 14 : i64} {
  func.func @_vs_body(%arg0: i32, %arg1: memref<20x64x117xf32, #tpu.memory_space<vmem>>, %arg2: memref<100x64xf32, #tpu.memory_space<vmem>>, %arg3: memref<20x64x117xf32, #tpu.memory_space<vmem>>) attributes {dimension_semantics = [#tpu.dimension_semantics<arbitrary>], iteration_bounds = array<i64: 5>, scalar_prefetch = 0 : i64, scratch_operands = 0 : i64, tpu.core_type = #tpu.core_type<tc>, window_params = [{transform_indices = @transform_0, window_bounds = array<i64: 20, 64, 117>}, {pipeline_mode = #tpu.pipeline_mode<synchronous>, transform_indices = @transform_1, window_bounds = array<i64: 100, 64>}, {transform_indices = @transform_2, window_bounds = array<i64: 20, 64, 117>}]} {
    %mul3A = arith.constant 20 : i32
    %mul3A_0 = arith.muli %arg0, %mul3A : i32
    %get3A = arith.index_cast %mul3A_0 : i32 to index
    %get3A_1 = arith.constant 0 : index
    %get3A_2 = vector.load %arg2[%get3A, %get3A_1] : memref<100x64xf32, #tpu.memory_space<vmem>>, vector<20x64xf32>
    %get3A_3 = arith.constant 0 : index
    %get3A_4 = arith.constant 0 : index
    %get3A_5 = arith.constant 0 : index
    %get3A_6 = vector.load %arg1[%get3A_3, %get3A_4, %get3A_5] : memref<20x64x117xf32, #tpu.memory_space<vmem>>, vector<20x64x117xf32>
    %logistic3A = arith.negf %get3A_6 : vector<20x64x117xf32>
    %logistic3A_7 = math.exp %logistic3A : vector<20x64x117xf32>
    %logistic3A_8 = arith.constant 1.000000e+00 : f32
    %logistic3A_9 = vector.broadcast %logistic3A_8 : f32 to vector<20x64x117xf32>
    %logistic3A_10 = arith.addf %logistic3A_9, %logistic3A_7 : vector<20x64x117xf32>
    %logistic3A_11 = arith.divf %logistic3A_9, %logistic3A_10 : vector<20x64x117xf32>
    %broadcast_in_dim3A = vector.shape_cast %get3A_2 : vector<20x64xf32> to vector<20x64x1xf32>
    %mul3A_12 = vector.broadcast %broadcast_in_dim3A : vector<20x64x1xf32> to vector<20x64x117xf32>
    %mul3A_13 = arith.mulf %logistic3A_11, %mul3A_12 : vector<20x64x117xf32>
    %swap3A = arith.constant 0 : index
    %swap3A_14 = arith.constant 0 : index
    %swap3A_15 = arith.constant 0 : index
    %swap3A_16 = vector.load %arg3[%swap3A, %swap3A_14, %swap3A_15] : memref<20x64x117xf32, #tpu.memory_space<vmem>>, vector<20x64x117xf32>
    tpu.vector_store %arg3[%swap3A, %swap3A_14, %swap3A_15], %mul3A_13 {strides = array<i32>} : memref<20x64x117xf32, #tpu.memory_space<vmem>>, vector<20x64x117xf32>,
    return
  }
  func.func @transform_0(%arg0: i32) -> (i32, i32, i32) {
    %c0_i32 = arith.constant 0 : i32
    %c0_i32_0 = arith.constant 0 : i32
    %c0_i32_1 = arith.constant 0 : i32
    return %arg0, %c0_i32, %c0_i32_0 : i32, i32, i32
  }
  func.func @transform_1(%arg0: i32) -> (i32, i32) {
    %c0_i32 = arith.constant 0 : i32
    %c0_i32_0 = arith.constant 0 : i32
    %c0_i32_1 = arith.constant 0 : i32
    return %c0_i32, %c0_i32_0 : i32, i32
  }
  func.func @transform_2(%arg0: i32) -> (i32, i32, i32) {
    %c0_i32 = arith.constant 0 : i32
    %c0_i32_0 = arith.constant 0 : i32
    %c0_i32_1 = arith.constant 0 : i32
    return %arg0, %c0_i32, %c0_i32_0 : i32, i32, i32
  }
}

</mosaic_0001>

<sc_bundles>
// kernel: kernel.4.cloned.1.call-start
scs
__scs_entry_jumppad:
0x0: {  	(pc) =	sbr.rel $0x88, $3  }
0x1: {  	(tag) =	ssettag $0x0;
	lr =	simm.s32 $0x1  }
0x2: {  	[smem:$0x3F9C] =	sst lr;
	_ =	strace $0xD0000000  }
0x3: {  	_ = 	snop  }
0x4: {  	_ = 	snop  }
0x5: {  	_ = 	snop  }
0x6: {  	_ = 	snop  }
0x7: {  	_ = 	snop  }
__scs_overlays_trampoline_lowered:
0x8: {  	[smem:$0x3FAB] =	sst s0  }
0x9: {  	[smem:$0x3FAC] =	sst s1  }
0xa: {  	[smem:$0x3FAD] =	sst s2  }
0xb: {  	[smem:$0x3FAE] =	sst s3  }
0xc: {  	[smem:$0x3FAF] =	sst s4  }
0xd: {  	[smem:$0x3FB0] =	sst s5  }
0xe: {  	[smem:$0x3FB1] =	sst s6  }
0xf: {  	[smem:$0x3FB2] =	sst s7  }
0x10: {  	[smem:$0x3FB3] =	sst s8  }
0x11: {  	[smem:$0x3FB4] =	sst s9;
	s0 =	simm.s32 @!p0 $0x0  }
0x12: {  	s1 =	sld [smem:$0x3F9A];
	s0 =	simm.s32 @p0 $0x1  }
0x13: {  	[smem:$0x3FB5] =	sst s0;
	s0 =	simm.s32 @!p1 $0x0  }
0x14: {  	s2 =	sld [smem:$0x3F99];
	s0 =	simm.s32 @p1 $0x1  }
0x15: {  	[smem:$0x3FB6] =	sst s0;
	s0 =	simm.s32 @!p2 $0x0  }
0x16: {  	s3 =	sld [smem:$0x3FDB];
	s0 =	simm.s32 @p2 $0x1  }
0x17: {  	s4 =	simm.s32 $0x1BF5;
	[smem:$0x3FB8] =	sst s0  }
0x18: {  	s0 =	sld [smem:$0x3F9B];
	_ =	swait.ge [sflag:s4], $0x0  }
0x19: {  	s7 =	sld [smem:$0x3F9C]  }
0x1a: {  	s8 =	sadd.s32 $0xFFFFE003, lr  }
0x1b: {  	s9 =	sadd.s32 $0xFFFFFEF7, lr;
	s5 =	simm.s32 $0xFFFFFFFF;
	p2 =	slt.u32 s8, $0xFFFFF086  }
0x1c: {  	p1 =	slt.u32 s9, $0xF7A;
	s5 =	simm.s32 @!p2 $0x0  }
0x1d: {  	s5 =	simm.s32 @p1 $0x1;
	p0 =	seq.s32 s7, s2  }
0x1e: {  	s7 =	smul.u32 @!p0 $0xF7A, s2;
	p2 =	seq.s32 @!p0 s5, $0x0  }
0x1f: {  	s9 =	smul.u32 $0xF7A, s1;
	s8 =	simm.s32 @!p0 $0x1BF5;
	p2 =	por !p2, p0  }
0x20: {  	[sflag:s8] =	ssyncset.s32 @!p0 $0xFFFFF086;
	s6 =	sadd.s32 @!p0 s3, s7;
	s7 =	simm.s32 @!p0 $0x108  }
0x21: {  	s3 =	sadd.s32 s3, s9;
	s6 =	sadd.s32 @!p0 $0x88, s6;
	s7 =	simm.s32 @p2 $0x1082  }
0x22: {  	[simem:s7], [sflag:s8] =	dma.local @!p0 [hbm:s6], $0xF7A  }
0x23: {  	s9 =	sor.u32 $0xD0000000, s2;
	s6 =	simm.s32 $0x108;
	_ =	swait.ge @!p0 [sflag:s8], $0x0  }
0x24: {  	s3 =	sadd.s32 $0x88, s3;
	s6 =	simm.s32 @!p1 $0x1082;
	[sflag:s4] =	ssyncset.s32 $0xFFFFF086  }
0x25: {  	[simem:s6], [sflag:s4] =	dma.local [hbm:s3], $0xF7A  }
0x26: {  	[smem:$0x3F9C] =	sst s1;
	(tag) =	ssettag s2;
	_ =	strace s9  }
0x27: {  	s1 =	sld [smem:$0x3FAC]  }
0x28: {  	s2 =	sld [smem:$0x3FAD]  }
0x29: {  	s4 =	sld [smem:$0x3FAF]  }
0x2a: {  	p0 =	seq.s32 s5, $0x0;
	s5 =	sld [smem:$0x3FB0]  }
0x2b: {  	s6 =	sld [smem:$0x3FB1]  }
0x2c: {  	s7 =	sld [smem:$0x3FB2]  }
0x2d: {  	s3 =	simm.s32 $0x108;
	s8 =	sld [smem:$0x3FB3]  }
0x2e: {  	s3 =	simm.s32 @!p0 $0x1082;
	s9 =	sld [smem:$0x3FB4]  }
0x2f: {  	lr =	sadd.s32 s0, s3;
	s0 =	sld [smem:$0x3FAB]  }
0x30: {  	s3 =	sld [smem:$0x3FAE]  }
0x31: {  	[smem:$0x3FB7] =	sst s10  }
0x32: {  	s10 =	sld [smem:$0x3FB5];
	_ =	sdelay $0x3  }
0x33: {  	p0 =	seq.s32 s10, $0x1;
	s10 =	sld [smem:$0x3FB7];
	_ =	sdelay $0x3  }
0x34: {  	[smem:$0x3FB7] =	sst s10  }
0x35: {  	s10 =	sld [smem:$0x3FB6];
	_ =	sdelay $0x3  }
0x36: {  	p1 =	seq.s32 s10, $0x1;
	s10 =	sld [smem:$0x3FB7];
	_ =	sdelay $0x3  }
0x37: {  	[smem:$0x3FB7] =	sst s10  }
0x38: {  	s10 =	sld [smem:$0x3FB8]  }
0x39: {  	_ = 	snop;
	(pc) =	sbr.ind lr, $3  }
0x3a: {  	_ = 	snop  }
0x3b: {  	_ = 	snop  }
0x3c: {  	p2 =	seq.s32 s10, $0x1;
	s10 =	sld [smem:$0x3FB7]  }
0x3d: {  	_ =	shalt  }
0x3e: {  	_ =	shalt  }
0x3f: {  	_ =	shalt  }
0x40: {  	_ =	shalt  }
0x41: {  	_ =	shalt  }
0x42: {  	_ =	shalt  }
0x43: {  	_ =	shalt  }
0x44: {  	_ =	shalt  }
0x45: {  	_ =	shalt  }
0x46: {  	_ =	shalt  }
0x47: {  	_ =	shalt  }
0x48: {  	_ =	shalt  }
0x49: {  	_ =	shalt  }
0x4a: {  	_ =	shalt  }
0x4b: {  	_ =	shalt  }
0x4c: {  	_ =	shalt  }
0x4d: {  	_ =	shalt  }
0x4e: {  	_ =	shalt  }
0x4f: {  	_ =	shalt  }
0x50: {  	_ =	shalt  }
0x51: {  	_ =	shalt  }
0x52: {  	_ =	shalt  }
0x53: {  	_ =	shalt  }
0x54: {  	_ =	shalt  }
0x55: {  	_ =	shalt  }
0x56: {  	_ =	shalt  }
0x57: {  	_ =	shalt  }
0x58: {  	_ =	shalt  }
0x59: {  	_ =	shalt  }
0x5a: {  	_ =	shalt  }
0x5b: {  	_ =	shalt  }
0x5c: {  	_ =	shalt  }
0x5d: {  	_ =	shalt  }
0x5e: {  	_ =	shalt  }
0x5f: {  	_ =	shalt  }
0x60: {  	_ =	shalt  }
0x61: {  	_ =	shalt  }
0x62: {  	_ =	shalt  }
0x63: {  	_ =	shalt  }
0x64: {  	_ =	shalt  }
0x65: {  	_ =	shalt  }
0x66: {  	_ =	shalt  }
0x67: {  	_ =	shalt  }
0x68: {  	_ =	shalt  }
0x69: {  	_ =	shalt  }
0x6a: {  	_ =	shalt  }
0x6b: {  	_ =	shalt  }
0x6c: {  	_ =	shalt  }
0x6d: {  	_ =	shalt  }
0x6e: {  	_ =	shalt  }
0x6f: {  	_ =	shalt  }
0x70: {  	_ =	shalt  }
0x71: {  	_ =	shalt  }
0x72: {  	_ =	shalt  }
0x73: {  	_ =	shalt  }
0x74: {  	_ =	shalt  }
0x75: {  	_ =	shalt  }
0x76: {  	_ =	shalt  }
0x77: {  	_ =	shalt  }
0x78: {  	_ =	shalt  }
0x79: {  	_ =	shalt  }
0x7a: {  	_ =	shalt  }
0x7b: {  	_ =	shalt  }
0x7c: {  	_ =	shalt  }
0x7d: {  	_ =	shalt  }
0x7e: {  	_ =	shalt  }
0x7f: {  	_ =	shalt  }
0x80: {  	_ =	shalt  }
0x81: {  	_ =	shalt  }
0x82: {  	_ =	shalt  }
0x83: {  	_ =	shalt  }
0x84: {  	_ =	shalt  }
0x85: {  	_ =	shalt  }
0x86: {  	_ =	shalt  }
0x87: {  	_ =	shalt  }
.Lfunc_end0:
.L_simem_size_0:
called_computation_lowered:
.L_overlay_start_0:
0x88: {  	s2 =	sld [smem:$0x3FD9]  }
0x89: {  	s3 =	sld [smem:$0x3FFE];
	_ =	sdelay $0x1  }
0x8a: {  	s1 =	srdreg.scid  }
0x8b: {  	s0 =	sand.u32 $0x1, s1  }
0x8c: {  	s14 =	sshll.u32 s0, $0xA;
	s2 =	sadd.s32 s3, s2  }
0x8d: {  	s2 =	sadd.s32 s2, s14  }
0x8e: {  	[smem:$0x3FC3] =	sst s2  }
0x8f: {  	_ = 	snop  }
0x90: {  	s2 =	sld [smem:$0x3FD0];
	_ =	sdelay $0x2  }
0x91: {  	s4 =	simm.s32 $0xA;
	s5 =	simm.s32 $0x10;
	s15 =	sld [smem:$0x3FC9]  }
0x92: {  	[smem:s5], [sflag:s4] =	dma.local [hbm:s2], $0x1  }
0x93: {  	_ =	swait.eq [sflag:s4], $0x1  }
0x94: {  	s16 =	sld [smem:$0x10];
	[sflag:s4] =	ssyncset.done $0x0  }
0x95: {  	s17 =	sld [smem:$0x11];
	[sflag:s4] =	ssyncadd.s32 $0xFFFFFFFF  }
0x96: {  	s18 =	sld [smem:$0x12];
	(tm) =	ssettm $0x1  }
0x97: {  	s6 =	sld [smem:$0x3FFB];
	_ =	sdelay $0x3  }
0x98: {  	_ =	strace s6  }
0x99: {  	s6 =	sld [smem:$0x3FFC];
	_ =	sdelay $0x3  }
0x9a: {  	_ =	strace s6  }
0x9b: {  	s6 =	sld [smem:$0x3FFD];
	_ =	sdelay $0x3  }
0x9c: {  	_ =	strace s6  }
0x9d: {  	_ =	strace $0x8FFFFFFF  }
0x9e: {  	s19 =	sld [smem:$0x3FDB];
	_ =	sdelay $0x1  }
0x9f: {  	s7 =	simm.s32 $_scs_section_size  }
0xa0: {  	s8 =	simm.s32 $_size__tile_overlayer_lowered;
	s9 =	simm.s32 $_tile_overlayer_lowered  }
0xa1: {  	s22 =	simm.s32 $0x1BFF;
	s21 =	sshll.u32 s9, $0x1;
	s6 =	sadd.s32 s7, s19  }
0xa2: {  	s10 =	simm.s32 $0x0;
	s20 =	sshll.u32 s8, $0x1;
	s8 =	sadd.s32 s21, s6  }
0xa3: {  	[timem:s10], [sflag:s22] =	dma.local [hbm:s8], s20  }
0xa4: {  	_ =	swait.ge [sflag:s22], s20  }
0xa5: {  	s7 =	ssub.s32 $0x0, s20;
	[sflag:s22] =	ssyncset.done $0x0  }
0xa6: {  	[sflag:s22] =	ssyncadd.s32 s7;
	_ =	sdelay $0x1  }
0xa7: {  	s23 =	simm.s32 $0x1B8B  }
0xa8: {  	_ =	swait.ge [sflag:s23], $0x1  }
0xa9: {  	[sflag:s23] =	ssyncset.done $0x0  }
0xaa: {  	s25 =	simm.s32 $0x1B8E;
	s24 =	sld [smem:$0x3FFE];
	[sflag:s23] =	ssyncadd.s32 $0xFFFFFFFF  }
0xab: {  	s26 =	simm.s32 $execute0_lowered;
	[smem:$0x3FD2] =	sst s25  }
0xac: {  	s8 =	sshll.u32 s26, $0x1;
	_ =	strace $0x80000046;
	[dreg:$0x1] =	wrdreg $0xFFFFFFFF  }
0xad: {  	s28 =	simm.s32 $_size_execute0_lowered;
	s6 =	sadd.s32 s6, s8;
	[dreg:$0x0] =	wrdreg $0x0  }
0xae: {  	s8 =	sshll.u32 s28, $0x1;
	[dreg:$0x2] =	wrdreg s6  }
0xaf: {  	[dreg:$0x3] =	wrdreg s8  }
0xb0: {  	[dreg:$0x4] =	wrdreg $0xC0  }
0xb1: {  	_ =	task [dreg:s10], $0x5FFFF  }
0xb2: {  	[dreg:$0x1] =	wrdreg $0xFFFFFFFF  }
0xb3: {  	[dreg:$0x0] =	wrdreg $0x60  }
0xb4: {  	[dreg:$0x2] =	wrdreg s15  }
0xb5: {  	[dreg:$0x3] =	wrdreg s18  }
0xb6: {  	[dreg:$0x4] =	wrdreg s16  }
0xb7: {  	[dreg:$0x5] =	wrdreg s24  }
0xb8: {  	[dreg:$0x6] =	wrdreg s17  }
0xb9: {  	[dreg:$0x7] =	wrdreg $0x9  }
0xba: {  	_ =	task.clear_ibuf [dreg:s10], $0x8FFFF;
	_ =	strace $0x90000046  }
0xbb: {  	s29 =	simm.s32 $0x9;
	_ =	strace $0x80000048  }
0xbc: {  	_ =	swait.ge [sflag:s29], $0x1  }
0xbd: {  	[sflag:s29] =	ssyncadd.s32 $0xFFFFFFFF  }
0xbe: {  	_ =	strace $0x90000048  }
0xbf: {  	_ =	sfence  }
0xc0: {  	s30 =	sld [smem:$0x0];
	_ =	sdelay $0x2  }
0xc1: {  	s31 =	sshll.u32 s1, $0xD;
	s1 =	sshrl.u32 s1, $0x2  }
0xc2: {  	s3 =	sand.u32 $0x4000, s31;
	s1 =	sadd.s32 s1, s30  }
0xc3: {  	s0 =	sor.u32 s3, s0;
	s1 =	sshll.u32 s1, $0x11  }
0xc4: {  	s0 =	sor.u32 s1, s0  }
0xc5: {  	s0 =	sadd.s32 $0x8F2B, s0  }
0xc6: {  	[sflag:s0] =	ssyncadd.remote.s32 $0x1  }
0xc7: {  	_ =	sfence.sel $0xFFFF  }
0xc8: {  	[dreg:$0x0] =	wrdreg $0xFFFFFFFF;
	(pc) =	sbr.abs _section_cstart, $3  }
0xc9: {  	[dreg:$0x1] =	wrdreg $0xFFFFFFFF  }
0xca: {  	_ =	task.clear_ibuf [dreg:s10], $0x2FFFF;
	_ =	strace $0x9FFFFFFF  }
0xcb: {  	(tm) =	ssettm $0x7FFFFFFF  }
tec
execute0_lowered:
.L_overlay_start_1:
0x0: {  	(tag) =	ssettag $0x1  }
0x1: {  	s0 =	rddreg [dreg:$0x0]  }
0x2: {  	s2 =	rddreg [dreg:$0x1]  }
0x3: {  	s3 =	rddreg [dreg:$0x2]  }
0x4: {  	s4 =	rddreg [dreg:$0x3]  }
0x5: {  	s5 =	rddreg [dreg:$0x4]  }
0x6: {  	s1 =	simm.s32 $0x0;
	s13 =	srdreg.scid;
	s11 =	stileid.u32  }
0x7: {  	[smem:$0x7FF] =	sst s1;
	s6 =	sadd.s32 $0xE00, s4;
	s7 =	sshll.u32 s11, $0x1  }
0x8: {  	_ =	strace $0x80000047;
	[dreg:$0x6] =	wrdreg s6;
	s6 =	sand.u32 $0x1, s13  }
0x9: {  	s10 =	sor.u32 s6, s7  }
0xa: {  	s28 =	simm.s32 $0x12D00;
	s23 =	sshll.u32 s10, $0x2  }
0xb: {  	s29 =	simm.s32 $0x9C00;
	s30 =	simm.s32 $0x4;
	s14 =	sshrl.u32 s11, $0x1;
	v1 =	vmov s23  }
0xc: {  	s8 =	sadd.s32 $0x2A00, s4;
	s15 =	smul.u32 $0xC00, s14;
	s25 =	sor.u32 $0x1, s23;
	v1 =	vbroadcast v1, $0x0  }
0xd: {  	s9 =	sadd.s32 $0x1000, s4;
	s6 =	ssub.s32 $0x2, s6;
	s13 =	smul.u32 $0x12C, s10;
	v2 =	vmov s25  }
0xe: {  	s16 =	sshll.u32 s10, $0x8;
	s12 =	sshllo.u32 s10, $0x1;
	s14 =	smul.u32 $0x32, s10;
	[tilespmem:$0x1FF30] =	vst v1;
	v1 =	vbroadcast v2, $0x0  }
0xf: {  	s24 =	smul.u32 $0xC8, s10;
	s4 =	sand.u32 $0x300, s16;
	s16 =	sshll.u32 s12, $0x1  }
0x10: {  	s31 =	simm.s32 $0x1;
	s17 =	sshrl.u32 s6, $0x1;
	s10 =	smul.u32 $0x19, s10;
	[tilespmem:$0x1FF40] =	vst v1;
	v1 =	vmov s16  }
0x11: {  	v0 =	vlaneseq.u32;
	s6 =	ssub.s32 s6, s17;
	s18 =	sshll.u32 s12, $0x7;
	s20 =	smul.u32 $0x96, s12;
	v1 =	vbroadcast v1, $0x0  }
0x12: {  	v3 =	vmul.u32 $0x2, v0;
	s22 =	smul.u32 $0x19, s12;
	s11 =	sand.u32 $0x380, s18;
	s18 =	sshllo.u32 s12, $0x1  }
0x13: {  	s26 =	smul.u32 $0x64, s12;
	s17 =	simm.s32 $0x6000;
	s23 =	simm.s32 $0x180;
	[tilespmem:$0x1FF50] =	vst v1;
	v1 =	vmov s18  }
0x14: {  	s4 =	sor.u32 s15, s4;
	s19 =	sadd.s32 s2, s13;
	s21 =	sadd.s32 s3, s14;
	[tilespmem:$0x1FF60] =	vst v1;
	v1 =	vor.u32 $0x1, v3  }
0x15: {  	s14 =	sadd.s32 s8, s14;
	s25 =	simm.s32 $0x9D00;
	[dreg:$0x7] =	wrdreg s19;
	[tilespmem:$0x1FF70] =	vst v1;
	v1 =	vor.u32 $0x21, v3  }
0x16: {  	s4 =	sshrl.u32 s4, $0x3;
	s7 =	sor.u32 s15, s11;
	[dreg:$0x8] =	wrdreg s21;
	[tilespmem:$0x1FF80] =	vst v1;
	v1 =	vor.u32 $0x41, v3  }
0x17: {  	v4 =	vor.u32 $0x81, v3;
	s2 =	sadd.s32 s2, s20;
	s3 =	sadd.s32 s3, s22;
	[dreg:$0xb] =	wrdreg s14;
	[tilespmem:$0x1FF90] =	vst v1;
	v1 =	vimm.s32 $0xC7C5C3C1  }
0x18: {  	v63 =	vimm.s32 $0x63626160;
	[tilespmem:$0x1FFB0] =	vst v4;
	s11 =	sadd.s32 s9, s24;
	s12 =	sadd.s32 s8, s22;
	s13 =	sadd.s32 s9, s26;
	v2 =	vor.u32 $0x61, v3;
	v1 =	vunpack.c.0.s8.s32 v1  }
0x19: {  	vm0 =	vcmask $0xF00;
	v4 =	vunpack.c.0.s8.s32 v63;
	s14 =	sadd.s32 s5, s10;
	s15 =	smax.u32 s6, $0x1;
	s21 =	simm.s32 $0x9280;
	[tilespmem:$0x1FFA0] =	vst v2;
	v2 =	vimm.s32 $0xC7C6C5C4  }
0x1a: {  	s22 =	simm.s32 $0x80;
	s19 =	simm.s32 $0x2;
	s20 =	simm.s32 $0x13200;
	v2 =	vunpack.c.0.s8.s32 v2;
	v3 =	vor.u32 $0xA1, v3;
	v1 =	vand.u32 $0xFF, v1  }
0x1b: {  	s24 =	simm.s32 $0x13300;
	s26 =	simm.s32 $0x3;
	[dreg:$0x9] =	wrdreg s2;
	[tilespmem:$0x1FFC0] =	vst v3;
	v1 =	vnsel vm0, $0xC7, v1  }
0x1c: {  	s4 =	sadd.s32 s0, s4;
	s7 =	sshrl.u32 s7, $0x3;
	[dreg:$0xa] =	wrdreg s3;
	[tilespmem:$0x1FFD0] =	vst v1;
	v1 =	vand.u32 $0xFF, v2;
	v2 =	vnsel vm0, $0x63, v4  }
0x1d: {  	s2 =	simm.s32 $0x9880;
	s3 =	simm.s32 $0x0;
	s7 =	sadd.s32 s0, s7;
	[tilespmem:$0x1FFE0] =	vst v2;
	v1 =	vnsel vm0, $0xC7, v1  }
0x1e: {  	v12 =	vimm.s32 $0x0;
	s0 =	simm.s32 $0x9780;
	s16 =	sadd.s32 $0x42000, s4;
	s18 =	simm.s32 $0x280;
	[tilespmem:$0x1FFF0] =	vst v1  }
.LBB2_1:
0x1f: {  	s6 =	sadd.s32 $0x0, s4  }
0x20: {  	[tilespmem:s18], [sflag:$0x1] =	stream.strided.gather [hbm4b:s6+s22], $0x400, s17, s22, $0x38;
	[tilespmem:$0x13680] =	vst v63  }
0x21: {  	s8 =	simm.s32 $0x680;
	s9 =	simm.s32 $0xA80;
	s5 =	sadd.s32 $0x80, s6  }
0x22: {  	[tilespmem:s8], [sflag:$0x1] =	stream.strided.gather [hbm4b:s5+s22], $0x400, s17, s22, $0x38;
	[tilespmem:$0x13680] =	vst v63  }
0x23: {  	s5 =	simm.s32 $0x6000;
	s8 =	sadd.s32 $0x100, s6;
	s6 =	simm.s32 $0xE80  }
.LBB2_2:
0x24: {  	[tilespmem:s9], [sflag:$0x1] =	stream.strided.gather [hbm4b:s8+s22], $0x400, s17, s22, $0x38;
	[tilespmem:$0x13680] =	vst v63  }
0x25: {  	p0 =	seq.s32 s5, $0x3C000  }
.Ltmp0:
0x26: {  	s8 =	sadd.s32 s5, s4;
	(pc) =	sbr.rel @!p0 .LBB2_2-.Ltmp0, $4  }
0x27: {  	[tilespmem:s6], [sflag:$0x1] =	stream.strided.gather [hbm4b:s8+s22], $0x400, s17, s22, $0x38;
	[tilespmem:$0x13680] =	vst v63  }
0x28: {  	s10 =	sadd.s32 $0x400, s6;
	s5 =	sadd.s32 $0x6000, s5;
	s9 =	sadd.s32 $0x80, s8  }
0x29: {  	[tilespmem:s10], [sflag:$0x1] =	stream.strided.gather [hbm4b:s9+s22], $0x400, s17, s22, $0x38;
	[tilespmem:$0x13680] =	vst v63  }
0x2a: {  	s8 =	sadd.s32 $0x100, s8;
	s9 =	sadd.s32 $0x800, s6;
	s6 =	sadd.s32 $0xC00, s6  }
0x2b: {  	[tilespmem:s9], [sflag:$0x1] =	stream.strided.gather [hbm4b:s8+s22], $0x400, s17, s22, $0x38;
	[tilespmem:$0x13680] =	vst v63  }
0x2c: {  	s5 =	simm.s32 $0x8680  }
0x2d: {  	[tilespmem:s5], [sflag:$0x1] =	stream.strided.gather [hbm4b:s16+s22], $0x200, s17, s22, $0x38;
	[tilespmem:$0x13680] =	vst v63  }
0x2e: {  	s8 =	sadd.s32 $0x80, s16;
	s6 =	simm.s32 $0x8A80  }
0x2f: {  	[tilespmem:s6], [sflag:$0x1] =	stream.strided.gather [hbm4b:s8+s22], $0x200, s17, s22, $0x38;
	[tilespmem:$0x13680] =	vst v63  }
0x30: {  	s9 =	sadd.s32 $0x100, s16;
	s10 =	simm.s32 $0x8E80  }
0x31: {  	[tilespmem:s10], [sflag:$0x1] =	stream.strided.gather [hbm4b:s9+s22], $0x200, s17, s22, $0x38;
	[tilespmem:$0x13680] =	vst v63  }
0x32: {  	s8 =	simm.s32 $0x0;
	s9 =	rddreg [dreg:$0x7]  }
0x33: {  	[tilespmem:s21], [sflag:$0x1] =	stream.linear.gather [hbm4b:s9+s8], $0x4B0, $0x38;
	[tilespmem:$0x13680] =	vst v63  }
0x34: {  	s10 =	rddreg [dreg:$0x8]  }
0x35: {  	[tilespmem:s23], [sflag:$0x1] =	stream.linear.gather [hbm4b:s10+s8], $0xC8, $0x38;
	[tilespmem:$0x13680] =	vst v63  }
0x36: {  	s6 =	sadd.s32 $0x0, s7;
	s8 =	simm.s32 $0x9D00  }
0x37: {  	[tilespmem:s8], [sflag:$0x2] =	stream.strided.gather [hbm4b:s6+s22], $0x400, s17, s22, $0x38;
	[tilespmem:$0x13680] =	vst v63  }
0x38: {  	s5 =	simm.s32 $0x6000;
	s9 =	sadd.s32 $0x80, s6;
	s10 =	simm.s32 $0xA100  }
0x39: {  	[tilespmem:s10], [sflag:$0x2] =	stream.strided.gather [hbm4b:s9+s22], $0x400, s17, s22, $0x38;
	[tilespmem:$0x13680] =	vst v63  }
0x3a: {  	s8 =	sadd.s32 $0x100, s6;
	s6 =	simm.s32 $0xA900;
	s9 =	simm.s32 $0xA500  }
.LBB2_4:
0x3b: {  	[tilespmem:s9], [sflag:$0x2] =	stream.strided.gather [hbm4b:s8+s22], $0x400, s17, s22, $0x38;
	[tilespmem:$0x13680] =	vst v63  }
0x3c: {  	p0 =	seq.s32 s5, $0x3C000  }
.Ltmp1:
0x3d: {  	s8 =	sadd.s32 s5, s7;
	(pc) =	sbr.rel @!p0 .LBB2_4-.Ltmp1, $4  }
0x3e: {  	[tilespmem:s6], [sflag:$0x2] =	stream.strided.gather [hbm4b:s8+s22], $0x400, s17, s22, $0x38;
	[tilespmem:$0x13680] =	vst v63  }
0x3f: {  	s10 =	sadd.s32 $0x400, s6;
	s5 =	sadd.s32 $0x6000, s5;
	s9 =	sadd.s32 $0x80, s8  }
0x40: {  	[tilespmem:s10], [sflag:$0x2] =	stream.strided.gather [hbm4b:s9+s22], $0x400, s17, s22, $0x38;
	[tilespmem:$0x13680] =	vst v63  }
0x41: {  	s8 =	sadd.s32 $0x100, s8;
	s9 =	sadd.s32 $0x800, s6;
	s6 =	sadd.s32 $0xC00, s6  }
0x42: {  	[tilespmem:s9], [sflag:$0x2] =	stream.strided.gather [hbm4b:s8+s22], $0x400, s17, s22, $0x38;
	[tilespmem:$0x13680] =	vst v63  }
0x43: {  	s5 =	sadd.s32 $0x42000, s7;
	s6 =	simm.s32 $0x12100  }
0x44: {  	[tilespmem:s6], [sflag:$0x2] =	stream.strided.gather [hbm4b:s5+s22], $0x200, s17, s22, $0x38;
	[tilespmem:$0x13680] =	vst v63  }
0x45: {  	s9 =	simm.s32 $0x12500;
	s8 =	sadd.s32 $0x80, s5  }
0x46: {  	[tilespmem:s9], [sflag:$0x2] =	stream.strided.gather [hbm4b:s8+s22], $0x200, s17, s22, $0x38;
	[tilespmem:$0x13680] =	vst v63  }
0x47: {  	s10 =	simm.s32 $0x12900;
	s5 =	sadd.s32 $0x100, s5  }
0x48: {  	[tilespmem:s10], [sflag:$0x2] =	stream.strided.gather [hbm4b:s5+s22], $0x200, s17, s22, $0x38;
	[tilespmem:$0x13680] =	vst v63  }
0x49: {  	s8 =	rddreg [dreg:$0x9];
	s5 =	simm.s32 $0x0  }
0x4a: {  	[tilespmem:s28], [sflag:$0x2] =	stream.linear.gather [hbm4b:s8+s5], $0x4B0, $0x38;
	[tilespmem:$0x13680] =	vst v63  }
0x4b: {  	s9 =	rddreg [dreg:$0xa]  }
0x4c: {  	[tilespmem:s29], [sflag:$0x2] =	stream.linear.gather [hbm4b:s9+s5], $0xC8, $0x38;
	[tilespmem:$0x13680] =	vst v63  }
0x4d: {  	s10 =	rddreg [dreg:$0x6]  }
0x4e: {  	[tilespmem:s5], [sflag:$0x4] =	stream.linear.gather [hbm4b:s10+s5], $0x80, $0x38;
	[tilespmem:$0x13680] =	vst v63  }
0x4f: {  	_ =	swait.ge [sflag:s30], $0x80  }
0x50: {  	[sflag:s30] =	ssyncset.done $0x0  }
0x51: {  	[sflag:s30] =	ssyncadd.s32 $0xFFFFFF80  }
0x52: {  	_ =	swait.ge [sflag:s31], $0x8A00  }
0x53: {  	[sflag:s31] =	ssyncset.done $0x0  }
0x54: {  	[sflag:s31] =	ssyncadd.s32 $0xFFFF7600  }
0x55: {  	_ =	swait.ge [sflag:s31], $0x4B0  }
0x56: {  	[sflag:s31] =	ssyncset.done $0x0  }
0x57: {  	[sflag:s31] =	ssyncadd.s32 $0xFFFFFB50  }
0x58: {  	_ =	swait.ge [sflag:s31], $0xC8  }
0x59: {  	v1 =	vld [tilespmem:$0x1FF30];
	_ =	sdelay $0x5  }
0x5a: {  	[sflag:s31] =	ssyncset.done $0x0  }
0x5b: {  	[sflag:s31] =	ssyncadd.s32 $0xFFFFFF38  }
0x5c: {  	v15 =	vld.idx.msk [tilespmem:v1+s5+$0x0], $0xffff  }
0x5d: {  	v1 =	vld [tilespmem:$0x1FF40];
	_ =	sdelay $0x7  }
0x5e: {  	v17 =	vld.idx.msk [tilespmem:v1+s5+$0x0], $0xffff  }
0x5f: {  	v1 =	vld [tilespmem:$0x1FF70];
	_ =	sdelay $0x7  }
0x60: {  	v16 =	vld.idx.msk [tilespmem:v1+s23+$0x0], $0xffff  }
0x61: {  	v1 =	vld [tilespmem:$0x1FF80];
	_ =	sdelay $0x7  }
0x62: {  	v18 =	vld.idx.msk [tilespmem:v1+s23+$0x0], $0xffff  }
0x63: {  	v1 =	vld [tilespmem:$0x1FF90];
	_ =	sdelay $0x7  }
0x64: {  	v19 =	vld.idx.msk [tilespmem:v1+s23+$0x0], $0xffff  }
0x65: {  	v1 =	vld [tilespmem:$0x1FFA0];
	_ =	sdelay $0x7  }
0x66: {  	v22 =	vld.idx.msk [tilespmem:v1+s23+$0x0], $0xffff  }
0x67: {  	v1 =	vld [tilespmem:$0x1FFB0];
	_ =	sdelay $0x7  }
0x68: {  	v23 =	vld.idx.msk [tilespmem:v1+s23+$0x0], $0xffff  }
0x69: {  	v1 =	vld [tilespmem:$0x1FFC0];
	_ =	sdelay $0x7  }
0x6a: {  	v21 =	vld.idx.msk [tilespmem:v1+s23+$0x0], $0xffff  }
0x6b: {  	v1 =	vld [tilespmem:$0x1FFD0];
	_ =	sdelay $0x7  }
0x6c: {  	v28 =	vld.idx.msk [tilespmem:v1+s23+$0x0], $0xffff;
	v1 =	vor.u32 s5, v0  }
0x6d: {  	vm0 =	vlt.u32 v1, $0x64;
	vm1 =	vlt.s32 v1, $0x63  }
0x6e: {  	v25 =	vnsel vm1, $0x63, v1  }
0x6f: {  	v1 =	vshll.u32 v25, $0x1;
	_ =	sdelay $0x3  }
0x70: {  	[tilespmem:v25+s0+$0x0] =	vst.idx.msk vm0, v12  }
0x71: {  	v2 =	vld.idx.msk [tilespmem:v1+s23+$0x0], $0xffff  }
0x72: {  	s8 =	simm.s32 $0x10  }
0x73: {  	v5 =	vor.u32 s8, v0  }
0x74: {  	vm2 =	vlt.s32 v5, $0x63;
	vm1 =	vlt.u32 v5, $0x64  }
0x75: {  	v20 =	vnsel vm2, $0x63, v5  }
0x76: {  	v5 =	vshll.u32 v20, $0x1;
	v2 =	vshll.u32 v2, $0x2  }
0x77: {  	v3 =	vor.u32 $0x2, v2  }
0x78: {  	v4 =	vor.u32 $0x3, v2;
	_ =	sdelay $0x1  }
0x79: {  	[tilespmem:v20+s0+$0x0] =	vst.idx.msk vm1, v12;
	v6 =	vor.u32 $0x1, v2  }
0x7a: {  	v7 =	vld.idx.msk [tilespmem:v5+s23+$0x0], $0xffff  }
0x7b: {  	v3 =	vld.idx.msk [tilespmem:v3+s21+$0x0], $0xffff  }
0x7c: {  	v4 =	vld.idx.msk [tilespmem:v4+s21+$0x0], $0xffff  }
0x7d: {  	v2 =	vld.idx.msk [tilespmem:v2+s21+$0x0], $0xffff  }
0x7e: {  	v6 =	vld.idx.msk [tilespmem:v6+s21+$0x0], $0xffff;
	_ =	sdelay $0x1  }
0x7f: {  	vm0 =	vmmov vm0;
	v3 =	vmul.f32 $5.000000000e-01, v3  }
0x80: {  	v9 =	vadd.s32 $0xC8, v25;
	v4 =	vmul.f32 $5.000000000e-01, v4  }
0x81: {  	v10 =	vadd.s32 $0x190, v25;
	v13 =	vadd.s32 $0x258, v25;
	v8 =	vsub.f32 v2, v3  }
0x82: {  	v11 =	vsub.f32 v6, v4;
	v2 =	vadd.f32 v3, v2;
	v3 =	vshll.u32 v7, $0x2  }
0x83: {  	v4 =	vadd.f32 v4, v6;
	v6 =	vor.u32 $0x2, v3;
	v8 =	vmul.f32 v8, v17  }
0x84: {  	v1 =	vor.u32 $0x1, v1;
	v7 =	vmul.f32 v11, v15  }
0x85: {  	s9 =	simm.s32 $0x20;
	v2 =	vmul.f32 v2, v17;
	[tilespmem:v25+s2+$0x0] =	vst.idx.msk vm0, v8;
	v8 =	vor.u32 $0x3, v3  }
0x86: {  	v4 =	vmul.f32 v4, v15;
	[tilespmem:v9+s2+$0x0] =	vst.idx.msk vm0, v7;
	v7 =	vor.u32 s9, v0  }
0x87: {  	[tilespmem:v10+s2+$0x0] =	vst.idx.msk vm0, v2;
	vm3 =	vlt.u32 v7, $0x64;
	vm2 =	vlt.s32 v7, $0x63;
	v2 =	vor.u32 $0x1, v3  }
0x88: {  	[tilespmem:v13+s2+$0x0] =	vst.idx.msk vm0, v4;
	v24 =	vnsel vm2, $0x63, v7;
	v4 =	vld.idx.msk [tilespmem:v6+s21+$0x0], $0xffff  }
0x89: {  	v1 =	vld.idx.msk [tilespmem:v1+s23+$0x0], $0xffff;
	v27 =	vshll.u32 v24, $0x1  }
0x8a: {  	v6 =	vld.idx.msk [tilespmem:v8+s21+$0x0], $0xffff  }
0x8b: {  	v3 =	vld.idx.msk [tilespmem:v3+s21+$0x0], $0xffff  }
0x8c: {  	v2 =	vld.idx.msk [tilespmem:v2+s21+$0x0], $0xffff  }
0x8d: {  	[tilespmem:v24+s0+$0x0] =	vst.idx.msk vm3, v12  }
0x8e: {  	vm1 =	vmmov vm1;
	v4 =	vmul.f32 $5.000000000e-01, v4;
	v7 =	vld.idx.msk [tilespmem:v27+s23+$0x0], $0xffff;
	v1 =	vshll.u32 v1, $0x2  }
0x8f: {  	v26 =	vadd.s32 $0x258, v20;
	v8 =	vor.u32 $0x2, v1;
	v6 =	vmul.f32 $5.000000000e-01, v6  }
0x90: {  	v11 =	vadd.s32 $0xC8, v20;
	v9 =	vor.u32 $0x3, v1;
	v10 =	vsub.f32 v3, v4  }
0x91: {  	v13 =	vadd.s32 $0x190, v20;
	v29 =	vor.u32 $0x1, v1;
	v14 =	vsub.f32 v2, v6  }
0x92: {  	v3 =	vadd.f32 v4, v3;
	v4 =	vor.u32 $0x1, v5;
	v10 =	vmul.f32 v10, v17  }
0x93: {  	v2 =	vadd.f32 v6, v2;
	v5 =	vshll.u32 v7, $0x2;
	v7 =	vmul.f32 v14, v15  }
0x94: {  	v3 =	vmul.f32 v3, v17;
	[tilespmem:v20+s2+$0x0] =	vst.idx.msk vm1, v10;
	v6 =	vld.idx.msk [tilespmem:v8+s21+$0x0], $0xffff  }
0x95: {  	v2 =	vmul.f32 v2, v15;
	v8 =	vor.u32 $0x2, v5;
	v10 =	vld.idx.msk [tilespmem:v9+s21+$0x0], $0xffff;
	[tilespmem:v11+s2+$0x0] =	vst.idx.msk vm1, v7  }
0x96: {  	s10 =	simm.s32 $0x30;
	v30 =	vld.idx.msk [tilespmem:v1+s21+$0x0], $0xffff;
	v14 =	vor.u32 $0x3, v5;
	[tilespmem:v13+s2+$0x0] =	vst.idx.msk vm1, v3  }
0x97: {  	v32 =	vadd.s32 $0x64, v25;
	v29 =	vld.idx.msk [tilespmem:v29+s21+$0x0], $0xffff;
	v1 =	vor.u32 $0x1, v5;
	[tilespmem:v26+s2+$0x0] =	vst.idx.msk vm1, v2;
	v2 =	vor.u32 s10, v0  }
0x98: {  	v31 =	vadd.s32 $0x12C, v25;
	vm0 =	vmmov vm0;
	v7 =	vld.idx.msk [tilespmem:v4+s23+$0x0], $0xffff;
	vm4 =	vlt.s32 v2, $0x63  }
0x99: {  	vm0 =	vmmov vm0;
	vm5 =	vlt.u32 v2, $0x64;
	v33 =	vld.idx.msk [tilespmem:v5+s21+$0x0], $0xffff;
	v26 =	vnsel vm4, $0x63, v2  }
0x9a: {  	v9 =	vld.idx.msk [tilespmem:v8+s21+$0x0], $0xffff;
	v4 =	vmul.f32 $5.000000000e-01, v6;
	v3 =	vmul.f32 $5.000000000e-01, v10;
	v2 =	vshll.u32 v26, $0x1  }
0x9b: {  	vm2 =	vmmov vm1;
	vm1 =	vmmov vm3;
	vm3 =	vmmov vm3;
	v8 =	vld.idx.msk [tilespmem:v14+s21+$0x0], $0xffff  }
0x9c: {  	s5 =	simm.s32 $0x40;
	v13 =	vld.idx.msk [tilespmem:v1+s21+$0x0], $0xffff;
	v1 =	vadd.s32 $0x1F4, v25;
	v6 =	vsub.f32 v30, v4;
	v5 =	vsub.f32 v29, v3  }
.LBB2_6:
0x9d: {  	vm4 =	vmmov vm5  }
0x9e: {  	p0 =	seq.s32 s5, $0x60;
	v6 =	vmul.f32 v6, v17;
	v4 =	vadd.f32 v4, v30;
	v10 =	vadd.s32 $0x2BC, v25;
	[tilespmem:v26+s0+$0x0] =	vst.idx.msk vm5, v12  }
0x9f: {  	v7 =	vshll.u32 v7, $0x2;
	v3 =	vadd.f32 v3, v29;
	v25 =	vmovc v20;
	v5 =	vmul.f32 v5, v15;
	v11 =	vld.idx.msk [tilespmem:v2+s23+$0x0], $0xffff  }
0xa0: {  	v20 =	vmovc v24;
	v9 =	vmul.f32 $5.000000000e-01, v9;
	v14 =	vor.u32 $0x2, v7;
	v4 =	vmul.f32 v4, v17;
	[tilespmem:v32+s2+$0x0] =	vst.idx.msk vm0, v6  }
0xa1: {  	v24 =	vmovc v26;
	v3 =	vmul.f32 v3, v15;
	v6 =	vmul.f32 $5.000000000e-01, v8;
	v8 =	vor.u32 $0x3, v7;
	[tilespmem:v31+s2+$0x0] =	vst.idx.msk vm0, v5  }
0xa2: {  	v26 =	vadd.s32 $0xC8, v20;
	v29 =	vadd.s32 $0x190, v20;
	v5 =	vsub.f32 v33, v9;
	[tilespmem:v1+s2+$0x0] =	vst.idx.msk vm0, v4  }
0xa3: {  	v31 =	vor.u32 $0x1, v7;
	v1 =	vsub.f32 v13, v6;
	v4 =	vadd.s32 $0x258, v20;
	[tilespmem:v10+s2+$0x0] =	vst.idx.msk vm0, v3  }
0xa4: {  	v3 =	vmul.f32 v5, v17;
	v5 =	vadd.f32 v9, v33;
	v9 =	vor.u32 $0x1, v27;
	v27 =	vmovc v2  }
0xa5: {  	v2 =	vadd.f32 v6, v13;
	v10 =	vshll.u32 v11, $0x2;
	v1 =	vmul.f32 v1, v15;
	v6 =	vld.idx.msk [tilespmem:v14+s21+$0x0], $0xffff  }
0xa6: {  	vm0 =	vmmov vm2;
	v11 =	vor.u32 $0x2, v10;
	[tilespmem:v20+s2+$0x0] =	vst.idx.msk vm1, v3;
	v3 =	vmul.f32 v5, v17;
	v5 =	vld.idx.msk [tilespmem:v8+s21+$0x0], $0xffff  }
0xa7: {  	vm2 =	vmmov vm1;
	v8 =	vor.u32 $0x3, v10;
	[tilespmem:v26+s2+$0x0] =	vst.idx.msk vm1, v1;
	v1 =	vmul.f32 v2, v15;
	v30 =	vld.idx.msk [tilespmem:v7+s21+$0x0], $0xffff  }
0xa8: {  	v2 =	vor.u32 s5, v0;
	[tilespmem:v29+s2+$0x0] =	vst.idx.msk vm1, v3;
	v29 =	vld.idx.msk [tilespmem:v31+s21+$0x0], $0xffff;
	vm1 =	vmmov vm5  }
0xa9: {  	v13 =	vor.u32 $0x1, v10;
	vm5 =	vlt.u32 v2, $0x64;
	vm6 =	vlt.s32 v2, $0x63;
	[tilespmem:v4+s2+$0x0] =	vst.idx.msk vm3, v1  }
.Ltmp2:
0xaa: {  	v26 =	vnsel vm6, $0x63, v2;
	vm3 =	vmmov vm4;
	v7 =	vld.idx.msk [tilespmem:v9+s23+$0x0], $0xffff;
	(pc) =	sbr.rel @!p0 .LBB2_6-.Ltmp2, $4  }
0xab: {  	v2 =	vshll.u32 v26, $0x1;
	v4 =	vmul.f32 $5.000000000e-01, v6;
	v9 =	vld.idx.msk [tilespmem:v11+s21+$0x0], $0xffff  }
0xac: {  	v32 =	vadd.s32 $0x64, v25;
	v3 =	vmul.f32 $5.000000000e-01, v5;
	v8 =	vld.idx.msk [tilespmem:v8+s21+$0x0], $0xffff  }
0xad: {  	v31 =	vadd.s32 $0x12C, v25;
	v6 =	vsub.f32 v30, v4;
	v33 =	vld.idx.msk [tilespmem:v10+s21+$0x0], $0xffff  }
0xae: {  	s5 =	sadd.s32 $0x10, s5;
	v1 =	vadd.s32 $0x1F4, v25;
	v5 =	vsub.f32 v29, v3;
	v13 =	vld.idx.msk [tilespmem:v13+s21+$0x0], $0xffff  }
0xaf: {  	_ =	sdelay $0x4  }
0xb0: {  	[tilespmem:v26+s0+$0x0] =	vst.idx.msk vm5, v12  }
0xb1: {  	v10 =	vld.idx.msk [tilespmem:v2+s23+$0x0], $0xffff;
	_ =	sdelay $0x4  }
0xb2: {  	v10 =	vshll.u32 v10, $0x2  }
0xb3: {  	v11 =	vor.u32 $0x2, v10  }
0xb4: {  	v14 =	vor.u32 $0x3, v10;
	_ =	sdelay $0x1  }
0xb5: {  	v34 =	vor.u32 $0x1, v10;
	_ =	sdelay $0x1  }
0xb6: {  	v9 =	vmul.f32 $5.000000000e-01, v9;
	v11 =	vld.idx.msk [tilespmem:v11+s21+$0x0], $0xffff  }
0xb7: {  	v8 =	vmul.f32 $5.000000000e-01, v8;
	v14 =	vld.idx.msk [tilespmem:v14+s21+$0x0], $0xffff  }
0xb8: {  	v36 =	vadd.s32 $0xC8, v24;
	v35 =	vsub.f32 v33, v9;
	v10 =	vld.idx.msk [tilespmem:v10+s21+$0x0], $0xffff  }
0xb9: {  	v52 =	vadd.s32 $0x190, v24;
	v37 =	vsub.f32 v13, v8;
	v8 =	vadd.f32 v8, v13;
	v13 =	vld.idx.msk [tilespmem:v34+s21+$0x0], $0xffff  }
0xba: {  	v53 =	vadd.s32 $0x258, v24;
	v9 =	vadd.f32 v9, v33;
	v35 =	vmul.f32 v35, v17  }
0xbb: {  	v27 =	vor.u32 $0x1, v27;
	v37 =	vmul.f32 v37, v15;
	v11 =	vmul.f32 $5.000000000e-01, v11  }
0xbc: {  	v9 =	vmul.f32 v9, v17;
	[tilespmem:v24+s2+$0x0] =	vst.idx.msk vm1, v35;
	v14 =	vmul.f32 $5.000000000e-01, v14  }
0xbd: {  	v55 =	vadd.s32 $0xC8, v26;
	v8 =	vmul.f32 v8, v15;
	[tilespmem:v36+s2+$0x0] =	vst.idx.msk vm1, v37;
	v54 =	vsub.f32 v10, v11  }
0xbe: {  	v7 =	vshll.u32 v7, $0x2;
	[tilespmem:v52+s2+$0x0] =	vst.idx.msk vm1, v9;
	v9 =	vadd.s32 $0x190, v26;
	v57 =	vsub.f32 v13, v14  }
0xbf: {  	[tilespmem:v53+s2+$0x0] =	vst.idx.msk vm3, v8;
	v8 =	vadd.f32 v11, v10;
	v10 =	vadd.s32 $0x258, v26;
	v11 =	vmul.f32 v54, v17  }
0xc0: {  	v2 =	vor.u32 $0x1, v2;
	v27 =	vld.idx.msk [tilespmem:v27+s23+$0x0], $0xffff;
	v13 =	vadd.f32 v14, v13;
	v33 =	vmul.f32 v57, v15  }
0xc1: {  	v56 =	vor.u32 $0x2, v7;
	v8 =	vmul.f32 v8, v17;
	[tilespmem:v26+s2+$0x0] =	vst.idx.msk vm5, v11  }
0xc2: {  	v14 =	vor.u32 $0x3, v7;
	v11 =	vmul.f32 v13, v15;
	[tilespmem:v55+s2+$0x0] =	vst.idx.msk vm5, v33  }
0xc3: {  	[tilespmem:v9+s2+$0x0] =	vst.idx.msk vm5, v8  }
0xc4: {  	v13 =	vor.u32 $0x1, v7;
	[tilespmem:v10+s2+$0x0] =	vst.idx.msk vm5, v11  }
0xc5: {  	v9 =	vshll.u32 v27, $0x2;
	v2 =	vld.idx.msk [tilespmem:v2+s23+$0x0], $0xffff  }
0xc6: {  	vm4 =	vmmov vm5;
	v4 =	vadd.f32 v4, v30;
	v8 =	vld.idx.msk [tilespmem:v56+s21+$0x0], $0xffff;
	v11 =	vor.u32 $0x2, v9  }
0xc7: {  	v6 =	vmul.f32 v6, v17;
	v25 =	vadd.s32 $0x2BC, v25;
	v10 =	vld.idx.msk [tilespmem:v14+s21+$0x0], $0xffff;
	v14 =	vor.u32 $0x3, v9  }
0xc8: {  	v3 =	vadd.f32 v3, v29;
	vm2 =	vmmov vm2;
	vm14 =	vmmov vm1;
	v7 =	vld.idx.msk [tilespmem:v7+s21+$0x0], $0xffff  }
0xc9: {  	v59 =	vadd.s32 $0x64, v20;
	v5 =	vmul.f32 v5, v15;
	v27 =	vor.u32 $0x1, v9;
	v13 =	vld.idx.msk [tilespmem:v13+s21+$0x0], $0xffff  }
0xca: {  	v0 =	vand.u32 $0x7F, v16;
	v4 =	vmul.f32 v4, v17;
	[tilespmem:v32+s2+$0x0] =	vst.idx.msk vm0, v6;
	v2 =	vshll.u32 v2, $0x2  }
0xcb: {  	vm15 =	vmmov vm4;
	[tilespmem:v31+s2+$0x0] =	vst.idx.msk vm0, v5;
	v8 =	vmul.f32 $5.000000000e-01, v8;
	v11 =	vld.idx.msk [tilespmem:v11+s21+$0x0], $0xffff;
	v29 =	vor.u32 $0x2, v2  }
0xcc: {  	v3 =	vmul.f32 v3, v15;
	[tilespmem:v1+s2+$0x0] =	vst.idx.msk vm0, v4;
	v10 =	vmul.f32 $5.000000000e-01, v10;
	v14 =	vld.idx.msk [tilespmem:v14+s21+$0x0], $0xffff;
	v58 =	vor.u32 $0x3, v2  }
0xcd: {  	v30 =	vsub.f32 v7, v8;
	v7 =	vadd.f32 v8, v7;
	v8 =	vld.idx.msk [tilespmem:v9+s21+$0x0], $0xffff;
	v9 =	vadd.s32 $0x12C, v20  }
0xce: {  	v60 =	vsub.f32 v13, v10;
	v10 =	vadd.f32 v10, v13;
	v13 =	vld.idx.msk [tilespmem:v27+s21+$0x0], $0xffff;
	v27 =	vor.u32 $0x1, v2  }
0xcf: {  	v6 =	vadd.s32 $0x1F4, v20;
	v5 =	vadd.s32 $0x2BC, v20;
	[tilespmem:v25+s2+$0x0] =	vst.idx.msk vm0, v3;
	v3 =	vadd.s32 $0x64, v24  }
0xd0: {  	v25 =	vadd.s32 $0x12C, v24;
	v30 =	vmul.f32 v30, v17;
	v61 =	vmul.f32 v60, v15;
	v20 =	vld.idx.msk [tilespmem:v29+s21+$0x0], $0xffff  }
0xd1: {  	vm1 =	vmmov vm14;
	v1 =	vmul.f32 v10, v15;
	v11 =	vmul.f32 $5.000000000e-01, v11;
	v10 =	vld.idx.msk [tilespmem:v58+s21+$0x0], $0xffff  }
0xd2: {  	vm0 =	vmmov vm15;
	v7 =	vmul.f32 v7, v17;
	v4 =	vmul.f32 $5.000000000e-01, v14;
	[tilespmem:v59+s2+$0x0] =	vst.idx.msk vm2, v30;
	v2 =	vld.idx.msk [tilespmem:v2+s21+$0x0], $0xffff  }
0xd3: {  	v35 =	vimm.f32 $-Inf;
	v30 =	vadd.s32 $0x1F4, v24;
	[tilespmem:v9+s2+$0x0] =	vst.idx.msk vm2, v61;
	v14 =	vsub.f32 v8, v11;
	v27 =	vld.idx.msk [tilespmem:v27+s21+$0x0], $0xffff  }
0xd4: {  	v29 =	vsub.f32 v13, v4;
	v8 =	vadd.f32 v11, v8;
	v11 =	vadd.s32 $0x2BC, v24;
	[tilespmem:v6+s2+$0x0] =	vst.idx.msk vm2, v7  }
0xd5: {  	[tilespmem:v5+s2+$0x0] =	vst.idx.msk vm2, v1;
	v1 =	vadd.f32 v4, v13;
	v9 =	vmul.f32 v14, v17;
	v7 =	vmul.f32 $5.000000000e-01, v20  }
0xd6: {  	v4 =	vadd.s32 $0x64, v26;
	v6 =	vmul.f32 v29, v15;
	v5 =	vmul.f32 $5.000000000e-01, v10  }
0xd7: {  	[tilespmem:v3+s2+$0x0] =	vst.idx.msk vm1, v9;
	v3 =	vmul.f32 v8, v17;
	v9 =	vadd.s32 $0x12C, v26;
	v8 =	vsub.f32 v2, v7  }
0xd8: {  	v1 =	vmul.f32 v1, v15;
	[tilespmem:v25+s2+$0x0] =	vst.idx.msk vm1, v6;
	v10 =	vadd.s32 $0x1F4, v26;
	v6 =	vsub.f32 v27, v5  }
0xd9: {  	v36 =	vimm.f32 $-Inf;
	[tilespmem:v30+s2+$0x0] =	vst.idx.msk vm1, v3;
	v2 =	vadd.f32 v7, v2;
	v3 =	vmul.f32 v8, v17  }
0xda: {  	v7 =	vadd.s32 $0x2BC, v26;
	[tilespmem:v11+s2+$0x0] =	vst.idx.msk vm1, v1;
	v5 =	vadd.f32 v5, v27;
	v1 =	vmul.f32 v6, v15  }
0xdb: {  	s8 =	simm.s32 $0x1;
	s6 =	simm.s32 $0x2;
	v29 =	vimm.s32 $0x0;
	v30 =	vimm.f32 $-Inf;
	v2 =	vmul.f32 v2, v17;
	[tilespmem:v4+s2+$0x0] =	vst.idx.msk vm0, v3  }
0xdc: {  	s5 =	simm.s32 $0x3;
	v4 =	vmov s8;
	[tilespmem:v9+s2+$0x0] =	vst.idx.msk vm0, v1;
	v1 =	vmul.f32 v5, v15;
	v5 =	vmov s6  }
0xdd: {  	v8 =	vshll.u32 v4, $0x7;
	v4 =	vshrl.u32 v4, $0x3;
	[tilespmem:v10+s2+$0x0] =	vst.idx.msk vm0, v2;
	v2 =	vmov s5  }
0xde: {  	v6 =	vshll.u32 v5, $0x7;
	v5 =	vshrl.u32 v5, $0x3;
	v4 =	vmul.u32 $0xC00, v4  }
0xdf: {  	[tilespmem:v7+s2+$0x0] =	vst.idx.msk vm0, v1;
	v1 =	vshll.u32 v16, $0x3;
	v7 =	vshll.u32 v2, $0x7;
	v2 =	vshrl.u32 v2, $0x3  }
0xe0: {  	v9 =	vand.u32 $0x300, v6;
	v5 =	vmul.u32 $0xC00, v5;
	v17 =	vand.u32 $0xFFFFFC00, v1  }
0xe1: {  	[tilespmem:$0x1FF00] =	vst v0;
	v0 =	vand.u32 $0x7F, v18;
	v1 =	vshll.u32 v18, $0x3;
	v18 =	vand.u32 $0x7F, v19  }
0xe2: {  	v2 =	vmul.u32 $0xC00, v2;
	v6 =	vand.u32 $0x380, v7;
	v7 =	vand.u32 $0x280, v8  }
0xe3: {  	v20 =	vand.u32 $0xFFFFFC00, v1;
	v1 =	vshll.u32 v19, $0x3;
	v19 =	vand.u32 $0x7F, v22  }
0xe4: {  	[tilespmem:$0x1FF10] =	vst v0;
	v0 =	vand.u32 $0x7F, v28;
	v59 =	vadd.s32 v17, v5;
	v24 =	vand.u32 $0xFFFFFC00, v1  }
0xe5: {  	v1 =	vshll.u32 v22, $0x3;
	v22 =	vand.u32 $0x7F, v23;
	v62 =	vadd.s32 v17, v2  }
0xe6: {  	v63 =	vadd.s32 v20, v2;
	v40 =	vadd.s32 v20, v5;
	v25 =	vand.u32 $0xFFFFFC00, v1  }
0xe7: {  	v1 =	vshll.u32 v23, $0x3;
	v23 =	vand.u32 $0x7F, v21;
	v56 =	vadd.s32 v24, v2  }
0xe8: {  	v41 =	vadd.s32 v24, v5;
	v26 =	vand.u32 $0xFFFFFC00, v1;
	v1 =	vshll.u32 v21, $0x3  }
0xe9: {  	s9 =	simm.s32 $0x0;
	v57 =	vadd.s32 v25, v2;
	v27 =	vand.u32 $0xFFFFFC00, v1;
	v1 =	vshll.u32 v28, $0x3  }
0xea: {  	v42 =	vadd.s32 v25, v5;
	v28 =	vand.u32 $0xFFFFFC00, v1;
	v1 =	vmov s9  }
0xeb: {  	[tilespmem:$0x1FF20] =	vst v0;
	v0 =	vld [tilespmem:$0x1FF00];
	v58 =	vadd.s32 v26, v2;
	v3 =	vshll.u32 v1, $0x7;
	v1 =	vshrl.u32 v1, $0x3  }
0xec: {  	v12 =	vld [tilespmem:$0x1FF10];
	v43 =	vadd.s32 v26, v5;
	v54 =	vor.u32 v9, v42;
	v1 =	vmul.u32 $0xC00, v1  }
0xed: {  	v42 =	vimm.f32 $-Inf;
	v38 =	vadd.s32 v27, v2;
	v45 =	vadd.s32 v27, v5  }
0xee: {  	v39 =	vadd.s32 v28, v2;
	v3 =	vand.u32 $0x200, v3;
	v8 =	vadd.s32 v17, v1  }
0xef: {  	v49 =	vadd.s32 v28, v5;
	v10 =	vadd.s32 v20, v1;
	v2 =	vor.u32 v3, v8  }
0xf0: {  	v11 =	vadd.s32 v24, v1;
	v44 =	vor.u32 v0, v2;
	v2 =	vor.u32 v3, v10  }
0xf1: {  	v13 =	vadd.s32 v25, v1;
	v46 =	vor.u32 v12, v2;
	v2 =	vor.u32 v3, v11  }
0xf2: {  	v14 =	vadd.s32 v26, v1;
	v47 =	vor.u32 v18, v2;
	v2 =	vor.u32 v3, v13  }
0xf3: {  	v31 =	vadd.s32 v27, v1;
	v48 =	vor.u32 v19, v2;
	v2 =	vor.u32 v3, v14  }
0xf4: {  	v5 =	vadd.s32 v17, v4;
	v50 =	vor.u32 v22, v2;
	v2 =	vor.u32 v3, v31  }
0xf5: {  	v33 =	vor.u32 v6, v39;
	v1 =	vadd.s32 v28, v1;
	v52 =	vor.u32 v23, v2;
	v2 =	vld [tilespmem:$0x1FF20]  }
0xf6: {  	v39 =	vimm.f32 $-Inf;
	v1 =	vor.u32 v3, v1;
	v3 =	vor.u32 v6, v62  }
0xf7: {  	v8 =	vadd.s32 v20, v4;
	v10 =	vadd.s32 v24, v4;
	v34 =	vor.u32 v0, v3  }
0xf8: {  	v11 =	vadd.s32 v25, v4;
	v13 =	vadd.s32 v26, v4;
	v14 =	vadd.s32 v27, v4  }
0xf9: {  	v31 =	vadd.s32 v28, v4;
	v4 =	vor.u32 v6, v63;
	v60 =	vor.u32 v7, v14  }
0xfa: {  	v3 =	vor.u32 v9, v43;
	v32 =	vor.u32 v2, v1;
	v2 =	vor.u32 v6, v57;
	v57 =	vld.idx.msk [tilespmem:v44+s18+$0x0], $0xffff  }
0xfb: {  	v43 =	vimm.f32 $-Inf;
	v1 =	vor.u32 v7, v5;
	v5 =	vor.u32 v9, v59;
	v44 =	vld.idx.msk [tilespmem:v46+s18+$0x0], $0xffff  }
0xfc: {  	v59 =	vor.u32 v7, v13;
	v13 =	vld.idx.msk [tilespmem:v34+s18+$0x0], $0xffff;
	v34 =	vimm.s32 $0x0;
	v61 =	vor.u32 v0, v1  }
0xfd: {  	v46 =	vld.idx.msk [tilespmem:v47+s18+$0x0], $0xffff;
	v1 =	vor.u32 v6, v56;
	v56 =	vor.u32 v6, v58;
	v37 =	vor.u32 v0, v5  }
0xfe: {  	v47 =	vld.idx.msk [tilespmem:v48+s18+$0x0], $0xffff;
	v58 =	vor.u32 v6, v38;
	v5 =	vor.u32 v9, v40;
	v6 =	vor.u32 v9, v41  }
0xff: {  	v48 =	vld.idx.msk [tilespmem:v50+s18+$0x0], $0xffff;
	v38 =	vor.u32 v12, v4;
	v4 =	vor.u32 v7, v8;
	v8 =	vor.u32 v7, v10  }
0x100: {  	v41 =	vimm.f32 $-Inf;
	v55 =	vor.u32 v12, v4;
	v4 =	vor.u32 v9, v49;
	v49 =	vld.idx.msk [tilespmem:v52+s18+$0x0], $0xffff  }
0x101: {  	v40 =	vimm.s32 $0x0;
	v53 =	vor.u32 v18, v8;
	v8 =	vor.u32 v7, v11;
	v50 =	vld.idx.msk [tilespmem:v32+s18+$0x0], $0xffff  }
0x102: {  	v51 =	vor.u32 v18, v1;
	v1 =	vor.u32 v12, v5;
	v52 =	vor.u32 v19, v8;
	v8 =	vld.idx.msk [tilespmem:v61+s18+$0x0], $0xffff  }
0x103: {  	v5 =	vor.u32 v9, v45;
	v7 =	vor.u32 v7, v31;
	v31 =	vimm.s32 $0x0;
	v9 =	vld.idx.msk [tilespmem:v37+s18+$0x0], $0xffff  }
0x104: {  	s10 =	simm.s32 $0x4;
	v32 =	vimm.s32 $0x0;
	v45 =	vld.idx.msk [tilespmem:v38+s18+$0x0], $0xffff;
	v38 =	vimm.s32 $0x0;
	v37 =	vimm.s32 $0x0  }
.LBB2_8:
0x105: {  	_ =	sdelay $0x1  }
0x106: {  	vm0 =	vgt.f32 v57, v30;
	v6 =	vor.u32 v18, v6;
	v10 =	vld.idx.msk [tilespmem:v51+s18+$0x0], $0xffff  }
0x107: {  	v2 =	vor.u32 v19, v2;
	v51 =	vld.idx.msk [tilespmem:v55+s18+$0x0], $0xffff;
	v63 =	vor.u32 v22, v56;
	v55 =	vor.u32 v23, v58  }
0x108: {  	v3 =	vor.u32 v22, v3;
	v5 =	vor.u32 v23, v5;
	v61 =	vor.u32 v22, v59  }
0x109: {  	v58 =	vld [tilespmem:$0x1FF20];
	vm15 =	vgt.f32 v44, v42;
	v0 =	vimm.s32 $0x0;
	vm1 =	vgt.f32 v46, v41  }
0x10a: {  	vm2 =	vgt.f32 v47, v39;
	v11 =	vsel vm0, v57, v30;
	v0 =	vsel vm15, $0xFFFFFFFF, v0  }
0x10b: {  	v52 =	vld.idx.msk [tilespmem:v52+s18+$0x0], $0xffff;
	v14 =	vsel vm0, s9, v29;
	v29 =	vor.u32 v19, v54;
	[tilespmem:$0x1FE80] =	vst v0;
	v0 =	vimm.s32 $0x0  }
0x10c: {  	v39 =	vsel vm2, v47, v39;
	v0 =	vsel vm1, $0xFFFFFFFF, v0;
	vm12 =	vgt.f32 v8, v11  }
0x10d: {  	[tilespmem:$0x1FE90] =	vst v0;
	v0 =	vimm.s32 $0x0;
	v8 =	vsel vm12, v8, v11;
	v11 =	vsel vm12, s8, v14  }
0x10e: {  	v14 =	vld.idx.msk [tilespmem:v53+s18+$0x0], $0xffff;
	v33 =	vor.u32 v58, v33;
	v4 =	vor.u32 v58, v4;
	vm13 =	vgt.f32 v9, v8  }
0x10f: {  	v1 =	vld.idx.msk [tilespmem:v1+s18+$0x0], $0xffff;
	v7 =	vor.u32 v58, v7;
	v0 =	vsel vm2, $0xFFFFFFFF, v0;
	v8 =	vsel vm13, v9, v8  }
0x110: {  	v6 =	vld.idx.msk [tilespmem:v6+s18+$0x0], $0xffff;
	vm2 =	vgt.f32 v52, v39;
	[tilespmem:$0x1FEA0] =	vst v0;
	v0 =	vimm.s32 $0x0;
	vm14 =	vgt.f32 v13, v8  }
0x111: {  	v62 =	vld.idx.msk [tilespmem:v29+s18+$0x0], $0xffff;
	v9 =	vsel vm13, s6, v11;
	v11 =	vor.u32 v23, v60;
	v30 =	vsel vm14, v13, v8  }
0x112: {  	v29 =	vsel vm14, s5, v9;
	v9 =	vsel vm15, v44, v42;
	v13 =	vsel vm1, v46, v41  }
0x113: {  	v2 =	vld.idx.msk [tilespmem:v2+s18+$0x0], $0xffff;
	vm14 =	vgt.f32 v50, v36;
	vm0 =	vgt.f32 v51, v9;
	vm1 =	vgt.f32 v14, v13  }
0x114: {  	v0 =	vsel vm0, $0xFFFFFFFF, v0;
	v9 =	vsel vm0, v51, v9;
	v13 =	vsel vm1, v14, v13  }
0x115: {  	v8 =	vld.idx.msk [tilespmem:v63+s18+$0x0], $0xffff;
	v14 =	vsel vm2, v52, v39;
	[tilespmem:$0x1FEB0] =	vst v0;
	v0 =	vimm.s32 $0x0;
	vm0 =	vgt.f32 v1, v9  }
0x116: {  	v7 =	vld.idx.msk [tilespmem:v7+s18+$0x0], $0xffff;
	vm8 =	vgt.f32 v62, v14;
	v0 =	vsel vm1, $0xFFFFFFFF, v0;
	vm1 =	vgt.f32 v6, v13  }
0x117: {  	v63 =	vld.idx.msk [tilespmem:v61+s18+$0x0], $0xffff;
	v1 =	vsel vm0, v1, v9;
	v9 =	vsel vm8, v62, v14;
	[tilespmem:$0x1FEC0] =	vst v0;
	v0 =	vimm.s32 $0x0  }
0x118: {  	v4 =	vld.idx.msk [tilespmem:v4+s18+$0x0], $0xffff;
	v6 =	vsel vm1, v6, v13;
	vm11 =	vgt.f32 v2, v9;
	v0 =	vsel vm2, $0xFFFFFFFF, v0  }
0x119: {  	v11 =	vld.idx.msk [tilespmem:v11+s18+$0x0], $0xffff;
	vm10 =	vgt.f32 v10, v6;
	v39 =	vsel vm11, v2, v9;
	[tilespmem:$0x1FED0] =	vst v0;
	v0 =	vimm.s32 $0x0  }
0x11a: {  	v2 =	vld.idx.msk [tilespmem:v33+s18+$0x0], $0xffff;
	v41 =	vsel vm10, v10, v6;
	v10 =	vsel vm14, v50, v36;
	v0 =	vsel vm0, $0xFFFFFFFF, v0  }
0x11b: {  	v3 =	vld.idx.msk [tilespmem:v3+s18+$0x0], $0xffff;
	vm7 =	vgt.f32 v7, v10;
	[tilespmem:$0x1FEE0] =	vst v0;
	v0 =	vimm.s32 $0x0  }
0x11c: {  	v5 =	vld.idx.msk [tilespmem:v5+s18+$0x0], $0xffff;
	vm12 =	vgt.f32 v48, v43;
	v7 =	vsel vm7, v7, v10;
	v0 =	vsel vm1, $0xFFFFFFFF, v0  }
0x11d: {  	vm13 =	vgt.f32 v49, v35;
	v6 =	vsel vm12, v48, v43;
	vm5 =	vgt.f32 v4, v7;
	[tilespmem:$0x1FEF0] =	vst v0;
	v0 =	vld [tilespmem:$0x1FE80]  }
0x11e: {  	v9 =	vsel vm13, v49, v35;
	vm15 =	vgt.f32 v63, v6;
	v4 =	vsel vm5, v4, v7  }
0x11f: {  	vm6 =	vgt.f32 v11, v9;
	v6 =	vsel vm15, v63, v6;
	vm2 =	vgt.f32 v2, v4  }
0x120: {  	v9 =	vsel vm6, v11, v9;
	v36 =	vsel vm2, v2, v4;
	v2 =	vsel vm13, s9, v32  }
0x121: {  	vm3 =	vgt.f32 v3, v6;
	vm4 =	vgt.f32 v5, v9;
	v2 =	vsel vm6, s8, v2  }
0x122: {  	v5 =	vsel vm4, v5, v9;
	v2 =	vsel vm4, s6, v2;
	vm4 =	vnez.u8 v0;
	v0 =	vld [tilespmem:$0x1FE90]  }
0x123: {  	v3 =	vsel vm3, v3, v6  }
0x124: {  	vm0 =	vgt.f32 v8, v3  }
0x125: {  	v43 =	vsel vm0, v8, v3;
	v3 =	vsel vm14, s9, v31  }
0x126: {  	v3 =	vsel vm7, s8, v3  }
0x127: {  	v3 =	vsel vm5, s6, v3;
	vm5 =	vnez.u8 v0;
	v0 =	vld [tilespmem:$0x1FEA0];
	_ =	sdelay $0x4  }
0x128: {  	vm6 =	vnez.u8 v0;
	v0 =	vld [tilespmem:$0x1FEB0];
	_ =	sdelay $0x2  }
0x129: {  	vm9 =	vgt.f32 v45, v1  }
0x12a: {  	v42 =	vsel vm9, v45, v1;
	v1 =	vld.idx.msk [tilespmem:v55+s18+$0x0], $0xffff  }
0x12b: {  	vm7 =	vnez.u8 v0;
	v0 =	vld [tilespmem:$0x1FEC0];
	_ =	sdelay $0x3  }
0x12c: {  	vm1 =	vgt.f32 v1, v5  }
0x12d: {  	v35 =	vsel vm1, v1, v5;
	v1 =	vsel vm12, s9, v34;
	vm12 =	vnez.u8 v0;
	v0 =	vld [tilespmem:$0x1FED0];
	_ =	sdelay $0x1  }
0x12e: {  	v1 =	vsel vm15, s8, v1  }
0x12f: {  	v1 =	vsel vm3, s6, v1  }
0x130: {  	v34 =	vsel vm0, s5, v1  }
0x131: {  	v32 =	vsel vm1, s5, v2;
	v31 =	vsel vm2, s5, v3;
	vm13 =	vnez.u8 v0;
	v0 =	vld [tilespmem:$0x1FEE0]  }
0x132: {  	v1 =	vsel vm4, s9, v40;
	v2 =	vsel vm5, s9, v38;
	v3 =	vsel vm6, s9, v37  }
0x133: {  	v1 =	vsel vm7, s8, v1;
	v2 =	vsel vm12, s8, v2;
	v3 =	vsel vm13, s8, v3;
	s8 =	sadd.s32 $0x1, s10  }
0x134: {  	v4 =	vmov s8  }
0x135: {  	v8 =	vshll.u32 v4, $0x7;
	v4 =	vshrl.u32 v4, $0x3  }
0x136: {  	v3 =	vsel vm8, s6, v3;
	v4 =	vmul.u32 $0xC00, v4;
	vm14 =	vnez.u8 v0;
	v0 =	vld [tilespmem:$0x1FEF0]  }
0x137: {  	v37 =	vsel vm11, s5, v3;
	v1 =	vsel vm14, s6, v1  }
0x138: {  	v62 =	vadd.s32 v20, v4;
	v40 =	vsel vm9, s5, v1;
	v1 =	vmov s10  }
0x139: {  	v63 =	vadd.s32 v25, v4;
	v3 =	vshll.u32 v1, $0x7;
	v1 =	vshrl.u32 v1, $0x3  }
0x13a: {  	v12 =	vadd.s32 v27, v4;
	v15 =	vadd.s32 v28, v4;
	v1 =	vmul.u32 $0xC00, v1  }
0x13b: {  	v3 =	vand.u32 $0x200, v3;
	vm15 =	vnez.u8 v0;
	v0 =	vadd.s32 v26, v4  }
0x13c: {  	v2 =	vsel vm15, s6, v2;
	v10 =	vadd.s32 v20, v1;
	v11 =	vadd.s32 v24, v1  }
0x13d: {  	s6 =	sadd.s32 $0x2, s10;
	v13 =	vadd.s32 v25, v1;
	v14 =	vadd.s32 v26, v1;
	v33 =	vadd.s32 v27, v1  }
0x13e: {  	v38 =	vsel vm10, s5, v2;
	s5 =	sadd.s32 $0x3, s10;
	v5 =	vmov s6;
	v11 =	vor.u32 v3, v11  }
0x13f: {  	v13 =	vor.u32 v3, v13;
	v2 =	vmov s5;
	v6 =	vshll.u32 v5, $0x7  }
0x140: {  	v5 =	vshrl.u32 v5, $0x3;
	v7 =	vshll.u32 v2, $0x7;
	v2 =	vshrl.u32 v2, $0x3  }
0x141: {  	v9 =	vand.u32 $0x300, v6;
	v5 =	vmul.u32 $0xC00, v5;
	v2 =	vmul.u32 $0xC00, v2  }
0x142: {  	v6 =	vand.u32 $0x380, v7;
	v7 =	vand.u32 $0x280, v8;
	v8 =	vadd.s32 v17, v1  }
0x143: {  	v50 =	vadd.s32 v17, v5;
	v53 =	vadd.s32 v20, v5;
	v54 =	vadd.s32 v24, v5  }
0x144: {  	v16 =	vld [tilespmem:$0x1FF00];
	v55 =	vadd.s32 v25, v5;
	v59 =	vadd.s32 v26, v5;
	v60 =	vadd.s32 v27, v5  }
0x145: {  	v21 =	vmovc v17;
	v61 =	vadd.s32 v28, v5;
	v5 =	vadd.s32 v17, v4;
	v44 =	vadd.s32 v17, v2;
	v17 =	vld [tilespmem:$0x1FF10]  }
0x146: {  	v11 =	vor.u32 v18, v11;
	v13 =	vor.u32 v19, v13;
	v45 =	vadd.s32 v20, v2  }
0x147: {  	v47 =	vadd.s32 v24, v2;
	v48 =	vadd.s32 v25, v2;
	v49 =	vadd.s32 v26, v2  }
0x148: {  	v51 =	vadd.s32 v27, v2;
	v52 =	vadd.s32 v28, v2;
	v2 =	vor.u32 v3, v8  }
0x149: {  	v14 =	vor.u32 v3, v14;
	v8 =	vor.u32 v3, v10;
	v2 =	vor.u32 v16, v2  }
0x14a: {  	v33 =	vor.u32 v3, v33;
	v1 =	vadd.s32 v28, v1;
	v8 =	vor.u32 v17, v8  }
0x14b: {  	v14 =	vor.u32 v22, v14;
	v1 =	vor.u32 v3, v1;
	v10 =	vadd.s32 v24, v4  }
0x14c: {  	v4 =	vor.u32 v23, v33;
	v1 =	vor.u32 v58, v1;
	v3 =	vor.u32 v6, v44;
	v46 =	vld.idx.msk [tilespmem:v11+s18+$0x0], $0xffff  }
0x14d: {  	v11 =	vor.u32 v6, v47;
	v47 =	vld.idx.msk [tilespmem:v13+s18+$0x0], $0xffff;
	v13 =	vor.u32 v9, v50;
	v56 =	vor.u32 v6, v49  }
0x14e: {  	v57 =	vld.idx.msk [tilespmem:v2+s18+$0x0], $0xffff;
	v2 =	vor.u32 v7, v5;
	v5 =	vor.u32 v6, v45;
	v45 =	vor.u32 v16, v3  }
0x14f: {  	v58 =	vor.u32 v6, v51;
	v33 =	vor.u32 v6, v52;
	v44 =	vld.idx.msk [tilespmem:v8+s18+$0x0], $0xffff;
	v8 =	vor.u32 v16, v2  }
0x150: {  	v10 =	vor.u32 v7, v10;
	v2 =	vor.u32 v6, v48;
	v48 =	vld.idx.msk [tilespmem:v14+s18+$0x0], $0xffff;
	v14 =	vor.u32 v16, v13  }
0x151: {  	p0 =	slt.u32 s10, $0x4C;
	v51 =	vor.u32 v18, v11;
	v11 =	vor.u32 v7, v62;
	v49 =	vld.idx.msk [tilespmem:v4+s18+$0x0], $0xffff;
	v16 =	vor.u32 v17, v5  }
.Ltmp3:
0x152: {  	v4 =	vor.u32 v9, v53;
	v50 =	vld.idx.msk [tilespmem:v1+s18+$0x0], $0xffff;
	v53 =	vor.u32 v18, v10;
	v10 =	vor.u32 v7, v63;
	(pc) =	sbr.rel @p0 .LBB2_8-.Ltmp3, $4  }
0x153: {  	v3 =	vor.u32 v9, v59;
	v1 =	vor.u32 v17, v4;
	v4 =	vor.u32 v9, v61;
	v13 =	vld.idx.msk [tilespmem:v45+s18+$0x0], $0xffff  }
0x154: {  	v59 =	vor.u32 v7, v0;
	v52 =	vor.u32 v19, v10;
	v6 =	vor.u32 v9, v54;
	v8 =	vld.idx.msk [tilespmem:v8+s18+$0x0], $0xffff  }
0x155: {  	v54 =	vor.u32 v9, v55;
	v5 =	vor.u32 v9, v60;
	v55 =	vor.u32 v17, v11;
	v9 =	vld.idx.msk [tilespmem:v14+s18+$0x0], $0xffff  }
0x156: {  	s9 =	smov.u32 s10;
	s10 =	sadd.s32 $0x4, s10;
	v17 =	vmov v21;
	v60 =	vor.u32 v7, v12;
	v7 =	vor.u32 v7, v15;
	v45 =	vld.idx.msk [tilespmem:v16+s18+$0x0], $0xffff  }
0x157: {  	vm0 =	vgt.f32 v57, v30  }
0x158: {  	v0 =	vor.u32 v22, v59;
	v11 =	vor.u32 v23, v60;
	v6 =	vor.u32 v18, v6;
	v21 =	vld [tilespmem:$0x1FF20]  }
0x159: {  	v2 =	vor.u32 v19, v2;
	v3 =	vor.u32 v22, v3;
	v5 =	vor.u32 v23, v5  }
0x15a: {  	v12 =	vor.u32 v22, v56;
	vm4 =	vgt.f32 v48, v43;
	vm5 =	vgt.f32 v49, v35  }
0x15b: {  	vm6 =	vgt.f32 v50, v36;
	v59 =	vadd.s32 v22, v26;
	v10 =	vsel vm0, v57, v30  }
0x15c: {  	v60 =	vadd.s32 v23, v27;
	v56 =	vimm.f32 $0.0e+00;
	vm1 =	vgt.f32 v8, v10  }
0x15d: {  	v15 =	vsel vm6, v50, v36;
	v8 =	vsel vm1, v8, v10;
	v7 =	vor.u32 v21, v7  }
0x15e: {  	v16 =	vsel vm5, s9, v32;
	v10 =	vsel vm0, s9, v29;
	vm14 =	vgt.f32 v9, v8  }
0x15f: {  	v29 =	vsel vm6, s9, v31;
	v10 =	vsel vm1, s8, v10;
	v8 =	vsel vm14, v9, v8;
	v0 =	vld.idx.msk [tilespmem:v0+s18+$0x0], $0xffff  }
0x160: {  	v4 =	vor.u32 v21, v4;
	v11 =	vld.idx.msk [tilespmem:v11+s18+$0x0], $0xffff;
	v10 =	vsel vm14, s6, v10;
	vm15 =	vgt.f32 v13, v8  }
0x161: {  	vm6 =	vgt.f32 v47, v39;
	v30 =	vsel vm15, v13, v8;
	v8 =	vsel vm15, s5, v10  }
0x162: {  	v50 =	vimm.f32 $0.0e+00;
	v9 =	vor.u32 v23, v58;
	v14 =	vor.u32 v21, v33;
	v7 =	vld.idx.msk [tilespmem:v7+s18+$0x0], $0xffff;
	[tilespmem:$0x1FDD0] =	vst v8  }
0x163: {  	v61 =	vadd.s32 v21, v28;
	v10 =	vsel vm4, s9, v34;
	v8 =	vsel vm4, v48, v43;
	v3 =	vld.idx.msk [tilespmem:v3+s18+$0x0], $0xffff  }
0x164: {  	v13 =	vsel vm5, v49, v35;
	vm5 =	vgt.f32 v46, v41;
	v5 =	vld.idx.msk [tilespmem:v5+s18+$0x0], $0xffff;
	vm7 =	vgt.f32 v0, v8  }
0x165: {  	vm8 =	vgt.f32 v11, v13;
	v4 =	vld.idx.msk [tilespmem:v4+s18+$0x0], $0xffff;
	v0 =	vsel vm7, v0, v8;
	v8 =	vsel vm7, s8, v10  }
0x166: {  	v12 =	vld.idx.msk [tilespmem:v12+s18+$0x0], $0xffff;
	v10 =	vsel vm8, v11, v13;
	v11 =	vsel vm8, s8, v16;
	v16 =	vadd.s32 v19, v25  }
0x167: {  	vm4 =	vgt.f32 v44, v42;
	v9 =	vld.idx.msk [tilespmem:v9+s18+$0x0], $0xffff;
	v16 =	vadd.s32 $0x7800, v16;
	vm9 =	vgt.f32 v7, v15  }
0x168: {  	v13 =	vld.idx.msk [tilespmem:v14+s18+$0x0], $0xffff;
	v7 =	vsel vm9, v7, v15;
	vm10 =	vgt.f32 v3, v0;
	v14 =	vsel vm9, s8, v29  }
0x169: {  	vm11 =	vgt.f32 v5, v10;
	v15 =	vadd.s32 v18, v24;
	v0 =	vsel vm10, v3, v0  }
0x16a: {  	v3 =	vsel vm10, s6, v8;
	vm12 =	vgt.f32 v4, v7;
	v5 =	vsel vm11, v5, v10  }
0x16b: {  	v32 =	vld [tilespmem:$0x1FF00];
	v4 =	vsel vm12, v4, v7;
	v7 =	vsel vm11, s6, v11;
	vm13 =	vgt.f32 v12, v0  }
0x16c: {  	vm14 =	vgt.f32 v9, v5;
	v57 =	vsel vm13, v12, v0;
	v0 =	vsel vm13, s5, v3  }
0x16d: {  	v33 =	vld [tilespmem:$0x1FF10];
	v10 =	vsel vm12, s6, v14;
	vm15 =	vgt.f32 v13, v4;
	[tilespmem:$0x1FDE0] =	vst v0;
	v0 =	vsel vm14, s5, v7  }
0x16e: {  	v29 =	vsel vm6, s9, v37;
	v37 =	vadd.s32 $0x7800, v59;
	v3 =	vsel vm15, s5, v10;
	[tilespmem:$0x1FDF0] =	vst v0  }
0x16f: {  	v8 =	vor.u32 v19, v54;
	v15 =	vadd.s32 $0x7800, v15;
	v54 =	vimm.f32 $0.0e+00;
	v0 =	vld.idx.msk [tilespmem:v55+s18+$0x0], $0xffff;
	[tilespmem:$0x1FE00] =	vst v3  }
0x170: {  	v11 =	vsel vm6, v47, v39;
	v14 =	vsel vm5, s9, v38;
	v10 =	vadd.s32 v32, v17;
	v7 =	vld.idx.msk [tilespmem:v53+s18+$0x0], $0xffff  }
0x171: {  	v38 =	vadd.s32 $0x7800, v61;
	v31 =	vsel vm15, v13, v4;
	v10 =	vadd.s32 $0x7800, v10;
	v13 =	vld.idx.msk [tilespmem:v52+s18+$0x0], $0xffff  }
0x172: {  	v58 =	vsel vm14, v9, v5;
	v5 =	vsel vm4, s9, v40;
	v12 =	vadd.s32 v33, v20;
	v1 =	vld.idx.msk [tilespmem:v1+s18+$0x0], $0xffff  }
0x173: {  	v9 =	vsel vm5, v46, v41;
	v4 =	vsel vm4, v44, v42;
	v12 =	vadd.s32 $0x7800, v12;
	v6 =	vld.idx.msk [tilespmem:v6+s18+$0x0], $0xffff  }
0x174: {  	v55 =	vimm.f32 $0.0e+00;
	v8 =	vld.idx.msk [tilespmem:v8+s18+$0x0], $0xffff;
	v52 =	vimm.f32 $0.0e+00;
	vm7 =	vgt.f32 v0, v4  }
0x175: {  	v3 =	vld.idx.msk [tilespmem:v51+s18+$0x0], $0xffff;
	v51 =	vimm.f32 $0.0e+00;
	vm8 =	vgt.f32 v7, v9;
	v0 =	vsel vm7, v0, v4  }
0x176: {  	v4 =	vld.idx.msk [tilespmem:v10+s18+$0x0], $0xffff;
	v10 =	vadd.s32 $0x7800, v60;
	v5 =	vsel vm7, s8, v5;
	vm9 =	vgt.f32 v13, v11  }
0x177: {  	v2 =	vld.idx.msk [tilespmem:v2+s18+$0x0], $0xffff;
	v7 =	vsel vm8, v7, v9;
	v9 =	vsel vm9, v13, v11;
	v11 =	vsel vm8, s8, v14  }
0x178: {  	vm10 =	vgt.f32 v1, v0;
	v14 =	vsel vm9, s8, v29;
	vm11 =	vgt.f32 v6, v7  }
0x179: {  	v12 =	vld.idx.msk [tilespmem:v12+s18+$0x0], $0xffff;
	v0 =	vsel vm10, v1, v0;
	v1 =	vsel vm10, s6, v5;
	vm12 =	vgt.f32 v8, v9  }
0x17a: {  	v13 =	vld.idx.msk [tilespmem:v15+s18+$0x0], $0xffff;
	v6 =	vsel vm11, v6, v7;
	v7 =	vsel vm12, v8, v9;
	vm13 =	vgt.f32 v45, v0  }
0x17b: {  	s9 =	simm.s32 $0x2;
	v15 =	vld.idx.msk [tilespmem:v16+s18+$0x0], $0xffff;
	v8 =	vsel vm11, s6, v11;
	vm14 =	vgt.f32 v3, v6;
	v46 =	vsel vm13, v45, v0  }
0x17c: {  	v5 =	vld.idx.msk [tilespmem:v37+s18+$0x0], $0xffff;
	v0 =	vsel vm13, s5, v1;
	vm15 =	vgt.f32 v2, v7;
	v1 =	vmov s9  }
0x17d: {  	v9 =	vld.idx.msk [tilespmem:v10+s18+$0x0], $0xffff;
	v10 =	vsel vm12, s6, v14;
	[tilespmem:$0x1FE10] =	vst v0;
	v45 =	vsel vm14, v3, v6;
	v0 =	vsel vm14, s5, v8  }
0x17e: {  	s10 =	simm.s32 $0x1;
	v11 =	vld.idx.msk [tilespmem:v38+s18+$0x0], $0xffff;
	v43 =	vsel vm15, v2, v7;
	v49 =	vmax.f32 v30, v4;
	v48 =	vmax.f32 v46, v12  }
0x17f: {  	v3 =	vmov s10;
	v4 =	vshll.u32 v1, $0x7;
	v1 =	vshrl.u32 v1, $0x3  }
0x180: {  	[tilespmem:$0x1FE20] =	vst v0;
	v0 =	vsel vm15, s5, v10;
	v47 =	vmax.f32 v45, v13;
	v44 =	vmax.f32 v43, v15  }
0x181: {  	s8 =	simm.s32 $0x0;
	v4 =	vand.u32 $0x380, v4;
	v1 =	vmul.u32 $0xC00, v1;
	v42 =	vmax.f32 v57, v5  }
0x182: {  	[tilespmem:$0x1FE30] =	vst v0;
	v0 =	vmov s8;
	v5 =	vshll.u32 v3, $0x7;
	v3 =	vshrl.u32 v3, $0x3  }
0x183: {  	v40 =	vmax.f32 v31, v11;
	v2 =	vshll.u32 v0, $0x7;
	v0 =	vshrl.u32 v0, $0x3  }
0x184: {  	v6 =	vand.u32 $0x380, v5;
	v3 =	vmul.u32 $0xC00, v3;
	v12 =	vadd.s32 v17, v1  }
0x185: {  	v13 =	vadd.s32 v20, v1;
	v14 =	vadd.s32 v24, v1;
	v15 =	vadd.s32 v25, v1  }
0x186: {  	v16 =	vadd.s32 v26, v1;
	v62 =	vadd.s32 v27, v1;
	v1 =	vadd.s32 v28, v1  }
0x187: {  	v2 =	vand.u32 $0x380, v2;
	v0 =	vmul.u32 $0xC00, v0;
	v15 =	vor.u32 v4, v15  }
0x188: {  	[tilespmem:$0x1FE70] =	vst v31;
	v31 =	vor.u32 v4, v1;
	v41 =	vmax.f32 v58, v9;
	v29 =	vadd.s32 v17, v3  }
0x189: {  	v63 =	vadd.s32 v20, v3;
	v53 =	vadd.s32 v24, v3;
	v34 =	vadd.s32 v25, v3  }
0x18a: {  	v35 =	vadd.s32 v26, v3;
	v36 =	vadd.s32 v27, v3;
	v3 =	vadd.s32 v28, v3  }
0x18b: {  	[tilespmem:$0x1FE50] =	vst v57;
	v57 =	vor.u32 v21, v31;
	v5 =	vadd.s32 v17, v0;
	v7 =	vadd.s32 v20, v0  }
0x18c: {  	v8 =	vadd.s32 v24, v0;
	v9 =	vadd.s32 v25, v0;
	v10 =	vadd.s32 v26, v0  }
0x18d: {  	v11 =	vadd.s32 v27, v0;
	v0 =	vadd.s32 v28, v0;
	v5 =	vor.u32 v2, v5  }
0x18e: {  	v7 =	vor.u32 v2, v7;
	v8 =	vor.u32 v2, v8;
	v37 =	vor.u32 v32, v5  }
0x18f: {  	v0 =	vor.u32 v2, v0;
	v5 =	vor.u32 v2, v9;
	v7 =	vor.u32 v33, v7  }
0x190: {  	v9 =	vor.u32 v2, v10;
	v10 =	vor.u32 v2, v11;
	v2 =	vor.u32 v18, v8  }
0x191: {  	[tilespmem:$0x1FE40] =	vst v30;
	v39 =	vor.u32 v6, v29;
	v8 =	vor.u32 v4, v12;
	v12 =	vor.u32 v19, v5  }
0x192: {  	[tilespmem:$0x1FE60] =	vst v58;
	v61 =	vor.u32 v6, v63;
	v63 =	vor.u32 v6, v34;
	v30 =	vor.u32 v22, v9  }
0x193: {  	v29 =	vor.u32 v6, v35;
	v3 =	vor.u32 v6, v3;
	v38 =	vor.u32 v23, v10;
	v59 =	vld.idx.msk [tilespmem:v37+s18+$0x0], $0xffff  }
0x194: {  	v11 =	vor.u32 v4, v13;
	v13 =	vor.u32 v4, v14;
	v14 =	vor.u32 v6, v36;
	v60 =	vld.idx.msk [tilespmem:v7+s18+$0x0], $0xffff  }
0x195: {  	v9 =	vor.u32 v4, v16;
	v16 =	vor.u32 v4, v62;
	v62 =	vor.u32 v6, v53;
	v6 =	vld.idx.msk [tilespmem:v2+s18+$0x0], $0xffff  }
0x196: {  	v5 =	vor.u32 v21, v0;
	v10 =	vor.u32 v32, v8;
	v11 =	vor.u32 v33, v11;
	v7 =	vld.idx.msk [tilespmem:v12+s18+$0x0], $0xffff  }
0x197: {  	v4 =	vor.u32 v18, v13;
	v53 =	vimm.f32 $0.0e+00;
	v1 =	vor.u32 v22, v9;
	v8 =	vld.idx.msk [tilespmem:v30+s18+$0x0], $0xffff  }
0x198: {  	s5 =	simm.s32 $0x3;
	v9 =	vor.u32 v32, v39;
	v58 =	vor.u32 v23, v16;
	v2 =	vor.u32 v19, v15;
	v13 =	vld.idx.msk [tilespmem:v38+s18+$0x0], $0xffff  }
.LBB2_10:
0x199: {  	_ =	sdelay $0x1  }
0x19a: {  	v36 =	vld [tilespmem:$0x1FF10]  }
0x19b: {  	v21 =	vld [tilespmem:$0x1FF20]  }
0x19c: {  	v0 =	vsub.f32 v59, v49;
	v4 =	vld.idx.msk [tilespmem:v4+s18+$0x0], $0xffff  }
0x19d: {  	v15 =	vor.u32 v18, v62;
	v30 =	vor.u32 v19, v63;
	v29 =	vor.u32 v22, v29;
	v2 =	vld.idx.msk [tilespmem:v2+s18+$0x0], $0xffff  }
0x19e: {  	v14 =	vor.u32 v23, v14;
	v0 =	vmul.f32 $1.442695020e+00, v0;
	v16 =	vsub.f32 v60, v48  }
0x19f: {  	v5 =	vld.idx.msk [tilespmem:v5+s18+$0x0], $0xffff;
	v6 =	vsub.f32 v6, v47;
	v7 =	vsub.f32 v7, v44;
	v12 =	vor.u32 v36, v61  }
0x1a0: {  	v10 =	vld.idx.msk [tilespmem:v10+s18+$0x0], $0xffff;
	v8 =	vsub.f32 v8, v42;
	(erf) = vpow2.f32 v0;
	v3 =	vor.u32 v21, v3  }
0x1a1: {  	v11 =	vld.idx.msk [tilespmem:v11+s18+$0x0], $0xffff;
	v4 =	vsub.f32 v4, v47;
	v16 =	vmul.f32 $1.442695020e+00, v16;
	v6 =	vmul.f32 $1.442695020e+00, v6  }
0x1a2: {  	v1 =	vld.idx.msk [tilespmem:v1+s18+$0x0], $0xffff;
	v2 =	vsub.f32 v2, v44;
	v0 =	vmul.f32 $1.442695020e+00, v7;
	v8 =	vmul.f32 $1.442695020e+00, v8  }
0x1a3: {  	v9 =	vld.idx.msk [tilespmem:v9+s18+$0x0], $0xffff;
	v7 =	vsub.f32 v13, v41;
	v4 =	vmul.f32 $1.442695020e+00, v4;
	(erf) = vpow2.f32 v16  }
0x1a4: {  	v5 =	vsub.f32 v5, v40;
	v2 =	vmul.f32 $1.442695020e+00, v2;
	(erf) = vpow2.f32 v6;
	v12 =	vld.idx.msk [tilespmem:v12+s18+$0x0], $0xffff  }
0x1a5: {  	v13 =	vld.idx.msk [tilespmem:v15+s18+$0x0], $0xffff;
	v6 =	vmul.f32 $1.442695020e+00, v7;
	v7 =	vsub.f32 v10, v49;
	(erf) = vpow2.f32 v0  }
0x1a6: {  	v0 =	vmul.f32 $1.442695020e+00, v5;
	v5 =	vsub.f32 v11, v48;
	(erf) = vpow2.f32 v8  }
0x1a7: {  	v1 =	vsub.f32 v1, v42;
	v10 =	vld.idx.msk [tilespmem:v14+s18+$0x0], $0xffff;
	v7 =	vmul.f32 $1.442695020e+00, v7;
	(erf) = vpow2.f32 v6  }
0x1a8: {  	v8 =	vld.idx.msk [tilespmem:v30+s18+$0x0], $0xffff;
	v6 =	vsub.f32 v9, v49;
	v5 =	vmul.f32 $1.442695020e+00, v5;
	(erf) = vpow2.f32 v0  }
0x1a9: {  	v1 =	vmul.f32 $1.442695020e+00, v1;
	v9 =	vld.idx.msk [tilespmem:v29+s18+$0x0], $0xffff;
	(erf) = vpow2.f32 v7;
	v0 =	vsub.f32 v12, v48  }
0x1aa: {  	v6 =	vmul.f32 $1.442695020e+00, v6;
	v7 =	vsub.f32 v13, v47;
	(erf) = vpow2.f32 v5;
	v5 =	vld.idx.msk [tilespmem:v58+s18+$0x0], $0xffff  }
0x1ab: {  	v3 =	vld.idx.msk [tilespmem:v3+s18+$0x0], $0xffff;
	v11 =	vpop (erf);
	(erf) = vpow2.f32 v4;
	v0 =	vmul.f32 $1.442695020e+00, v0  }
0x1ac: {  	v13 =	vsub.f32 v10, v41;
	v4 =	vmul.f32 $1.442695020e+00, v7;
	v12 =	vpop (erf);
	(erf) = vpow2.f32 v6  }
0x1ad: {  	v11 =	vadd.f32 v11, v50;
	v6 =	vsub.f32 v8, v44;
	v8 =	vpop (erf);
	(erf) = vpow2.f32 v0  }
0x1ae: {  	v7 =	vld.idx.msk [tilespmem:v57+s18+$0x0], $0xffff;
	v13 =	vmul.f32 $1.442695020e+00, v13;
	v0 =	vsub.f32 v9, v42;
	v9 =	vpop (erf);
	(erf) = vpow2.f32 v4  }
0x1af: {  	v4 =	vmul.f32 $1.442695020e+00, v6;
	v10 =	vpop (erf);
	v5 =	vsub.f32 v5, v41;
	(erf) = vpow2.f32 v2  }
0x1b0: {  	v14 =	vmul.f32 $1.442695020e+00, v0;
	v2 =	vsub.f32 v3, v40;
	v3 =	vpop (erf);
	(erf) = vpow2.f32 v1  }
0x1b1: {  	v8 =	vadd.f32 v8, v55;
	v6 =	vpop (erf);
	v5 =	vmul.f32 $1.442695020e+00, v5;
	(erf) = vpow2.f32 v4  }
0x1b2: {  	v3 =	vadd.f32 v3, v53;
	v16 =	vmul.f32 $1.442695020e+00, v2;
	v0 =	vpop (erf);
	(erf) = vpow2.f32 v14  }
0x1b3: {  	s6 =	sadd.s32 $0x2, s5;
	v4 =	vsub.f32 v7, v40;
	v7 =	vmov s5;
	v1 =	vpop (erf);
	(erf) = vpow2.f32 v13  }
0x1b4: {  	v6 =	vadd.f32 v6, v51;
	v14 =	vshll.u32 v7, $0x7;
	v13 =	vmov s6;
	v2 =	vpop (erf)  }
0x1b5: {  	v4 =	vmul.f32 $1.442695020e+00, v4;
	(erf) = vpow2.f32 v16;
	v15 =	vpop (erf);
	v16 =	vshll.u32 v13, $0x7  }
0x1b6: {  	(erf) = vpow2.f32 v5;
	v5 =	vadd.f32 v12, v56;
	v11 =	vadd.f32 v15, v11;
	v12 =	vpop (erf)  }
0x1b7: {  	s10 =	sadd.s32 $0x1, s5;
	v13 =	vshrl.u32 v13, $0x3;
	(erf) = vpow2.f32 v4;
	v4 =	vshrl.u32 v7, $0x3;
	v15 =	vpop (erf)  }
0x1b8: {  	v7 =	vmov s10;
	v5 =	vadd.f32 v12, v5;
	v50 =	vadd.f32 v0, v11;
	v12 =	vpop (erf)  }
0x1b9: {  	v11 =	vand.u32 $0x380, v14;
	v14 =	vadd.f32 v10, v52;
	v29 =	vadd.f32 v15, v8;
	v0 =	vpop (erf)  }
0x1ba: {  	v4 =	vmul.u32 $0xC00, v4;
	v56 =	vadd.f32 v1, v5;
	v5 =	vadd.f32 v9, v54;
	v1 =	vpop (erf)  }
0x1bb: {  	v10 =	vand.u32 $0x380, v16;
	v15 =	vshll.u32 v7, $0x7;
	v55 =	vadd.f32 v2, v29;
	v8 =	vpop (erf)  }
0x1bc: {  	v2 =	vshrl.u32 v7, $0x3;
	v1 =	vadd.f32 v1, v5;
	v9 =	vpop (erf);
	v5 =	vadd.f32 v8, v14  }
0x1bd: {  	v8 =	vand.u32 $0x380, v15;
	v3 =	vadd.f32 v9, v3;
	v9 =	vmul.u32 $0xC00, v13  }
0x1be: {  	v7 =	vpop (erf);
	v54 =	vadd.f32 v12, v1;
	v1 =	vmul.u32 $0xC00, v2;
	v2 =	vadd.s32 v20, v4  }
0x1bf: {  	v6 =	vadd.f32 v7, v6;
	v7 =	vpop (erf);
	v52 =	vadd.f32 v0, v5;
	v5 =	vadd.s32 v25, v4  }
0x1c0: {  	v2 =	vor.u32 v11, v2;
	v53 =	vadd.f32 v7, v3;
	v3 =	vadd.s32 v24, v4  }
0x1c1: {  	v7 =	vadd.s32 v27, v4;
	v12 =	vadd.s32 v17, v9;
	v13 =	vadd.s32 v20, v9  }
0x1c2: {  	v14 =	vadd.s32 v24, v9;
	v15 =	vadd.s32 v25, v9;
	v16 =	vadd.s32 v26, v9  }
0x1c3: {  	v35 =	vld [tilespmem:$0x1FF00];
	v29 =	vadd.s32 v17, v1;
	v30 =	vadd.s32 v27, v9;
	v9 =	vadd.s32 v28, v9  }
0x1c4: {  	v31 =	vadd.s32 v20, v1;
	v57 =	vadd.s32 v24, v1;
	v58 =	vadd.s32 v25, v1  }
0x1c5: {  	v0 =	vpop (erf);
	v32 =	vadd.s32 v26, v1;
	v37 =	vadd.s32 v27, v1;
	v1 =	vadd.s32 v28, v1  }
0x1c6: {  	v5 =	vor.u32 v11, v5;
	v51 =	vadd.f32 v0, v6;
	v0 =	vadd.s32 v17, v4  }
0x1c7: {  	v2 =	vor.u32 v36, v2;
	v6 =	vadd.s32 v26, v4;
	v0 =	vor.u32 v11, v0  }
0x1c8: {  	v4 =	vadd.s32 v28, v4;
	v3 =	vor.u32 v11, v3;
	v0 =	vor.u32 v35, v0  }
0x1c9: {  	v7 =	vor.u32 v11, v7;
	v38 =	vor.u32 v10, v14;
	v15 =	vor.u32 v10, v15  }
0x1ca: {  	v6 =	vor.u32 v11, v6;
	v4 =	vor.u32 v11, v4;
	v3 =	vor.u32 v18, v3  }
0x1cb: {  	v11 =	vor.u32 v10, v12;
	v12 =	vor.u32 v10, v13;
	v13 =	vor.u32 v19, v5  }
0x1cc: {  	v16 =	vor.u32 v10, v16;
	v30 =	vor.u32 v10, v30;
	v39 =	vor.u32 v22, v6  }
0x1cd: {  	p0 =	slt.u32 s5, $0x4E;
	v33 =	vor.u32 v8, v29;
	v34 =	vor.u32 v10, v9;
	v59 =	vld.idx.msk [tilespmem:v0+s18+$0x0], $0xffff;
	v0 =	vor.u32 v23, v7  }
.Ltmp4:
0x1ce: {  	v61 =	vor.u32 v8, v31;
	v62 =	vor.u32 v8, v57;
	v63 =	vor.u32 v8, v58;
	v60 =	vld.idx.msk [tilespmem:v2+s18+$0x0], $0xffff;
	(pc) =	sbr.rel @p0 .LBB2_10-.Ltmp4, $4  }
0x1cf: {  	v29 =	vor.u32 v8, v32;
	v14 =	vor.u32 v8, v37;
	v9 =	vor.u32 v35, v33;
	v6 =	vld.idx.msk [tilespmem:v3+s18+$0x0], $0xffff  }
0x1d0: {  	v58 =	vor.u32 v23, v30;
	v57 =	vor.u32 v21, v34;
	v5 =	vor.u32 v21, v4;
	v7 =	vld.idx.msk [tilespmem:v13+s18+$0x0], $0xffff  }
0x1d1: {  	v10 =	vor.u32 v35, v11;
	v11 =	vor.u32 v36, v12;
	v3 =	vor.u32 v8, v1;
	v8 =	vld.idx.msk [tilespmem:v39+s18+$0x0], $0xffff  }
0x1d2: {  	s5 =	sadd.s32 $0x3, s5;
	v4 =	vor.u32 v18, v38;
	v2 =	vor.u32 v19, v15;
	v1 =	vor.u32 v22, v16;
	v13 =	vld.idx.msk [tilespmem:v0+s18+$0x0], $0xffff  }
0x1d3: {  	v0 =	vld [tilespmem:$0x1FF10];
	_ =	sdelay $0x2  }
0x1d4: {  	v15 =	vsub.f32 v59, v49  }
0x1d5: {  	v12 =	vor.u32 v18, v62;
	v5 =	vld.idx.msk [tilespmem:v5+s18+$0x0], $0xffff;
	v18 =	vsub.f32 v60, v48  }
0x1d6: {  	v10 =	vld.idx.msk [tilespmem:v10+s18+$0x0], $0xffff;
	v6 =	vsub.f32 v6, v47;
	v15 =	vmul.f32 $1.442695020e+00, v15;
	v0 =	vor.u32 v0, v61  }
0x1d7: {  	v16 =	vor.u32 v19, v63;
	v11 =	vld.idx.msk [tilespmem:v11+s18+$0x0], $0xffff;
	v18 =	vmul.f32 $1.442695020e+00, v18;
	v7 =	vsub.f32 v7, v44  }
0x1d8: {  	v19 =	vld [tilespmem:$0x1FF20];
	v6 =	vmul.f32 $1.442695020e+00, v6;
	v8 =	vsub.f32 v8, v42;
	(erf) = vpow2.f32 v15  }
0x1d9: {  	v4 =	vld.idx.msk [tilespmem:v4+s18+$0x0], $0xffff;
	v7 =	vmul.f32 $1.442695020e+00, v7;
	v13 =	vsub.f32 v13, v41;
	(erf) = vpow2.f32 v18  }
0x1da: {  	v17 =	vor.u32 v22, v29;
	v9 =	vld.idx.msk [tilespmem:v9+s18+$0x0], $0xffff;
	(erf) = vpow2.f32 v6;
	v6 =	vmul.f32 $1.442695020e+00, v8  }
0x1db: {  	v5 =	vsub.f32 v5, v40;
	v8 =	vmul.f32 $1.442695020e+00, v13;
	(erf) = vpow2.f32 v7;
	v0 =	vld.idx.msk [tilespmem:v0+s18+$0x0], $0xffff  }
0x1dc: {  	v10 =	vsub.f32 v10, v49;
	v7 =	vld.idx.msk [tilespmem:v12+s18+$0x0], $0xffff;
	(erf) = vpow2.f32 v6;
	v6 =	vsub.f32 v11, v48  }
0x1dd: {  	v14 =	vor.u32 v23, v14;
	v5 =	vmul.f32 $1.442695020e+00, v5;
	(erf) = vpow2.f32 v8  }
0x1de: {  	v2 =	vld.idx.msk [tilespmem:v2+s18+$0x0], $0xffff;
	v4 =	vsub.f32 v4, v47;
	v8 =	vmul.f32 $1.442695020e+00, v10;
	v6 =	vmul.f32 $1.442695020e+00, v6  }
0x1df: {  	v1 =	vld.idx.msk [tilespmem:v1+s18+$0x0], $0xffff;
	v3 =	vor.u32 v19, v3;
	(erf) = vpow2.f32 v5;
	v5 =	vsub.f32 v9, v49  }
0x1e0: {  	v4 =	vmul.f32 $1.442695020e+00, v4;
	(erf) = vpow2.f32 v8;
	v8 =	vld.idx.msk [tilespmem:v16+s18+$0x0], $0xffff;
	v0 =	vsub.f32 v0, v48  }
0x1e1: {  	v5 =	vmul.f32 $1.442695020e+00, v5;
	v7 =	vsub.f32 v7, v47;
	(erf) = vpow2.f32 v6  }
0x1e2: {  	v6 =	vpop (erf);
	(erf) = vpow2.f32 v4;
	v0 =	vmul.f32 $1.442695020e+00, v0  }
0x1e3: {  	v2 =	vsub.f32 v2, v44;
	v4 =	vld.idx.msk [tilespmem:v17+s18+$0x0], $0xffff;
	v7 =	vmul.f32 $1.442695020e+00, v7;
	v9 =	vpop (erf);
	(erf) = vpow2.f32 v5  }
0x1e4: {  	v10 =	vpop (erf);
	(erf) = vpow2.f32 v0;
	v0 =	vsub.f32 v1, v42  }
0x1e5: {  	v2 =	vmul.f32 $1.442695020e+00, v2;
	v5 =	vld.idx.msk [tilespmem:v14+s18+$0x0], $0xffff;
	v1 =	vpop (erf);
	(erf) = vpow2.f32 v7;
	v7 =	vsub.f32 v8, v44  }
0x1e6: {  	v3 =	vld.idx.msk [tilespmem:v3+s18+$0x0], $0xffff;
	v0 =	vmul.f32 $1.442695020e+00, v0  }
0x1e7: {  	v11 =	vld.idx.msk [tilespmem:v58+s18+$0x0], $0xffff;
	v8 =	vpop (erf);
	v7 =	vmul.f32 $1.442695020e+00, v7  }
0x1e8: {  	v4 =	vsub.f32 v4, v42;
	v12 =	vpop (erf)  }
0x1e9: {  	(erf) = vpow2.f32 v2;
	v2 =	vpop (erf)  }
0x1ea: {  	v5 =	vsub.f32 v5, v41;
	v4 =	vmul.f32 $1.442695020e+00, v4;
	(erf) = vpow2.f32 v0;
	v0 =	vpop (erf)  }
0x1eb: {  	v3 =	vsub.f32 v3, v40;
	(erf) = vpow2.f32 v7;
	v7 =	vpop (erf)  }
0x1ec: {  	v5 =	vmul.f32 $1.442695020e+00, v5;
	v14 =	vpop (erf);
	(erf) = vpow2.f32 v4;
	v4 =	vsub.f32 v11, v41  }
0x1ed: {  	v3 =	vmul.f32 $1.442695020e+00, v3  }
0x1ee: {  	v9 =	vadd.f32 v9, v56;
	v11 =	vpop (erf);
	(erf) = vpow2.f32 v5;
	v4 =	vmul.f32 $1.442695020e+00, v4  }
0x1ef: {  	v13 =	vld.idx.msk [tilespmem:v57+s18+$0x0], $0xffff;
	v5 =	vadd.f32 v10, v55;
	v10 =	vpop (erf);
	(erf) = vpow2.f32 v3  }
0x1f0: {  	v9 =	vadd.f32 v10, v9;
	v10 =	vpop (erf);
	(erf) = vpow2.f32 v4;
	v4 =	vld [tilespmem:$0x1FE40]  }
0x1f1: {  	v6 =	vadd.f32 v6, v50;
	_ =	sdelay $0x1  }
0x1f2: {  	v6 =	vadd.f32 v11, v6  }
0x1f3: {  	v3 =	vadd.f32 v10, v5;
	v5 =	vsub.f32 v13, v40  }
0x1f4: {  	v4 =	vsub.f32 v4, v49  }
0x1f5: {  	v0 =	vadd.f32 v0, v6;
	v5 =	vmul.f32 $1.442695020e+00, v5  }
0x1f6: {  	v6 =	vadd.f32 v7, v9;
	v7 =	vsub.f32 v46, v48;
	v4 =	vmul.f32 $1.442695020e+00, v4  }
0x1f7: {  	v9 =	vpop (erf);
	(erf) = vpow2.f32 v5  }
0x1f8: {  	v7 =	vmul.f32 $1.442695020e+00, v7;
	v10 =	vpop (erf);
	(erf) = vpow2.f32 v4;
	v4 =	vsub.f32 v45, v47  }
0x1f9: {  	v11 =	vpop (erf);
	(erf) = vrcp.f32 v0  }
0x1fa: {  	v1 =	vadd.f32 v1, v54;
	v0 =	vpop (erf);
	(erf) = vpow2.f32 v7;
	v4 =	vmul.f32 $1.442695020e+00, v4  }
0x1fb: {  	(erf) = vrcp.f32 v6  }
0x1fc: {  	v1 =	vadd.f32 v11, v1;
	v11 =	vpop (erf);
	(erf) = vpow2.f32 v4;
	v4 =	vld [tilespmem:$0x1FE50];
	_ =	sdelay $0x2  }
0x1fd: {  	v7 =	vsub.f32 v43, v44  }
0x1fe: {  	v3 =	vadd.f32 v14, v3  }
0x1ff: {  	v1 =	vadd.f32 v9, v1;
	v7 =	vmul.f32 $1.442695020e+00, v7;
	v4 =	vsub.f32 v4, v42  }
0x200: {  	v2 =	vadd.f32 v2, v51;
	(erf) = vrcp.f32 v3  }
0x201: {  	v6 =	vpop (erf);
	v3 =	vld [tilespmem:$0x1FE60];
	(erf) = vpow2.f32 v7;
	v4 =	vmul.f32 $1.442695020e+00, v4  }
0x202: {  	v5 =	vadd.f32 v8, v52;
	v2 =	vadd.f32 v6, v2;
	v6 =	vpop (erf);
	(erf) = vrcp.f32 v1  }
0x203: {  	v1 =	vpop (erf);
	(erf) = vpow2.f32 v4;
	v4 =	vld [tilespmem:$0x1FE70]  }
0x204: {  	v0 =	vadd.f32 v0, v5  }
0x205: {  	v8 =	vadd.f32 v12, v53  }
0x206: {  	v0 =	vadd.f32 v10, v0;
	v3 =	vsub.f32 v3, v41  }
0x207: {  	v5 =	vadd.f32 v11, v8  }
0x208: {  	v16 =	vlaneseq.u32;
	v3 =	vmul.f32 $1.442695020e+00, v3;
	v4 =	vsub.f32 v4, v40  }
0x209: {  	v5 =	vadd.f32 v6, v5;
	v1 =	vadd.f32 v1, v2;
	v2 =	vpop (erf);
	(erf) = vrcp.f32 v0  }
0x20a: {  	v0 =	vpop (erf);
	(erf) = vpow2.f32 v3;
	v3 =	vmul.f32 $1.442695020e+00, v4  }
0x20b: {  	v0 =	vmul.f32 v0, v2;
	v2 =	vpop (erf);
	(erf) = vrcp.f32 v5  }
0x20c: {  	v4 =	vpop (erf);
	(erf) = vpow2.f32 v3  }
0x20d: {  	v7 =	vadd.s32 $0x64, v16;
	[tilespmem:v16+s22+$0x0] =	vst.idx.msk $0xffff, v0;
	v0 =	vmul.f32 v4, v2;
	v2 =	vpop (erf);
	(erf) = vrcp.f32 v1;
	v1 =	vld [tilespmem:$0x1FDD0]  }
0x20e: {  	v6 =	vor.u32 $0x10, v16;
	_ =	sdelay $0x3  }
0x20f: {  	[tilespmem:v7+s0+$0x0] =	vst.idx.msk $0xffff, v1;
	v1 =	vpop (erf)  }
0x210: {  	v8 =	vadd.s32 $0x74, v16;
	[tilespmem:v6+s22+$0x0] =	vst.idx.msk $0xffff, v0;
	v0 =	vmul.f32 v1, v2;
	v2 =	vld [tilespmem:$0x1FE10]  }
0x211: {  	v3 =	vor.u32 $0x20, v16;
	_ =	sdelay $0x2  }
0x212: {  	v1 =	vpop (erf)  }
0x213: {  	[tilespmem:v8+s0+$0x0] =	vst.idx.msk $0xffff, v2;
	v2 =	vpop (erf)  }
0x214: {  	v9 =	vadd.s32 $0x84, v16;
	[tilespmem:v3+s22+$0x0] =	vst.idx.msk $0xffff, v0;
	v0 =	vmul.f32 v2, v1;
	v2 =	vld [tilespmem:$0x1FE20]  }
0x215: {  	v4 =	vor.u32 $0x30, v16;
	_ =	sdelay $0x2  }
0x216: {  	v1 =	vpop (erf)  }
0x217: {  	[tilespmem:v9+s0+$0x0] =	vst.idx.msk $0xffff, v2;
	v2 =	vpop (erf)  }
0x218: {  	v6 =	vadd.s32 $0x94, v16;
	[tilespmem:v4+s22+$0x0] =	vst.idx.msk $0xffff, v0;
	v0 =	vmul.f32 v2, v1;
	v2 =	vld [tilespmem:$0x1FE30]  }
0x219: {  	v5 =	vor.u32 $0x40, v16;
	_ =	sdelay $0x2  }
0x21a: {  	[tilespmem:$0x1FD70] =	vst v7;
	v1 =	vpop (erf)  }
0x21b: {  	[tilespmem:v6+s0+$0x0] =	vst.idx.msk $0xffff, v2;
	v2 =	vpop (erf)  }
0x21c: {  	v7 =	vadd.s32 $0xA4, v16;
	[tilespmem:v5+s22+$0x0] =	vst.idx.msk $0xffff, v0;
	v0 =	vmul.f32 v2, v1;
	v2 =	vld [tilespmem:$0x1FDE0]  }
0x21d: {  	v3 =	vor.u32 $0x50, v16;
	_ =	sdelay $0x2  }
0x21e: {  	v1 =	vpop (erf)  }
0x21f: {  	[tilespmem:v7+s0+$0x0] =	vst.idx.msk $0xffff, v2;
	v2 =	vpop (erf)  }
0x220: {  	v4 =	vadd.s32 $0xB4, v16;
	[tilespmem:v3+s22+$0x0] =	vst.idx.msk $0xffff, v0;
	v0 =	vmul.f32 v2, v1;
	v1 =	vld [tilespmem:$0x1FDF0];
	_ =	sdelay $0x4  }
0x221: {  	[tilespmem:v4+s0+$0x0] =	vst.idx.msk $0xffff, v1;
	v1 =	vld [tilespmem:$0x1FFE0];
	_ =	sdelay $0x7  }
0x222: {  	[tilespmem:v1+s22+$0x0] =	vst.idx.msk $0xf, v0;
	v0 =	vld [tilespmem:$0x1FFF0];
	_ =	sdelay $0x2  }
0x223: {  	v1 =	vld [tilespmem:$0x1FE00]  }
0x224: {  	[tilespmem:$0x1FD90] =	vst v9  }
0x225: {  	[tilespmem:$0x1FD80] =	vst v8  }
0x226: {  	[tilespmem:$0x1FDB0] =	vst v7  }
0x227: {  	[tilespmem:$0x1FDA0] =	vst v6  }
0x228: {  	s5 =	simm.s32 $0x0;
	s6 =	rddreg [dreg:$0xb];
	[tilespmem:v0+s0+$0x0] =	vst.idx.msk $0xf, v1  }
0x229: {  	[hbm4b:s6+s5] =	stream.linear.scatter [tilespmem:s0], [sflag:$0x3], $0xC8, $0x38;
	[tilespmem:$0x13680] =	vst v63  }
0x22a: {  	[tilespmem:$0x1FDC0] =	vst v4  }
0x22b: {  	[hbm4b:s11+s5] =	stream.linear.scatter [tilespmem:s2], [sflag:$0x3], $0x320, $0x38;
	[tilespmem:$0x13680] =	vst v63  }
0x22c: {  	_ =	swait.ge [sflag:s19], $0x8A00  }
0x22d: {  	[sflag:s19] =	ssyncset.done $0x0  }
0x22e: {  	[sflag:s19] =	ssyncadd.s32 $0xFFFF7600  }
0x22f: {  	_ =	swait.ge [sflag:s19], $0x4B0  }
0x230: {  	[sflag:s19] =	ssyncset.done $0x0  }
0x231: {  	[sflag:s19] =	ssyncadd.s32 $0xFFFFFB50  }
0x232: {  	_ =	swait.ge [sflag:s19], $0xC8  }
0x233: {  	v0 =	vld [tilespmem:$0x1FF50];
	_ =	sdelay $0x5  }
0x234: {  	[sflag:s19] =	ssyncset.done $0x0  }
0x235: {  	[sflag:s19] =	ssyncadd.s32 $0xFFFFFF38  }
0x236: {  	v21 =	vld.idx.msk [tilespmem:v0+s5+$0x0], $0xffff  }
0x237: {  	v0 =	vld [tilespmem:$0x1FF60];
	_ =	sdelay $0x7  }
0x238: {  	v23 =	vld.idx.msk [tilespmem:v0+s5+$0x0], $0xffff  }
0x239: {  	v0 =	vld [tilespmem:$0x1FF70];
	_ =	sdelay $0x7  }
0x23a: {  	v22 =	vld.idx.msk [tilespmem:v0+s29+$0x0], $0xffff  }
0x23b: {  	v0 =	vld [tilespmem:$0x1FF80];
	_ =	sdelay $0x7  }
0x23c: {  	v24 =	vld.idx.msk [tilespmem:v0+s29+$0x0], $0xffff  }
0x23d: {  	v0 =	vld [tilespmem:$0x1FF90];
	_ =	sdelay $0x7  }
0x23e: {  	v25 =	vld.idx.msk [tilespmem:v0+s29+$0x0], $0xffff  }
0x23f: {  	v0 =	vld [tilespmem:$0x1FFA0];
	_ =	sdelay $0x7  }
0x240: {  	v28 =	vld.idx.msk [tilespmem:v0+s29+$0x0], $0xffff  }
0x241: {  	v0 =	vld [tilespmem:$0x1FFB0];
	_ =	sdelay $0x7  }
0x242: {  	v27 =	vld.idx.msk [tilespmem:v0+s29+$0x0], $0xffff  }
0x243: {  	v0 =	vld [tilespmem:$0x1FFC0];
	_ =	sdelay $0x7  }
0x244: {  	v26 =	vld.idx.msk [tilespmem:v0+s29+$0x0], $0xffff  }
0x245: {  	v0 =	vld [tilespmem:$0x1FFD0];
	_ =	sdelay $0x7  }
0x246: {  	v34 =	vld.idx.msk [tilespmem:v0+s29+$0x0], $0xffff;
	v0 =	vor.u32 s5, v16  }
0x247: {  	vm0 =	vlt.u32 v0, $0x64;
	vm1 =	vlt.s32 v0, $0x63  }
0x248: {  	v31 =	vnsel vm1, $0x63, v0  }
0x249: {  	v0 =	vshll.u32 v31, $0x1;
	_ =	sdelay $0x2  }
0x24a: {  	v17 =	vimm.s32 $0x0  }
0x24b: {  	[tilespmem:v31+s20+$0x0] =	vst.idx.msk vm0, v17  }
0x24c: {  	v1 =	vld.idx.msk [tilespmem:v0+s29+$0x0], $0xffff  }
0x24d: {  	s8 =	simm.s32 $0x10  }
0x24e: {  	v4 =	vor.u32 s8, v16  }
0x24f: {  	vm2 =	vlt.s32 v4, $0x63;
	vm1 =	vlt.u32 v4, $0x64  }
0x250: {  	v29 =	vnsel vm2, $0x63, v4  }
0x251: {  	v4 =	vshll.u32 v29, $0x1;
	v1 =	vshll.u32 v1, $0x2  }
0x252: {  	v2 =	vor.u32 $0x2, v1  }
0x253: {  	v3 =	vor.u32 $0x3, v1;
	_ =	sdelay $0x1  }
0x254: {  	[tilespmem:v29+s20+$0x0] =	vst.idx.msk vm1, v17;
	v5 =	vor.u32 $0x1, v1  }
0x255: {  	v6 =	vld.idx.msk [tilespmem:v4+s29+$0x0], $0xffff  }
0x256: {  	v2 =	vld.idx.msk [tilespmem:v2+s28+$0x0], $0xffff  }
0x257: {  	v3 =	vld.idx.msk [tilespmem:v3+s28+$0x0], $0xffff  }
0x258: {  	v1 =	vld.idx.msk [tilespmem:v1+s28+$0x0], $0xffff  }
0x259: {  	v5 =	vld.idx.msk [tilespmem:v5+s28+$0x0], $0xffff;
	_ =	sdelay $0x1  }
0x25a: {  	vm0 =	vmmov vm0;
	v2 =	vmul.f32 $5.000000000e-01, v2  }
0x25b: {  	v8 =	vadd.s32 $0xC8, v31;
	v3 =	vmul.f32 $5.000000000e-01, v3  }
0x25c: {  	v9 =	vadd.s32 $0x190, v31;
	v11 =	vadd.s32 $0x258, v31;
	v7 =	vsub.f32 v1, v2  }
0x25d: {  	v10 =	vsub.f32 v5, v3;
	v1 =	vadd.f32 v2, v1;
	v2 =	vshll.u32 v6, $0x2  }
0x25e: {  	v3 =	vadd.f32 v3, v5;
	v5 =	vor.u32 $0x2, v2;
	v7 =	vmul.f32 v7, v23  }
0x25f: {  	v0 =	vor.u32 $0x1, v0;
	v6 =	vmul.f32 v10, v21  }
0x260: {  	v1 =	vmul.f32 v1, v23;
	[tilespmem:v31+s24+$0x0] =	vst.idx.msk vm0, v7;
	v7 =	vor.u32 $0x3, v2  }
0x261: {  	s9 =	simm.s32 $0x20;
	v3 =	vmul.f32 v3, v21;
	[tilespmem:v8+s24+$0x0] =	vst.idx.msk vm0, v6  }
0x262: {  	v6 =	vor.u32 s9, v16;
	[tilespmem:v9+s24+$0x0] =	vst.idx.msk vm0, v1;
	v1 =	vor.u32 $0x1, v2  }
0x263: {  	vm3 =	vlt.u32 v6, $0x64;
	vm2 =	vlt.s32 v6, $0x63;
	[tilespmem:v11+s24+$0x0] =	vst.idx.msk vm0, v3;
	v3 =	vld.idx.msk [tilespmem:v5+s28+$0x0], $0xffff  }
0x264: {  	v30 =	vnsel vm2, $0x63, v6;
	v0 =	vld.idx.msk [tilespmem:v0+s29+$0x0], $0xffff  }
0x265: {  	v33 =	vshll.u32 v30, $0x1;
	v5 =	vld.idx.msk [tilespmem:v7+s28+$0x0], $0xffff  }
0x266: {  	v2 =	vld.idx.msk [tilespmem:v2+s28+$0x0], $0xffff  }
0x267: {  	v1 =	vld.idx.msk [tilespmem:v1+s28+$0x0], $0xffff;
	_ =	sdelay $0x1  }
0x268: {  	vm1 =	vmmov vm1;
	[tilespmem:v30+s20+$0x0] =	vst.idx.msk vm3, v17;
	v3 =	vmul.f32 $5.000000000e-01, v3;
	v0 =	vshll.u32 v0, $0x2  }
0x269: {  	v6 =	vld.idx.msk [tilespmem:v33+s29+$0x0], $0xffff;
	v7 =	vor.u32 $0x2, v0;
	v5 =	vmul.f32 $5.000000000e-01, v5  }
0x26a: {  	v10 =	vadd.s32 $0xC8, v29;
	v8 =	vor.u32 $0x3, v0;
	v9 =	vsub.f32 v2, v3  }
0x26b: {  	v13 =	vadd.s32 $0x258, v29;
	v11 =	vadd.s32 $0x190, v29;
	v12 =	vsub.f32 v1, v5  }
0x26c: {  	v14 =	vor.u32 $0x1, v0;
	v2 =	vadd.f32 v3, v2;
	v9 =	vmul.f32 v9, v23  }
0x26d: {  	v3 =	vor.u32 $0x1, v4;
	v1 =	vadd.f32 v5, v1;
	v4 =	vmul.f32 v12, v21  }
0x26e: {  	v2 =	vmul.f32 v2, v23;
	v6 =	vshll.u32 v6, $0x2;
	[tilespmem:v29+s24+$0x0] =	vst.idx.msk vm1, v9;
	v5 =	vld.idx.msk [tilespmem:v7+s28+$0x0], $0xffff  }
0x26f: {  	v1 =	vmul.f32 v1, v21;
	v12 =	vor.u32 $0x2, v6;
	v15 =	vld.idx.msk [tilespmem:v8+s28+$0x0], $0xffff;
	[tilespmem:v10+s24+$0x0] =	vst.idx.msk vm1, v4  }
0x270: {  	s10 =	simm.s32 $0x30;
	v36 =	vld.idx.msk [tilespmem:v0+s28+$0x0], $0xffff;
	v8 =	vor.u32 $0x3, v6;
	[tilespmem:v11+s24+$0x0] =	vst.idx.msk vm1, v2  }
0x271: {  	v38 =	vadd.s32 $0x64, v31;
	v35 =	vld.idx.msk [tilespmem:v14+s28+$0x0], $0xffff;
	v0 =	vor.u32 $0x1, v6;
	[tilespmem:v13+s24+$0x0] =	vst.idx.msk vm1, v1;
	v1 =	vor.u32 s10, v16  }
0x272: {  	v37 =	vadd.s32 $0x12C, v31;
	vm0 =	vmmov vm0;
	v7 =	vld.idx.msk [tilespmem:v3+s29+$0x0], $0xffff;
	vm4 =	vlt.s32 v1, $0x63  }
0x273: {  	vm2 =	vmmov vm1;
	vm0 =	vmmov vm0;
	v39 =	vld.idx.msk [tilespmem:v6+s28+$0x0], $0xffff;
	v32 =	vnsel vm4, $0x63, v1  }
0x274: {  	v9 =	vld.idx.msk [tilespmem:v12+s28+$0x0], $0xffff;
	v4 =	vmul.f32 $5.000000000e-01, v5;
	v3 =	vmul.f32 $5.000000000e-01, v15;
	v2 =	vshll.u32 v32, $0x1  }
0x275: {  	vm1 =	vmmov vm3;
	vm3 =	vmmov vm3;
	vm5 =	vlt.u32 v1, $0x64;
	v8 =	vld.idx.msk [tilespmem:v8+s28+$0x0], $0xffff  }
0x276: {  	s5 =	simm.s32 $0x40;
	v13 =	vld.idx.msk [tilespmem:v0+s28+$0x0], $0xffff;
	v1 =	vadd.s32 $0x1F4, v31;
	v6 =	vsub.f32 v36, v4;
	v5 =	vsub.f32 v35, v3  }
.LBB2_12:
0x277: {  	vm4 =	vmmov vm5  }
0x278: {  	p0 =	seq.s32 s5, $0x60;
	v0 =	vmul.f32 v6, v23;
	v4 =	vadd.f32 v4, v36;
	v6 =	vadd.s32 $0x2BC, v31;
	[tilespmem:v32+s20+$0x0] =	vst.idx.msk vm5, v17  }
0x279: {  	v7 =	vshll.u32 v7, $0x2;
	v3 =	vadd.f32 v3, v35;
	v31 =	vmovc v29;
	v5 =	vmul.f32 v5, v21;
	v10 =	vld.idx.msk [tilespmem:v2+s29+$0x0], $0xffff  }
0x27a: {  	v29 =	vmovc v30;
	v9 =	vmul.f32 $5.000000000e-01, v9;
	v11 =	vor.u32 $0x2, v7;
	[tilespmem:v38+s24+$0x0] =	vst.idx.msk vm0, v0;
	v0 =	vmul.f32 v4, v23  }
0x27b: {  	v30 =	vmovc v32;
	v3 =	vmul.f32 v3, v21;
	v4 =	vmul.f32 $5.000000000e-01, v8;
	v8 =	vor.u32 $0x3, v7;
	[tilespmem:v37+s24+$0x0] =	vst.idx.msk vm0, v5  }
0x27c: {  	v12 =	vadd.s32 $0xC8, v29;
	v14 =	vadd.s32 $0x190, v29;
	v5 =	vsub.f32 v39, v9;
	[tilespmem:v1+s24+$0x0] =	vst.idx.msk vm0, v0  }
0x27d: {  	v15 =	vor.u32 $0x1, v7;
	v0 =	vsub.f32 v13, v4;
	v1 =	vadd.s32 $0x258, v29;
	[tilespmem:v6+s24+$0x0] =	vst.idx.msk vm0, v3  }
0x27e: {  	v3 =	vmul.f32 v5, v23;
	v5 =	vadd.f32 v9, v39;
	v6 =	vor.u32 $0x1, v33;
	v33 =	vmovc v2  }
0x27f: {  	v2 =	vadd.f32 v4, v13;
	v10 =	vshll.u32 v10, $0x2;
	v0 =	vmul.f32 v0, v21;
	v4 =	vld.idx.msk [tilespmem:v11+s28+$0x0], $0xffff  }
0x280: {  	vm0 =	vmmov vm2;
	v9 =	vor.u32 $0x2, v10;
	[tilespmem:v29+s24+$0x0] =	vst.idx.msk vm1, v3;
	v3 =	vmul.f32 v5, v23;
	v5 =	vld.idx.msk [tilespmem:v8+s28+$0x0], $0xffff  }
0x281: {  	vm2 =	vmmov vm1;
	v8 =	vor.u32 $0x3, v10;
	[tilespmem:v12+s24+$0x0] =	vst.idx.msk vm1, v0;
	v0 =	vmul.f32 v2, v21;
	v36 =	vld.idx.msk [tilespmem:v7+s28+$0x0], $0xffff  }
0x282: {  	v2 =	vor.u32 s5, v16;
	[tilespmem:v14+s24+$0x0] =	vst.idx.msk vm1, v3;
	v35 =	vld.idx.msk [tilespmem:v15+s28+$0x0], $0xffff;
	vm1 =	vmmov vm5  }
0x283: {  	v11 =	vor.u32 $0x1, v10;
	vm5 =	vlt.u32 v2, $0x64;
	vm6 =	vlt.s32 v2, $0x63;
	[tilespmem:v1+s24+$0x0] =	vst.idx.msk vm3, v0  }
.Ltmp5:
0x284: {  	v32 =	vnsel vm6, $0x63, v2;
	vm3 =	vmmov vm4;
	v7 =	vld.idx.msk [tilespmem:v6+s29+$0x0], $0xffff;
	(pc) =	sbr.rel @!p0 .LBB2_12-.Ltmp5, $4  }
0x285: {  	v2 =	vshll.u32 v32, $0x1;
	v4 =	vmul.f32 $5.000000000e-01, v4;
	v9 =	vld.idx.msk [tilespmem:v9+s28+$0x0], $0xffff  }
0x286: {  	v38 =	vadd.s32 $0x64, v31;
	v3 =	vmul.f32 $5.000000000e-01, v5;
	v8 =	vld.idx.msk [tilespmem:v8+s28+$0x0], $0xffff  }
0x287: {  	v37 =	vadd.s32 $0x12C, v31;
	v6 =	vsub.f32 v36, v4;
	v39 =	vld.idx.msk [tilespmem:v10+s28+$0x0], $0xffff  }
0x288: {  	s5 =	sadd.s32 $0x10, s5;
	v1 =	vadd.s32 $0x1F4, v31;
	v5 =	vsub.f32 v35, v3;
	v13 =	vld.idx.msk [tilespmem:v11+s28+$0x0], $0xffff  }
0x289: {  	_ =	sdelay $0x4  }
0x28a: {  	[tilespmem:v32+s20+$0x0] =	vst.idx.msk vm5, v17  }
0x28b: {  	v0 =	vld.idx.msk [tilespmem:v2+s29+$0x0], $0xffff;
	_ =	sdelay $0x4  }
0x28c: {  	v0 =	vshll.u32 v0, $0x2  }
0x28d: {  	v10 =	vor.u32 $0x2, v0  }
0x28e: {  	v11 =	vor.u32 $0x3, v0;
	_ =	sdelay $0x1  }
0x28f: {  	v12 =	vor.u32 $0x1, v0;
	_ =	sdelay $0x1  }
0x290: {  	v9 =	vmul.f32 $5.000000000e-01, v9;
	v10 =	vld.idx.msk [tilespmem:v10+s28+$0x0], $0xffff  }
0x291: {  	v8 =	vmul.f32 $5.000000000e-01, v8;
	v11 =	vld.idx.msk [tilespmem:v11+s28+$0x0], $0xffff  }
0x292: {  	v15 =	vadd.s32 $0xC8, v30;
	v14 =	vsub.f32 v39, v9;
	v0 =	vld.idx.msk [tilespmem:v0+s28+$0x0], $0xffff  }
0x293: {  	v16 =	vadd.s32 $0x190, v30;
	v9 =	vadd.f32 v9, v39;
	v54 =	vsub.f32 v13, v8;
	v12 =	vld.idx.msk [tilespmem:v12+s28+$0x0], $0xffff  }
0x294: {  	v8 =	vadd.f32 v8, v13;
	v13 =	vadd.s32 $0x258, v30;
	v14 =	vmul.f32 v14, v23  }
0x295: {  	v18 =	vor.u32 $0x1, v33;
	v17 =	vmul.f32 v54, v21;
	v10 =	vmul.f32 $5.000000000e-01, v10  }
0x296: {  	v9 =	vmul.f32 v9, v23;
	[tilespmem:v30+s24+$0x0] =	vst.idx.msk vm1, v14;
	v11 =	vmul.f32 $5.000000000e-01, v11  }
0x297: {  	v8 =	vmul.f32 v8, v21;
	[tilespmem:v15+s24+$0x0] =	vst.idx.msk vm1, v17;
	v15 =	vadd.s32 $0xC8, v32;
	v14 =	vsub.f32 v0, v10  }
0x298: {  	v7 =	vshll.u32 v7, $0x2;
	[tilespmem:v16+s24+$0x0] =	vst.idx.msk vm1, v9;
	v9 =	vadd.s32 $0x190, v32;
	v56 =	vsub.f32 v12, v11  }
0x299: {  	[tilespmem:v13+s24+$0x0] =	vst.idx.msk vm3, v8;
	v8 =	vadd.s32 $0x258, v32;
	v0 =	vadd.f32 v10, v0;
	v10 =	vmul.f32 v14, v23  }
0x29a: {  	v2 =	vor.u32 $0x1, v2;
	v13 =	vld.idx.msk [tilespmem:v18+s29+$0x0], $0xffff;
	v11 =	vadd.f32 v11, v12;
	v14 =	vmul.f32 v56, v21  }
0x29b: {  	v55 =	vor.u32 $0x2, v7;
	v0 =	vmul.f32 v0, v23;
	[tilespmem:v32+s24+$0x0] =	vst.idx.msk vm5, v10  }
0x29c: {  	v12 =	vor.u32 $0x3, v7;
	v10 =	vmul.f32 v11, v21;
	[tilespmem:v15+s24+$0x0] =	vst.idx.msk vm5, v14  }
0x29d: {  	[tilespmem:v9+s24+$0x0] =	vst.idx.msk vm5, v0  }
0x29e: {  	v11 =	vor.u32 $0x1, v7;
	[tilespmem:v8+s24+$0x0] =	vst.idx.msk vm5, v10  }
0x29f: {  	v8 =	vshll.u32 v13, $0x2;
	v2 =	vld.idx.msk [tilespmem:v2+s29+$0x0], $0xffff  }
0x2a0: {  	vm4 =	vmmov vm5;
	v0 =	vld.idx.msk [tilespmem:v55+s28+$0x0], $0xffff;
	v10 =	vor.u32 $0x2, v8  }
0x2a1: {  	v4 =	vadd.f32 v4, v36;
	v6 =	vmul.f32 v6, v23;
	v9 =	vld.idx.msk [tilespmem:v12+s28+$0x0], $0xffff;
	v12 =	vor.u32 $0x3, v8  }
0x2a2: {  	v3 =	vadd.f32 v3, v35;
	vm2 =	vmmov vm2;
	vm14 =	vmmov vm1;
	v7 =	vld.idx.msk [tilespmem:v7+s28+$0x0], $0xffff  }
0x2a3: {  	v59 =	vadd.s32 $0x64, v29;
	v61 =	vadd.s32 $0x1F4, v30;
	v14 =	vor.u32 $0x1, v8;
	v11 =	vld.idx.msk [tilespmem:v11+s28+$0x0], $0xffff  }
0x2a4: {  	v5 =	vmul.f32 v5, v21;
	vm15 =	vmmov vm4;
	v2 =	vshll.u32 v2, $0x2  }
0x2a5: {  	v4 =	vmul.f32 v4, v23;
	v0 =	vmul.f32 $5.000000000e-01, v0;
	v10 =	vld.idx.msk [tilespmem:v10+s28+$0x0], $0xffff;
	v15 =	vor.u32 $0x2, v2  }
0x2a6: {  	[tilespmem:v38+s24+$0x0] =	vst.idx.msk vm0, v6;
	v13 =	vadd.s32 $0x2BC, v31;
	v9 =	vmul.f32 $5.000000000e-01, v9;
	v12 =	vld.idx.msk [tilespmem:v12+s28+$0x0], $0xffff;
	v58 =	vor.u32 $0x3, v2  }
0x2a7: {  	v57 =	vsub.f32 v7, v0;
	v0 =	vadd.f32 v0, v7;
	v7 =	vld.idx.msk [tilespmem:v8+s28+$0x0], $0xffff;
	v8 =	vadd.s32 $0x12C, v29  }
0x2a8: {  	v19 =	vsub.f32 v11, v9;
	v9 =	vadd.f32 v9, v11;
	v11 =	vld.idx.msk [tilespmem:v14+s28+$0x0], $0xffff;
	v14 =	vor.u32 $0x1, v2  }
0x2a9: {  	v3 =	vmul.f32 v3, v21;
	v6 =	vadd.s32 $0x1F4, v29;
	[tilespmem:v37+s24+$0x0] =	vst.idx.msk vm0, v5;
	v5 =	vadd.s32 $0x2BC, v29  }
0x2aa: {  	[tilespmem:v1+s24+$0x0] =	vst.idx.msk vm0, v4;
	v16 =	vmul.f32 v57, v23;
	v19 =	vmul.f32 v19, v21;
	v15 =	vld.idx.msk [tilespmem:v15+s28+$0x0], $0xffff  }
0x2ab: {  	vm1 =	vmmov vm14;
	[tilespmem:v13+s24+$0x0] =	vst.idx.msk vm0, v3;
	v1 =	vmul.f32 v9, v21;
	v10 =	vmul.f32 $5.000000000e-01, v10;
	v9 =	vld.idx.msk [tilespmem:v58+s28+$0x0], $0xffff  }
0x2ac: {  	v3 =	vadd.s32 $0x64, v30;
	v0 =	vmul.f32 v0, v23;
	[tilespmem:v59+s24+$0x0] =	vst.idx.msk vm2, v16;
	v4 =	vmul.f32 $5.000000000e-01, v12;
	v2 =	vld.idx.msk [tilespmem:v2+s28+$0x0], $0xffff  }
0x2ad: {  	v13 =	vadd.s32 $0x12C, v30;
	vm0 =	vmmov vm15;
	[tilespmem:v8+s24+$0x0] =	vst.idx.msk vm2, v19;
	v14 =	vld.idx.msk [tilespmem:v14+s28+$0x0], $0xffff;
	v12 =	vsub.f32 v7, v10  }
0x2ae: {  	[tilespmem:v6+s24+$0x0] =	vst.idx.msk vm2, v0;
	v60 =	vsub.f32 v11, v4;
	v7 =	vadd.f32 v10, v7;
	v10 =	vadd.s32 $0x2BC, v30  }
0x2af: {  	[tilespmem:v5+s24+$0x0] =	vst.idx.msk vm2, v1;
	v1 =	vadd.f32 v4, v11;
	v8 =	vmul.f32 v12, v23;
	v6 =	vmul.f32 $5.000000000e-01, v15  }
0x2b0: {  	v4 =	vadd.s32 $0x64, v32;
	v0 =	vmul.f32 v60, v21;
	v5 =	vmul.f32 $5.000000000e-01, v9  }
0x2b1: {  	[tilespmem:v3+s24+$0x0] =	vst.idx.msk vm1, v8;
	v3 =	vmul.f32 v7, v23;
	v8 =	vadd.s32 $0x12C, v32;
	v7 =	vsub.f32 v2, v6  }
0x2b2: {  	v9 =	vadd.s32 $0x1F4, v32;
	[tilespmem:v13+s24+$0x0] =	vst.idx.msk vm1, v0;
	v0 =	vmul.f32 v1, v21;
	v1 =	vsub.f32 v14, v5  }
0x2b3: {  	[tilespmem:v61+s24+$0x0] =	vst.idx.msk vm1, v3;
	v2 =	vadd.f32 v6, v2;
	v6 =	vadd.s32 $0x2BC, v32;
	v3 =	vmul.f32 v7, v23  }
0x2b4: {  	[tilespmem:v10+s24+$0x0] =	vst.idx.msk vm1, v0;
	v0 =	vmul.f32 v1, v21;
	v1 =	vadd.f32 v5, v14  }
0x2b5: {  	v2 =	vmul.f32 v2, v23;
	[tilespmem:v4+s24+$0x0] =	vst.idx.msk vm0, v3  }
0x2b6: {  	[tilespmem:v8+s24+$0x0] =	vst.idx.msk vm0, v0;
	v0 =	vmul.f32 v1, v21  }
0x2b7: {  	v36 =	vimm.f32 $-Inf;
	[tilespmem:v9+s24+$0x0] =	vst.idx.msk vm0, v2  }
0x2b8: {  	v35 =	vimm.s32 $0x0;
	s8 =	simm.s32 $0x1;
	v38 =	vimm.s32 $0x0;
	[tilespmem:v6+s24+$0x0] =	vst.idx.msk vm0, v0;
	v0 =	vand.u32 $0x7F, v22  }
0x2b9: {  	s5 =	simm.s32 $0x3;
	s6 =	simm.s32 $0x2;
	v37 =	vimm.s32 $0x0;
	v3 =	vmov s8;
	[tilespmem:$0x1FCE0] =	vst v0;
	v0 =	vshll.u32 v22, $0x3  }
0x2ba: {  	v4 =	vmov s6;
	v1 =	vmov s5;
	v0 =	vand.u32 $0xFFFFFC00, v0  }
0x2bb: {  	v5 =	vshll.u32 v4, $0x7;
	v7 =	vshll.u32 v3, $0x7;
	[tilespmem:$0x1FCF0] =	vst v0;
	v0 =	vand.u32 $0x7F, v24  }
0x2bc: {  	v4 =	vshrl.u32 v4, $0x3;
	v3 =	vshrl.u32 v3, $0x3;
	[tilespmem:$0x1FD00] =	vst v0;
	v0 =	vshll.u32 v24, $0x3  }
0x2bd: {  	v5 =	vand.u32 $0x300, v5;
	v3 =	vmul.u32 $0xC00, v3;
	v0 =	vand.u32 $0xFFFFFC00, v0  }
0x2be: {  	v6 =	vshll.u32 v1, $0x7;
	v1 =	vshrl.u32 v1, $0x3;
	[tilespmem:$0x1FD10] =	vst v0;
	v0 =	vand.u32 $0x7F, v25  }
0x2bf: {  	v8 =	vand.u32 $0x280, v7;
	v1 =	vmul.u32 $0xC00, v1;
	[tilespmem:$0x1FD20] =	vst v0;
	v0 =	vshll.u32 v25, $0x3  }
0x2c0: {  	v4 =	vmul.u32 $0xC00, v4;
	v62 =	vld [tilespmem:$0x1FD10];
	v30 =	vand.u32 $0xFFFFFC00, v0;
	v0 =	vand.u32 $0x7F, v28  }
0x2c1: {  	v6 =	vand.u32 $0x380, v6;
	[tilespmem:$0x1FD30] =	vst v0;
	v0 =	vshll.u32 v28, $0x3;
	v63 =	vadd.s32 v30, v1  }
0x2c2: {  	v58 =	vadd.s32 v30, v4;
	v31 =	vand.u32 $0xFFFFFC00, v0;
	v0 =	vand.u32 $0x7F, v27  }
0x2c3: {  	v45 =	vadd.s32 v30, v3;
	[tilespmem:$0x1FD40] =	vst v0;
	v0 =	vshll.u32 v27, $0x3;
	v54 =	vadd.s32 v31, v1  }
0x2c4: {  	v40 =	vadd.s32 v31, v4;
	v46 =	vadd.s32 v31, v3;
	v32 =	vand.u32 $0xFFFFFC00, v0  }
0x2c5: {  	v0 =	vand.u32 $0x7F, v26;
	v15 =	vadd.s32 v62, v1;
	v57 =	vadd.s32 v62, v4  }
0x2c6: {  	v27 =	vld [tilespmem:$0x1FCF0];
	v44 =	vadd.s32 v62, v3;
	v60 =	vor.u32 v5, v40;
	v40 =	vimm.s32 $0x0  }
0x2c7: {  	[tilespmem:$0x1FD50] =	vst v0;
	v0 =	vshll.u32 v26, $0x3;
	v55 =	vadd.s32 v32, v1;
	v41 =	vadd.s32 v32, v4  }
0x2c8: {  	v47 =	vadd.s32 v32, v3;
	v33 =	vand.u32 $0xFFFFFC00, v0;
	v0 =	vand.u32 $0x7F, v34  }
0x2c9: {  	s9 =	simm.s32 $0x0;
	v22 =	vld [tilespmem:$0x1FD00];
	[tilespmem:$0x1FD60] =	vst v0;
	v0 =	vshll.u32 v34, $0x3;
	v20 =	vadd.s32 v33, v1;
	v42 =	vadd.s32 v33, v4  }
0x2ca: {  	v48 =	vadd.s32 v33, v3;
	v34 =	vand.u32 $0xFFFFFC00, v0;
	v0 =	vmov s9  }
0x2cb: {  	v14 =	vadd.s32 v27, v1;
	v56 =	vadd.s32 v27, v4;
	v2 =	vshll.u32 v0, $0x7  }
0x2cc: {  	v0 =	vshrl.u32 v0, $0x3;
	v1 =	vadd.s32 v34, v1;
	v43 =	vadd.s32 v34, v4  }
0x2cd: {  	v59 =	vld [tilespmem:$0x1FCE0];
	v0 =	vmul.u32 $0xC00, v0;
	v39 =	vor.u32 v6, v1;
	v1 =	vor.u32 v5, v57  }
0x2ce: {  	v23 =	vld [tilespmem:$0x1FD20];
	v49 =	vadd.s32 v34, v3;
	v2 =	vand.u32 $0x200, v2;
	v1 =	vor.u32 v22, v1  }
0x2cf: {  	v24 =	vld [tilespmem:$0x1FD30];
	v7 =	vadd.s32 v27, v0;
	v9 =	vadd.s32 v62, v0;
	v10 =	vadd.s32 v30, v0  }
0x2d0: {  	v11 =	vadd.s32 v31, v0;
	v4 =	vor.u32 v2, v7;
	v7 =	vadd.s32 v27, v3;
	v3 =	vld [tilespmem:$0x1FD50]  }
0x2d1: {  	v25 =	vld [tilespmem:$0x1FD40];
	v12 =	vadd.s32 v32, v0;
	v13 =	vadd.s32 v33, v0;
	v0 =	vadd.s32 v34, v0  }
0x2d2: {  	v62 =	vor.u32 v6, v55;
	v9 =	vor.u32 v2, v9;
	v4 =	vor.u32 v59, v4  }
0x2d3: {  	v10 =	vor.u32 v2, v10;
	v11 =	vor.u32 v2, v11;
	v9 =	vor.u32 v22, v9  }
0x2d4: {  	v12 =	vor.u32 v2, v12;
	v13 =	vor.u32 v2, v13;
	v10 =	vor.u32 v23, v10  }
0x2d5: {  	v0 =	vor.u32 v2, v0;
	v11 =	vor.u32 v24, v11;
	v51 =	vor.u32 v3, v13;
	v3 =	vld [tilespmem:$0x1FD60]  }
0x2d6: {  	v2 =	vor.u32 v6, v14;
	v14 =	vor.u32 v6, v63;
	v12 =	vor.u32 v25, v12  }
0x2d7: {  	v16 =	vor.u32 v59, v2;
	v2 =	vor.u32 v6, v20;
	v13 =	vor.u32 v6, v15;
	v63 =	vld.idx.msk [tilespmem:v4+s25+$0x0], $0xffff  }
0x2d8: {  	v57 =	vor.u32 v23, v14;
	v14 =	vor.u32 v8, v48;
	v50 =	vld.idx.msk [tilespmem:v9+s25+$0x0], $0xffff;
	v21 =	vor.u32 v22, v13  }
0x2d9: {  	v48 =	vimm.f32 $-Inf;
	v52 =	vld.idx.msk [tilespmem:v10+s25+$0x0], $0xffff;
	v4 =	vor.u32 v5, v41;
	v9 =	vor.u32 v8, v44  }
0x2da: {  	v53 =	vld.idx.msk [tilespmem:v11+s25+$0x0], $0xffff;
	v13 =	vor.u32 v5, v43;
	v0 =	vor.u32 v3, v0;
	v3 =	vor.u32 v8, v7  }
0x2db: {  	v11 =	vor.u32 v8, v47;
	v7 =	vor.u32 v5, v56;
	v55 =	vld.idx.msk [tilespmem:v51+s25+$0x0], $0xffff;
	v15 =	vor.u32 v59, v3  }
0x2dc: {  	v47 =	vimm.f32 $-Inf;
	v3 =	vor.u32 v6, v54;
	v17 =	vor.u32 v59, v7;
	v54 =	vld.idx.msk [tilespmem:v12+s25+$0x0], $0xffff  }
0x2dd: {  	v7 =	vor.u32 v5, v58;
	v6 =	vor.u32 v5, v42;
	v5 =	vor.u32 v8, v46;
	v51 =	vld.idx.msk [tilespmem:v21+s25+$0x0], $0xffff  }
0x2de: {  	v41 =	vimm.f32 $-Inf;
	v44 =	vimm.s32 $0x0;
	v58 =	vor.u32 v24, v5;
	v5 =	vld.idx.msk [tilespmem:v16+s25+$0x0], $0xffff  }
0x2df: {  	v43 =	vimm.s32 $0x0;
	v61 =	vor.u32 v22, v9;
	v9 =	vor.u32 v8, v45;
	v56 =	vld.idx.msk [tilespmem:v0+s25+$0x0], $0xffff  }
0x2e0: {  	v45 =	vimm.f32 $-Inf;
	v59 =	vor.u32 v23, v9;
	v8 =	vor.u32 v8, v49;
	v9 =	vld.idx.msk [tilespmem:v15+s25+$0x0], $0xffff  }
0x2e1: {  	s10 =	simm.s32 $0x4;
	v49 =	vimm.f32 $-Inf;
	v42 =	vimm.f32 $-Inf;
	v46 =	vimm.s32 $0x0;
	v10 =	vld.idx.msk [tilespmem:v17+s25+$0x0], $0xffff  }
.LBB2_14:
0x2e2: {  	v28 =	vld [tilespmem:$0x1FD20]  }
0x2e3: {  	v29 =	vld [tilespmem:$0x1FD30]  }
0x2e4: {  	v26 =	vld [tilespmem:$0x1FD40]  }
0x2e5: {  	vm0 =	vgt.f32 v63, v36;
	vm15 =	vgt.f32 v50, v48  }
0x2e6: {  	vm1 =	vgt.f32 v52, v47;
	vm2 =	vgt.f32 v53, v45;
	v12 =	vsel vm0, v63, v36  }
0x2e7: {  	v20 =	vld.idx.msk [tilespmem:v58+s25+$0x0], $0xffff;
	v58 =	vimm.s32 $0x0;
	v15 =	vsel vm0, s9, v35;
	vm12 =	vgt.f32 v9, v12  }
0x2e8: {  	v53 =	vsel vm2, v53, v45;
	v0 =	vor.u32 v28, v7;
	v9 =	vsel vm12, v9, v12  }
0x2e9: {  	v3 =	vor.u32 v29, v3;
	v18 =	vor.u32 v26, v62;
	v62 =	vld [tilespmem:$0x1FD50];
	vm13 =	vgt.f32 v10, v9  }
0x2ea: {  	v1 =	vld.idx.msk [tilespmem:v1+s25+$0x0], $0xffff;
	v16 =	vor.u32 v29, v60;
	v12 =	vsel vm12, s8, v15;
	v9 =	vsel vm13, v10, v9  }
0x2eb: {  	v17 =	vld.idx.msk [tilespmem:v61+s25+$0x0], $0xffff;
	v4 =	vor.u32 v26, v4;
	v11 =	vor.u32 v26, v11;
	vm14 =	vgt.f32 v5, v9  }
0x2ec: {  	v15 =	vld.idx.msk [tilespmem:v59+s25+$0x0], $0xffff;
	v10 =	vsel vm13, s6, v12;
	v36 =	vsel vm14, v5, v9;
	v5 =	vimm.s32 $0x0  }
0x2ed: {  	v7 =	vld.idx.msk [tilespmem:v57+s25+$0x0], $0xffff;
	vm13 =	vgt.f32 v55, v41;
	v35 =	vsel vm14, s5, v10;
	v5 =	vsel vm15, $0xFFFFFFFF, v5  }
0x2ee: {  	v9 =	vsel vm15, v50, v48;
	v0 =	vld.idx.msk [tilespmem:v0+s25+$0x0], $0xffff;
	v12 =	vor.u32 v62, v14;
	[tilespmem:$0x1FC60] =	vst v5;
	v5 =	vimm.s32 $0x0  }
0x2ef: {  	v10 =	vsel vm1, v52, v47;
	v2 =	vor.u32 v62, v2;
	v14 =	vld.idx.msk [tilespmem:v16+s25+$0x0], $0xffff;
	v5 =	vsel vm1, $0xFFFFFFFF, v5  }
0x2f0: {  	v60 =	vld [tilespmem:$0x1FD60];
	v6 =	vor.u32 v62, v6;
	vm0 =	vgt.f32 v17, v9;
	[tilespmem:$0x1FC70] =	vst v5;
	v5 =	vimm.s32 $0x0  }
0x2f1: {  	v3 =	vld.idx.msk [tilespmem:v3+s25+$0x0], $0xffff;
	v9 =	vsel vm0, v17, v9;
	vm1 =	vgt.f32 v15, v10;
	v5 =	vsel vm2, $0xFFFFFFFF, v5  }
0x2f2: {  	v57 =	vimm.s32 $0x0;
	v10 =	vsel vm1, v15, v10;
	vm2 =	vgt.f32 v20, v53;
	[tilespmem:$0x1FC80] =	vst v5;
	v5 =	vld.idx.msk [tilespmem:v18+s25+$0x0], $0xffff  }
0x2f3: {  	v18 =	vsel vm0, $0xFFFFFFFF, v57;
	v15 =	vsel vm2, v20, v53;
	v12 =	vld.idx.msk [tilespmem:v12+s25+$0x0], $0xffff;
	vm0 =	vgt.f32 v1, v9  }
0x2f4: {  	[tilespmem:$0x1FC90] =	vst v18;
	v18 =	vsel vm1, $0xFFFFFFFF, v58;
	vm1 =	vgt.f32 v0, v10;
	vm8 =	vgt.f32 v14, v15  }
0x2f5: {  	v6 =	vld.idx.msk [tilespmem:v6+s25+$0x0], $0xffff;
	v1 =	vsel vm0, v1, v9;
	v0 =	vsel vm1, v0, v10;
	v9 =	vsel vm8, v14, v15  }
0x2f6: {  	v8 =	vor.u32 v60, v8;
	v11 =	vld.idx.msk [tilespmem:v11+s25+$0x0], $0xffff;
	vm10 =	vgt.f32 v7, v0;
	vm11 =	vgt.f32 v3, v9  }
0x2f7: {  	v47 =	vsel vm10, v7, v0;
	v45 =	vsel vm11, v3, v9;
	v0 =	vld.idx.msk [tilespmem:v2+s25+$0x0], $0xffff;
	v3 =	vsel vm13, v55, v41  }
0x2f8: {  	v61 =	vimm.s32 $0x0;
	vm6 =	vgt.f32 v12, v3  }
0x2f9: {  	v63 =	vimm.s32 $0x0;
	v13 =	vor.u32 v60, v13;
	v4 =	vld.idx.msk [tilespmem:v4+s25+$0x0], $0xffff;
	v3 =	vsel vm6, v12, v3  }
0x2fa: {  	vm12 =	vgt.f32 v54, v49;
	v19 =	vor.u32 v60, v39;
	vm4 =	vgt.f32 v6, v3  }
0x2fb: {  	v16 =	vsel vm0, $0xFFFFFFFF, v61;
	v2 =	vsel vm12, v54, v49;
	v3 =	vsel vm4, v6, v3  }
0x2fc: {  	v8 =	vld.idx.msk [tilespmem:v8+s25+$0x0], $0xffff;
	[tilespmem:$0x1FCC0] =	vst v16;
	v16 =	vsel vm1, $0xFFFFFFFF, v63;
	vm15 =	vgt.f32 v11, v2;
	vm1 =	vgt.f32 v0, v3  }
0x2fd: {  	v2 =	vsel vm15, v11, v2;
	v41 =	vsel vm1, v0, v3;
	v3 =	vld [tilespmem:$0x1FC90]  }
0x2fe: {  	v10 =	vld.idx.msk [tilespmem:v13+s25+$0x0], $0xffff;
	vm3 =	vgt.f32 v4, v2  }
0x2ff: {  	vm14 =	vgt.f32 v56, v42;
	vm9 =	vgt.f32 v51, v1;
	v2 =	vsel vm3, v4, v2  }
0x300: {  	v48 =	vsel vm9, v51, v1;
	v1 =	vld.idx.msk [tilespmem:v19+s25+$0x0], $0xffff;
	v7 =	vsel vm14, v56, v42;
	vm0 =	vgt.f32 v5, v2  }
0x301: {  	[tilespmem:$0x1FCA0] =	vst v18;
	vm7 =	vgt.f32 v8, v7;
	v49 =	vsel vm0, v5, v2;
	v2 =	vsel vm14, s9, v37  }
0x302: {  	v7 =	vsel vm7, v8, v7;
	v2 =	vsel vm7, s8, v2;
	vm7 =	vnez.u8 v3;
	v3 =	vld [tilespmem:$0x1FCA0]  }
0x303: {  	vm5 =	vgt.f32 v10, v7  }
0x304: {  	v59 =	vimm.s32 $0x0;
	v4 =	vsel vm5, v10, v7  }
0x305: {  	v18 =	vsel vm2, $0xFFFFFFFF, v59;
	vm2 =	vgt.f32 v1, v4  }
0x306: {  	[tilespmem:$0x1FCB0] =	vst v18;
	v42 =	vsel vm2, v1, v4;
	v0 =	vsel vm12, s9, v40  }
0x307: {  	v1 =	vsel vm13, s9, v38;
	v0 =	vsel vm15, s8, v0;
	vm12 =	vnez.u8 v3;
	v3 =	vld [tilespmem:$0x1FCB0]  }
0x308: {  	v1 =	vsel vm6, s8, v1;
	v0 =	vsel vm3, s6, v0  }
0x309: {  	v1 =	vsel vm4, s6, v1;
	v40 =	vsel vm0, s5, v0;
	v0 =	vld [tilespmem:$0x1FC60]  }
0x30a: {  	v2 =	vsel vm5, s6, v2;
	v38 =	vsel vm1, s5, v1;
	v1 =	vld [tilespmem:$0x1FC70]  }
0x30b: {  	v37 =	vsel vm2, s5, v2;
	v2 =	vld [tilespmem:$0x1FC80]  }
0x30c: {  	vm13 =	vnez.u8 v3;
	v3 =	vld [tilespmem:$0x1FCC0];
	_ =	sdelay $0x2  }
0x30d: {  	vm4 =	vnez.u8 v0  }
0x30e: {  	[tilespmem:$0x1FCD0] =	vst v16;
	vm5 =	vnez.u8 v1;
	vm6 =	vnez.u8 v2;
	v0 =	vsel vm4, s9, v46  }
0x30f: {  	v2 =	vsel vm6, s9, v43;
	v0 =	vsel vm7, s8, v0;
	vm14 =	vnez.u8 v3;
	v3 =	vld [tilespmem:$0x1FCD0]  }
0x310: {  	v1 =	vsel vm5, s9, v44;
	v2 =	vsel vm13, s8, v2;
	v0 =	vsel vm14, s6, v0  }
0x311: {  	v22 =	vld [tilespmem:$0x1FD10];
	v2 =	vsel vm8, s6, v2;
	v46 =	vsel vm9, s5, v0;
	v0 =	vmov s10  }
0x312: {  	v43 =	vsel vm11, s5, v2;
	v2 =	vshll.u32 v0, $0x7;
	v0 =	vshrl.u32 v0, $0x3  }
0x313: {  	v1 =	vsel vm12, s8, v1;
	s8 =	sadd.s32 $0x1, s10;
	v0 =	vmul.u32 $0xC00, v0  }
0x314: {  	v2 =	vand.u32 $0x200, v2;
	vm15 =	vnez.u8 v3;
	v3 =	vmov s8  }
0x315: {  	v1 =	vsel vm15, s6, v1;
	v7 =	vshll.u32 v3, $0x7;
	v3 =	vshrl.u32 v3, $0x3  }
0x316: {  	v9 =	vadd.s32 v22, v0;
	v10 =	vadd.s32 v30, v0;
	v11 =	vadd.s32 v31, v0  }
0x317: {  	s6 =	sadd.s32 $0x2, s10;
	v12 =	vadd.s32 v32, v0;
	v13 =	vadd.s32 v33, v0;
	v44 =	vsel vm10, s5, v1  }
0x318: {  	v4 =	vmov s6;
	v3 =	vmul.u32 $0xC00, v3;
	v8 =	vand.u32 $0x280, v7  }
0x319: {  	v7 =	vadd.s32 v27, v0;
	v0 =	vadd.s32 v34, v0;
	v9 =	vor.u32 v2, v9  }
0x31a: {  	s5 =	sadd.s32 $0x3, s10;
	v10 =	vor.u32 v2, v10;
	v11 =	vor.u32 v2, v11;
	v12 =	vor.u32 v2, v12  }
0x31b: {  	v13 =	vor.u32 v2, v13;
	v1 =	vmov s5;
	v5 =	vshll.u32 v4, $0x7  }
0x31c: {  	v4 =	vshrl.u32 v4, $0x3;
	v10 =	vor.u32 v28, v10;
	v11 =	vor.u32 v29, v11  }
0x31d: {  	v12 =	vor.u32 v26, v12;
	v0 =	vor.u32 v2, v0;
	v4 =	vmul.u32 $0xC00, v4  }
0x31e: {  	v39 =	vld [tilespmem:$0x1FCE0];
	v6 =	vshll.u32 v1, $0x7;
	v1 =	vshrl.u32 v1, $0x3;
	v5 =	vand.u32 $0x300, v5  }
0x31f: {  	v61 =	vadd.s32 v22, v3;
	v1 =	vmul.u32 $0xC00, v1;
	v19 =	vadd.s32 v27, v4  }
0x320: {  	v51 =	vadd.s32 v22, v4;
	v56 =	vadd.s32 v30, v4;
	v57 =	vadd.s32 v31, v4  }
0x321: {  	v58 =	vadd.s32 v32, v4;
	v59 =	vadd.s32 v33, v4;
	v21 =	vadd.s32 v34, v4  }
0x322: {  	v4 =	vor.u32 v2, v7;
	v7 =	vadd.s32 v27, v3;
	v14 =	vadd.s32 v27, v1;
	v27 =	vld [tilespmem:$0x1FD00]  }
0x323: {  	v23 =	vadd.s32 v31, v3;
	v24 =	vadd.s32 v32, v3;
	v4 =	vor.u32 v39, v4  }
0x324: {  	v25 =	vadd.s32 v33, v3;
	v26 =	vadd.s32 v34, v3;
	v0 =	vor.u32 v60, v0  }
0x325: {  	v6 =	vand.u32 $0x380, v6;
	v15 =	vadd.s32 v22, v1;
	v16 =	vadd.s32 v30, v1  }
0x326: {  	v17 =	vadd.s32 v31, v1;
	v18 =	vadd.s32 v32, v1;
	v20 =	vadd.s32 v33, v1  }
0x327: {  	v1 =	vadd.s32 v34, v1;
	v22 =	vadd.s32 v30, v3;
	v52 =	vld.idx.msk [tilespmem:v10+s25+$0x0], $0xffff;
	v9 =	vor.u32 v27, v9  }
0x328: {  	v3 =	vor.u32 v8, v7;
	v2 =	vor.u32 v6, v14;
	v63 =	vld.idx.msk [tilespmem:v4+s25+$0x0], $0xffff;
	v4 =	vor.u32 v62, v13  }
0x329: {  	v7 =	vor.u32 v5, v19;
	v60 =	vor.u32 v5, v57;
	v53 =	vld.idx.msk [tilespmem:v11+s25+$0x0], $0xffff;
	v11 =	vor.u32 v39, v2  }
0x32a: {  	v10 =	vor.u32 v39, v3;
	v3 =	vor.u32 v6, v17;
	v54 =	vld.idx.msk [tilespmem:v12+s25+$0x0], $0xffff;
	v12 =	vor.u32 v39, v7  }
0x32b: {  	v7 =	vor.u32 v5, v56;
	v2 =	vor.u32 v6, v20;
	v39 =	vor.u32 v6, v1;
	v56 =	vld.idx.msk [tilespmem:v0+s25+$0x0], $0xffff  }
0x32c: {  	v1 =	vor.u32 v5, v51;
	v13 =	vor.u32 v6, v16;
	v50 =	vld.idx.msk [tilespmem:v9+s25+$0x0], $0xffff;
	v9 =	vor.u32 v6, v15  }
0x32d: {  	p0 =	slt.u32 s10, $0x4C;
	v62 =	vor.u32 v6, v18;
	v57 =	vor.u32 v28, v13;
	v55 =	vld.idx.msk [tilespmem:v4+s25+$0x0], $0xffff;
	v15 =	vor.u32 v27, v9  }
.Ltmp6:
0x32e: {  	v13 =	vor.u32 v5, v21;
	v4 =	vor.u32 v5, v58;
	v6 =	vor.u32 v5, v59;
	v5 =	vld.idx.msk [tilespmem:v11+s25+$0x0], $0xffff;
	(pc) =	sbr.rel @p0 .LBB2_14-.Ltmp6, $4  }
0x32f: {  	v0 =	vor.u32 v8, v61;
	v9 =	vld.idx.msk [tilespmem:v10+s25+$0x0], $0xffff  }
0x330: {  	v1 =	vor.u32 v27, v1;
	v61 =	vor.u32 v27, v0;
	v0 =	vor.u32 v8, v22;
	v27 =	vld [tilespmem:$0x1FCF0]  }
0x331: {  	v14 =	vor.u32 v8, v25;
	v59 =	vor.u32 v28, v0;
	v0 =	vor.u32 v8, v23;
	v10 =	vld.idx.msk [tilespmem:v12+s25+$0x0], $0xffff  }
0x332: {  	s9 =	smov.u32 s10;
	s10 =	sadd.s32 $0x4, s10;
	v11 =	vor.u32 v8, v24;
	v8 =	vor.u32 v8, v26;
	v58 =	vor.u32 v29, v0;
	v51 =	vld.idx.msk [tilespmem:v15+s25+$0x0], $0xffff  }
0x333: {  	v28 =	vld [tilespmem:$0x1FD40];
	_ =	sdelay $0x3  }
0x334: {  	vm0 =	vgt.f32 v63, v36;
	v29 =	vld [tilespmem:$0x1FD50]  }
0x335: {  	v0 =	vor.u32 v28, v11;
	v11 =	vsel vm0, v63, v36;
	v63 =	vld [tilespmem:$0x1FD60];
	_ =	sdelay $0x2  }
0x336: {  	vm4 =	vgt.f32 v54, v49  }
0x337: {  	vm5 =	vgt.f32 v55, v41;
	vm6 =	vgt.f32 v56, v42;
	v12 =	vor.u32 v29, v14  }
0x338: {  	v15 =	vsel vm6, v56, v42;
	vm1 =	vgt.f32 v9, v11;
	v8 =	vor.u32 v63, v8  }
0x339: {  	v25 =	vld [tilespmem:$0x1FD20];
	v16 =	vsel vm5, s9, v38;
	v17 =	vsel vm6, s9, v37;
	v9 =	vsel vm1, v9, v11  }
0x33a: {  	v18 =	vld [tilespmem:$0x1FD30];
	v4 =	vor.u32 v28, v4;
	v11 =	vsel vm0, s9, v35;
	vm14 =	vgt.f32 v10, v9  }
0x33b: {  	v6 =	vor.u32 v29, v6;
	v11 =	vsel vm1, s8, v11;
	v9 =	vsel vm14, v10, v9;
	v0 =	vld.idx.msk [tilespmem:v0+s25+$0x0], $0xffff  }
0x33c: {  	v11 =	vsel vm14, s6, v11;
	v10 =	vor.u32 v63, v13;
	vm15 =	vgt.f32 v5, v9;
	v12 =	vld.idx.msk [tilespmem:v12+s25+$0x0], $0xffff  }
0x33d: {  	vm6 =	vgt.f32 v53, v45;
	v21 =	vsel vm15, v5, v9;
	v5 =	vld.idx.msk [tilespmem:v8+s25+$0x0], $0xffff;
	v8 =	vsel vm15, s5, v11  }
0x33e: {  	v56 =	vimm.f32 $0.0e+00;
	v7 =	vor.u32 v25, v7;
	v14 =	vor.u32 v28, v62;
	[tilespmem:$0x1FBC0] =	vst v8  }
0x33f: {  	v3 =	vor.u32 v18, v3;
	v2 =	vor.u32 v29, v2;
	v19 =	vadd.s32 v29, v33;
	v4 =	vld.idx.msk [tilespmem:v4+s25+$0x0], $0xffff  }
0x340: {  	v62 =	vimm.f32 $0.0e+00;
	v13 =	vor.u32 v63, v39;
	v9 =	vsel vm4, s9, v40;
	v6 =	vld.idx.msk [tilespmem:v6+s25+$0x0], $0xffff  }
0x341: {  	v11 =	vsel vm5, v55, v41;
	vm5 =	vgt.f32 v52, v47;
	v8 =	vsel vm4, v54, v49;
	v10 =	vld.idx.msk [tilespmem:v10+s25+$0x0], $0xffff  }
0x342: {  	vm8 =	vgt.f32 v12, v11;
	vm4 =	vgt.f32 v50, v48;
	vm7 =	vgt.f32 v0, v8  }
0x343: {  	v14 =	vld.idx.msk [tilespmem:v14+s25+$0x0], $0xffff;
	v0 =	vsel vm7, v0, v8;
	v8 =	vsel vm7, s8, v9;
	v9 =	vsel vm8, v12, v11  }
0x344: {  	v2 =	vld.idx.msk [tilespmem:v2+s25+$0x0], $0xffff;
	v11 =	vsel vm8, s8, v16;
	v16 =	vadd.s32 v18, v31;
	vm9 =	vgt.f32 v5, v15  }
0x345: {  	v12 =	vld.idx.msk [tilespmem:v13+s25+$0x0], $0xffff;
	v16 =	vadd.s32 $0x7800, v16;
	v5 =	vsel vm9, v5, v15;
	v13 =	vsel vm9, s8, v17  }
0x346: {  	vm10 =	vgt.f32 v4, v0;
	vm11 =	vgt.f32 v6, v9;
	vm12 =	vgt.f32 v10, v5  }
0x347: {  	v0 =	vsel vm10, v4, v0;
	v4 =	vsel vm10, s6, v8;
	v6 =	vsel vm11, v6, v9  }
0x348: {  	v36 =	vld [tilespmem:$0x1FCE0];
	v5 =	vsel vm12, v10, v5;
	v9 =	vsel vm11, s6, v11;
	vm13 =	vgt.f32 v14, v0  }
0x349: {  	vm14 =	vgt.f32 v2, v6;
	v42 =	vsel vm13, v14, v0;
	v0 =	vsel vm13, s5, v4  }
0x34a: {  	v20 =	vld [tilespmem:$0x1FD10];
	v10 =	vsel vm12, s6, v13;
	vm15 =	vgt.f32 v12, v5;
	[tilespmem:$0x1FBD0] =	vst v0;
	v0 =	vsel vm14, s5, v9  }
0x34b: {  	v37 =	vld [tilespmem:$0x1FD00];
	v15 =	vadd.s32 v25, v30;
	v23 =	vsel vm14, v2, v6;
	v2 =	vsel vm15, s5, v10;
	[tilespmem:$0x1FBE0] =	vst v0  }
0x34c: {  	v39 =	vmovc v18;
	v17 =	vsel vm6, s9, v43;
	v15 =	vadd.s32 $0x7800, v15;
	v8 =	vor.u32 v18, v60;
	v0 =	vld.idx.msk [tilespmem:v61+s25+$0x0], $0xffff;
	[tilespmem:$0x1FBF0] =	vst v2  }
0x34d: {  	v11 =	vsel vm6, v53, v45;
	v18 =	vadd.s32 v28, v32;
	v10 =	vadd.s32 v36, v27;
	v2 =	vld.idx.msk [tilespmem:v57+s25+$0x0], $0xffff  }
0x34e: {  	v60 =	vimm.f32 $0.0e+00;
	v18 =	vadd.s32 $0x7800, v18;
	v10 =	vadd.s32 $0x7800, v10;
	v6 =	vld.idx.msk [tilespmem:v59+s25+$0x0], $0xffff  }
0x34f: {  	v22 =	vsel vm15, v12, v5;
	v4 =	vsel vm4, v50, v48;
	v5 =	vsel vm4, s9, v46;
	v13 =	vld.idx.msk [tilespmem:v58+s25+$0x0], $0xffff  }
0x350: {  	v12 =	vadd.s32 v37, v20;
	v14 =	vsel vm5, s9, v44;
	v9 =	vsel vm5, v52, v47;
	v1 =	vld.idx.msk [tilespmem:v1+s25+$0x0], $0xffff  }
0x351: {  	v12 =	vadd.s32 $0x7800, v12;
	v61 =	vimm.f32 $0.0e+00;
	v7 =	vld.idx.msk [tilespmem:v7+s25+$0x0], $0xffff;
	v58 =	vimm.f32 $0.0e+00  }
0x352: {  	v8 =	vld.idx.msk [tilespmem:v8+s25+$0x0], $0xffff;
	v59 =	vimm.f32 $0.0e+00;
	v57 =	vimm.f32 $0.0e+00;
	vm7 =	vgt.f32 v0, v4  }
0x353: {  	vm8 =	vgt.f32 v6, v9;
	v0 =	vsel vm7, v0, v4;
	v4 =	vld.idx.msk [tilespmem:v10+s25+$0x0], $0xffff;
	v10 =	vadd.s32 $0x7800, v19  }
0x354: {  	v19 =	vadd.s32 v63, v34;
	v5 =	vsel vm7, s8, v5;
	vm9 =	vgt.f32 v13, v11  }
0x355: {  	v3 =	vld.idx.msk [tilespmem:v3+s25+$0x0], $0xffff;
	v19 =	vadd.s32 $0x7800, v19;
	v6 =	vsel vm8, v6, v9;
	v9 =	vsel vm9, v13, v11  }
0x356: {  	v11 =	vsel vm8, s8, v14;
	vm10 =	vgt.f32 v1, v0;
	v14 =	vsel vm9, s8, v17  }
0x357: {  	v12 =	vld.idx.msk [tilespmem:v12+s25+$0x0], $0xffff;
	vm11 =	vgt.f32 v7, v6;
	v0 =	vsel vm10, v1, v0;
	vm12 =	vgt.f32 v8, v9  }
0x358: {  	v13 =	vld.idx.msk [tilespmem:v15+s25+$0x0], $0xffff;
	v1 =	vsel vm10, s6, v5;
	v6 =	vsel vm11, v7, v6;
	v7 =	vsel vm12, v8, v9  }
0x359: {  	v15 =	vld.idx.msk [tilespmem:v16+s25+$0x0], $0xffff;
	v8 =	vsel vm11, s6, v11;
	vm13 =	vgt.f32 v51, v0;
	vm14 =	vgt.f32 v2, v6  }
0x35a: {  	s9 =	simm.s32 $0x2;
	v5 =	vld.idx.msk [tilespmem:v18+s25+$0x0], $0xffff;
	v52 =	vsel vm13, v51, v0;
	v0 =	vsel vm13, s5, v1;
	vm15 =	vgt.f32 v3, v7  }
0x35b: {  	v1 =	vmov s9;
	v9 =	vld.idx.msk [tilespmem:v10+s25+$0x0], $0xffff;
	v10 =	vsel vm12, s6, v14;
	v51 =	vsel vm14, v2, v6  }
0x35c: {  	s10 =	simm.s32 $0x1;
	[tilespmem:$0x1FC00] =	vst v0;
	v0 =	vsel vm14, s5, v8;
	v49 =	vsel vm15, v3, v7;
	v55 =	vmax.f32 v21, v4  }
0x35d: {  	v54 =	vmax.f32 v52, v12;
	v3 =	vmov s10;
	v4 =	vshll.u32 v1, $0x7  }
0x35e: {  	v1 =	vshrl.u32 v1, $0x3;
	[tilespmem:$0x1FC10] =	vst v0;
	v0 =	vsel vm15, s5, v10;
	v53 =	vmax.f32 v51, v13  }
0x35f: {  	s8 =	simm.s32 $0x0;
	v50 =	vmax.f32 v49, v15;
	v4 =	vand.u32 $0x380, v4;
	v1 =	vmul.u32 $0xC00, v1  }
0x360: {  	[tilespmem:$0x1FC20] =	vst v0;
	v48 =	vmax.f32 v42, v5;
	v0 =	vmov s8;
	v5 =	vshll.u32 v3, $0x7  }
0x361: {  	v3 =	vshrl.u32 v3, $0x3;
	v2 =	vshll.u32 v0, $0x7;
	v0 =	vshrl.u32 v0, $0x3  }
0x362: {  	v5 =	vand.u32 $0x380, v5;
	v3 =	vmul.u32 $0xC00, v3;
	v12 =	vadd.s32 v27, v1  }
0x363: {  	v13 =	vadd.s32 v20, v1;
	v14 =	vadd.s32 v30, v1;
	v15 =	vadd.s32 v31, v1  }
0x364: {  	v11 =	vld.idx.msk [tilespmem:v19+s25+$0x0], $0xffff;
	v16 =	vadd.s32 v32, v1;
	v18 =	vadd.s32 v33, v1;
	v1 =	vadd.s32 v34, v1  }
0x365: {  	v2 =	vand.u32 $0x380, v2;
	v0 =	vmul.u32 $0xC00, v0;
	v40 =	vor.u32 v4, v16  }
0x366: {  	v41 =	vor.u32 v4, v18;
	v45 =	vor.u32 v4, v1;
	v47 =	vmax.f32 v23, v9  }
0x367: {  	[tilespmem:$0x1FC30] =	vst v21;
	v17 =	vadd.s32 v27, v3;
	v19 =	vadd.s32 v20, v3;
	v21 =	vadd.s32 v30, v3  }
0x368: {  	[tilespmem:$0x1FC40] =	vst v23;
	v23 =	vadd.s32 v32, v3;
	v24 =	vadd.s32 v33, v3;
	v1 =	vor.u32 v29, v41  }
0x369: {  	v46 =	vmax.f32 v22, v11;
	v6 =	vadd.s32 v27, v0;
	v7 =	vadd.s32 v20, v0  }
0x36a: {  	v8 =	vadd.s32 v30, v0;
	v9 =	vadd.s32 v31, v0;
	v10 =	vadd.s32 v32, v0  }
0x36b: {  	v11 =	vadd.s32 v33, v0;
	v0 =	vadd.s32 v34, v0;
	v6 =	vor.u32 v2, v6  }
0x36c: {  	v7 =	vor.u32 v2, v7;
	v8 =	vor.u32 v2, v8;
	v6 =	vor.u32 v36, v6  }
0x36d: {  	v9 =	vor.u32 v2, v9;
	v10 =	vor.u32 v2, v10;
	v7 =	vor.u32 v37, v7  }
0x36e: {  	v11 =	vor.u32 v2, v11;
	v0 =	vor.u32 v2, v0;
	v2 =	vor.u32 v25, v8  }
0x36f: {  	[tilespmem:$0x1FC50] =	vst v22;
	v22 =	vadd.s32 v31, v3;
	v3 =	vadd.s32 v34, v3;
	v9 =	vor.u32 v39, v9  }
0x370: {  	v38 =	vmovc v25;
	v44 =	vor.u32 v5, v17;
	v8 =	vor.u32 v4, v12;
	v26 =	vor.u32 v28, v10  }
0x371: {  	v12 =	vor.u32 v4, v13;
	v13 =	vor.u32 v4, v14;
	v43 =	vor.u32 v29, v11;
	v14 =	vld.idx.msk [tilespmem:v6+s25+$0x0], $0xffff  }
0x372: {  	v20 =	vor.u32 v5, v19;
	v35 =	vor.u32 v5, v21;
	v25 =	vor.u32 v4, v15;
	v15 =	vld.idx.msk [tilespmem:v7+s25+$0x0], $0xffff  }
0x373: {  	v17 =	vor.u32 v5, v23;
	v16 =	vor.u32 v5, v22;
	v10 =	vor.u32 v63, v0;
	v6 =	vld.idx.msk [tilespmem:v2+s25+$0x0], $0xffff  }
0x374: {  	v11 =	vor.u32 v5, v24;
	v4 =	vor.u32 v5, v3;
	v63 =	vor.u32 v63, v45;
	v7 =	vld.idx.msk [tilespmem:v9+s25+$0x0], $0xffff  }
0x375: {  	v18 =	vor.u32 v36, v8;
	v19 =	vor.u32 v37, v12;
	v5 =	vor.u32 v38, v13;
	v8 =	vld.idx.msk [tilespmem:v26+s25+$0x0], $0xffff  }
0x376: {  	s5 =	simm.s32 $0x3;
	v3 =	vor.u32 v39, v25;
	v2 =	vor.u32 v28, v40;
	v9 =	vor.u32 v36, v44;
	v13 =	vld.idx.msk [tilespmem:v43+s25+$0x0], $0xffff  }
.LBB2_16:
0x377: {  	v45 =	vld [tilespmem:$0x1FD00]  }
0x378: {  	v28 =	vld [tilespmem:$0x1FD20]  }
0x379: {  	v29 =	vld [tilespmem:$0x1FD30]  }
0x37a: {  	v41 =	vld [tilespmem:$0x1FD40]  }
0x37b: {  	v0 =	vsub.f32 v14, v55;
	v40 =	vld [tilespmem:$0x1FD50]  }
0x37c: {  	v39 =	vld [tilespmem:$0x1FD60]  }
0x37d: {  	v5 =	vld.idx.msk [tilespmem:v5+s25+$0x0], $0xffff;
	v0 =	vmul.f32 $1.442695020e+00, v0;
	v15 =	vsub.f32 v15, v54  }
0x37e: {  	v6 =	vsub.f32 v6, v53;
	v7 =	vsub.f32 v7, v50  }
0x37f: {  	v10 =	vld.idx.msk [tilespmem:v10+s25+$0x0], $0xffff;
	v8 =	vsub.f32 v8, v48;
	(erf) = vpow2.f32 v0;
	v12 =	vor.u32 v45, v20  }
0x380: {  	v18 =	vld.idx.msk [tilespmem:v18+s25+$0x0], $0xffff;
	v14 =	vor.u32 v28, v35;
	v16 =	vor.u32 v29, v16;
	v17 =	vor.u32 v41, v17  }
0x381: {  	v19 =	vld.idx.msk [tilespmem:v19+s25+$0x0], $0xffff;
	v11 =	vor.u32 v40, v11;
	v4 =	vor.u32 v39, v4;
	v15 =	vmul.f32 $1.442695020e+00, v15  }
0x382: {  	v3 =	vld.idx.msk [tilespmem:v3+s25+$0x0], $0xffff;
	v5 =	vsub.f32 v5, v53;
	v6 =	vmul.f32 $1.442695020e+00, v6;
	v0 =	vmul.f32 $1.442695020e+00, v7  }
0x383: {  	v9 =	vld.idx.msk [tilespmem:v9+s25+$0x0], $0xffff;
	v7 =	vsub.f32 v13, v47;
	v8 =	vmul.f32 $1.442695020e+00, v8;
	(erf) = vpow2.f32 v15  }
0x384: {  	v10 =	vsub.f32 v10, v46;
	v5 =	vmul.f32 $1.442695020e+00, v5;
	(erf) = vpow2.f32 v6;
	v12 =	vld.idx.msk [tilespmem:v12+s25+$0x0], $0xffff  }
0x385: {  	v6 =	vmul.f32 $1.442695020e+00, v7;
	v7 =	vsub.f32 v18, v55;
	v13 =	vld.idx.msk [tilespmem:v14+s25+$0x0], $0xffff;
	(erf) = vpow2.f32 v0  }
0x386: {  	v2 =	vld.idx.msk [tilespmem:v2+s25+$0x0], $0xffff;
	v0 =	vmul.f32 $1.442695020e+00, v10;
	v10 =	vsub.f32 v19, v54;
	(erf) = vpow2.f32 v8  }
0x387: {  	v1 =	vld.idx.msk [tilespmem:v1+s25+$0x0], $0xffff;
	v3 =	vsub.f32 v3, v50;
	v7 =	vmul.f32 $1.442695020e+00, v7;
	(erf) = vpow2.f32 v6  }
0x388: {  	v8 =	vld.idx.msk [tilespmem:v16+s25+$0x0], $0xffff;
	v6 =	vsub.f32 v9, v55;
	v14 =	vmul.f32 $1.442695020e+00, v10;
	(erf) = vpow2.f32 v0  }
0x389: {  	v3 =	vmul.f32 $1.442695020e+00, v3;
	v9 =	vld.idx.msk [tilespmem:v17+s25+$0x0], $0xffff;
	(erf) = vpow2.f32 v7;
	v0 =	vsub.f32 v12, v54  }
0x38a: {  	v11 =	vld.idx.msk [tilespmem:v11+s25+$0x0], $0xffff;
	v6 =	vmul.f32 $1.442695020e+00, v6;
	v7 =	vsub.f32 v13, v53;
	(erf) = vpow2.f32 v14  }
0x38b: {  	v2 =	vsub.f32 v2, v48;
	v4 =	vld.idx.msk [tilespmem:v4+s25+$0x0], $0xffff;
	v10 =	vpop (erf);
	(erf) = vpow2.f32 v5;
	v0 =	vmul.f32 $1.442695020e+00, v0  }
0x38c: {  	v1 =	vsub.f32 v1, v47;
	v5 =	vmul.f32 $1.442695020e+00, v7;
	v12 =	vpop (erf);
	(erf) = vpow2.f32 v6  }
0x38d: {  	v2 =	vmul.f32 $1.442695020e+00, v2;
	v6 =	vsub.f32 v8, v50;
	v8 =	vpop (erf);
	(erf) = vpow2.f32 v0  }
0x38e: {  	v1 =	vmul.f32 $1.442695020e+00, v1;
	v0 =	vsub.f32 v9, v48;
	v9 =	vpop (erf);
	(erf) = vpow2.f32 v5  }
0x38f: {  	v13 =	vsub.f32 v11, v47;
	v7 =	vld.idx.msk [tilespmem:v63+s25+$0x0], $0xffff;
	v5 =	vmul.f32 $1.442695020e+00, v6;
	v11 =	vpop (erf);
	(erf) = vpow2.f32 v3  }
0x390: {  	v14 =	vmul.f32 $1.442695020e+00, v0;
	v3 =	vsub.f32 v4, v46;
	v4 =	vpop (erf);
	(erf) = vpow2.f32 v2  }
0x391: {  	v13 =	vmul.f32 $1.442695020e+00, v13;
	v6 =	vpop (erf);
	(erf) = vpow2.f32 v5  }
0x392: {  	v16 =	vmul.f32 $1.442695020e+00, v3;
	v0 =	vpop (erf);
	(erf) = vpow2.f32 v14  }
0x393: {  	v10 =	vadd.f32 v10, v56;
	v8 =	vadd.f32 v8, v61;
	v2 =	vpop (erf);
	(erf) = vpow2.f32 v13  }
0x394: {  	s6 =	sadd.s32 $0x2, s5;
	v4 =	vadd.f32 v4, v59;
	v5 =	vsub.f32 v7, v46;
	v3 =	vpop (erf);
	(erf) = vpow2.f32 v16  }
0x395: {  	v7 =	vmov s5;
	v6 =	vadd.f32 v6, v57;
	v13 =	vmov s6;
	v15 =	vpop (erf)  }
0x396: {  	v5 =	vmul.f32 $1.442695020e+00, v5;
	(erf) = vpow2.f32 v1;
	v1 =	vadd.f32 v12, v62;
	v12 =	vpop (erf)  }
0x397: {  	v14 =	vshll.u32 v7, $0x7;
	v16 =	vshll.u32 v13, $0x7;
	v10 =	vadd.f32 v15, v10;
	v15 =	vpop (erf)  }
0x398: {  	v13 =	vshrl.u32 v13, $0x3;
	(erf) = vpow2.f32 v5;
	v17 =	vadd.f32 v12, v1;
	v12 =	vpop (erf)  }
0x399: {  	s10 =	sadd.s32 $0x1, s5;
	v5 =	vshrl.u32 v7, $0x3;
	v56 =	vadd.f32 v0, v10;
	v18 =	vadd.f32 v15, v8;
	v0 =	vpop (erf)  }
0x39a: {  	v7 =	vmov s10;
	v10 =	vand.u32 $0x380, v14;
	v14 =	vadd.f32 v11, v58;
	v1 =	vpop (erf)  }
0x39b: {  	v19 =	vld [tilespmem:$0x1FD10];
	v5 =	vmul.u32 $0xC00, v5;
	v61 =	vadd.f32 v3, v18;
	v3 =	vadd.f32 v9, v60;
	v8 =	vpop (erf)  }
0x39c: {  	v11 =	vand.u32 $0x380, v16;
	v15 =	vshll.u32 v7, $0x7;
	v62 =	vadd.f32 v2, v17;
	v9 =	vpop (erf)  }
0x39d: {  	v2 =	vshrl.u32 v7, $0x3;
	v1 =	vadd.f32 v1, v3;
	v3 =	vadd.f32 v8, v14;
	v7 =	vpop (erf)  }
0x39e: {  	v8 =	vand.u32 $0x380, v15;
	v4 =	vadd.f32 v9, v4;
	v6 =	vadd.f32 v7, v6  }
0x39f: {  	v9 =	vmul.u32 $0xC00, v13;
	v60 =	vadd.f32 v12, v1;
	v58 =	vadd.f32 v0, v3  }
0x3a0: {  	v7 =	vpop (erf);
	v1 =	vmul.u32 $0xC00, v2;
	v2 =	vadd.s32 v19, v5;
	v3 =	vadd.s32 v30, v5  }
0x3a1: {  	v59 =	vadd.f32 v7, v4;
	v4 =	vadd.s32 v31, v5;
	v7 =	vadd.s32 v33, v5  }
0x3a2: {  	v12 =	vadd.s32 v27, v9;
	v13 =	vadd.s32 v19, v9;
	v14 =	vadd.s32 v30, v9  }
0x3a3: {  	v15 =	vadd.s32 v31, v9;
	v16 =	vadd.s32 v32, v9;
	v18 =	vadd.s32 v33, v9  }
0x3a4: {  	v44 =	vld [tilespmem:$0x1FCE0];
	v0 =	vpop (erf);
	v9 =	vadd.s32 v34, v9;
	v2 =	vor.u32 v10, v2;
	v3 =	vor.u32 v10, v3  }
0x3a5: {  	v57 =	vadd.f32 v0, v6;
	v0 =	vadd.s32 v27, v5;
	v6 =	vadd.s32 v32, v5  }
0x3a6: {  	v5 =	vadd.s32 v34, v5;
	v17 =	vadd.s32 v27, v1;
	v19 =	vadd.s32 v19, v1  }
0x3a7: {  	v21 =	vadd.s32 v30, v1;
	v22 =	vadd.s32 v31, v1;
	v23 =	vadd.s32 v32, v1  }
0x3a8: {  	v24 =	vadd.s32 v33, v1;
	v1 =	vadd.s32 v34, v1;
	v0 =	vor.u32 v10, v0  }
0x3a9: {  	v4 =	vor.u32 v10, v4;
	v2 =	vor.u32 v45, v2;
	v0 =	vor.u32 v44, v0  }
0x3aa: {  	v7 =	vor.u32 v10, v7;
	v3 =	vor.u32 v28, v3;
	v12 =	vor.u32 v11, v12  }
0x3ab: {  	v13 =	vor.u32 v11, v13;
	v25 =	vor.u32 v11, v14;
	v26 =	vor.u32 v11, v15  }
0x3ac: {  	v36 =	vor.u32 v11, v16;
	v6 =	vor.u32 v10, v6;
	v4 =	vor.u32 v29, v4  }
0x3ad: {  	v37 =	vor.u32 v11, v18;
	v43 =	vor.u32 v11, v9;
	v63 =	vor.u32 v41, v6  }
0x3ae: {  	p0 =	slt.u32 s5, $0x4E;
	v5 =	vor.u32 v10, v5;
	v38 =	vor.u32 v8, v17;
	v14 =	vld.idx.msk [tilespmem:v0+s25+$0x0], $0xffff;
	v0 =	vor.u32 v40, v7  }
.Ltmp7:
0x3af: {  	v20 =	vor.u32 v8, v19;
	v35 =	vor.u32 v8, v21;
	v16 =	vor.u32 v8, v22;
	v15 =	vld.idx.msk [tilespmem:v2+s25+$0x0], $0xffff;
	(pc) =	sbr.rel @p0 .LBB2_16-.Ltmp7, $4  }
0x3b0: {  	v17 =	vor.u32 v8, v23;
	v18 =	vor.u32 v44, v12;
	v11 =	vor.u32 v8, v24;
	v6 =	vld.idx.msk [tilespmem:v3+s25+$0x0], $0xffff  }
0x3b1: {  	v19 =	vor.u32 v45, v13;
	v10 =	vor.u32 v39, v5;
	v5 =	vor.u32 v28, v25;
	v7 =	vld.idx.msk [tilespmem:v4+s25+$0x0], $0xffff  }
0x3b2: {  	v9 =	vor.u32 v44, v38;
	v3 =	vor.u32 v29, v26;
	v4 =	vor.u32 v8, v1;
	v8 =	vld.idx.msk [tilespmem:v63+s25+$0x0], $0xffff  }
0x3b3: {  	s5 =	sadd.s32 $0x3, s5;
	v2 =	vor.u32 v41, v36;
	v1 =	vor.u32 v40, v37;
	v63 =	vor.u32 v39, v43;
	v13 =	vld.idx.msk [tilespmem:v0+s25+$0x0], $0xffff  }
0x3b4: {  	_ =	sdelay $0x1  }
0x3b5: {  	v12 =	vld [tilespmem:$0x1FD00]  }
0x3b6: {  	v0 =	vsub.f32 v14, v55;
	v14 =	vld [tilespmem:$0x1FD20]  }
0x3b7: {  	v10 =	vld.idx.msk [tilespmem:v10+s25+$0x0], $0xffff  }
0x3b8: {  	v41 =	vld [tilespmem:$0x1FD30]  }
0x3b9: {  	v15 =	vsub.f32 v15, v54;
	v43 =	vld [tilespmem:$0x1FD40]  }
0x3ba: {  	v44 =	vld [tilespmem:$0x1FD50];
	v6 =	vsub.f32 v6, v53  }
0x3bb: {  	v18 =	vld.idx.msk [tilespmem:v18+s25+$0x0], $0xffff;
	v0 =	vmul.f32 $1.442695020e+00, v0;
	v15 =	vmul.f32 $1.442695020e+00, v15  }
0x3bc: {  	v19 =	vld.idx.msk [tilespmem:v19+s25+$0x0], $0xffff;
	v7 =	vsub.f32 v7, v50;
	v6 =	vmul.f32 $1.442695020e+00, v6;
	v12 =	vor.u32 v12, v20  }
0x3bd: {  	v45 =	vld [tilespmem:$0x1FD60];
	v8 =	vsub.f32 v8, v48;
	(erf) = vpow2.f32 v0;
	v14 =	vor.u32 v14, v35  }
0x3be: {  	v5 =	vld.idx.msk [tilespmem:v5+s25+$0x0], $0xffff;
	v7 =	vmul.f32 $1.442695020e+00, v7;
	v16 =	vor.u32 v41, v16;
	v17 =	vor.u32 v43, v17  }
0x3bf: {  	v0 =	vld.idx.msk [tilespmem:v9+s25+$0x0], $0xffff;
	v11 =	vor.u32 v44, v11;
	v20 =	vsub.f32 v13, v47;
	(erf) = vpow2.f32 v15  }
0x3c0: {  	v2 =	vld.idx.msk [tilespmem:v2+s25+$0x0], $0xffff;
	v8 =	vmul.f32 $1.442695020e+00, v8;
	v10 =	vsub.f32 v10, v46;
	(erf) = vpow2.f32 v6  }
0x3c1: {  	v13 =	vsub.f32 v18, v55;
	v9 =	vmul.f32 $1.442695020e+00, v20;
	(erf) = vpow2.f32 v7;
	v12 =	vld.idx.msk [tilespmem:v12+s25+$0x0], $0xffff  }
0x3c2: {  	v23 =	vsub.f32 v19, v54;
	v22 =	vmul.f32 $1.442695020e+00, v10;
	(erf) = vpow2.f32 v8;
	v21 =	vld.idx.msk [tilespmem:v14+s25+$0x0], $0xffff  }
0x3c3: {  	v3 =	vld.idx.msk [tilespmem:v3+s25+$0x0], $0xffff;
	v5 =	vsub.f32 v5, v53;
	v24 =	vmul.f32 $1.442695020e+00, v13;
	(erf) = vpow2.f32 v9  }
0x3c4: {  	v25 =	vmul.f32 $1.442695020e+00, v23;
	v0 =	vsub.f32 v0, v55;
	(erf) = vpow2.f32 v22;
	v26 =	vld.idx.msk [tilespmem:v16+s25+$0x0], $0xffff  }
0x3c5: {  	v4 =	vor.u32 v45, v4;
	v5 =	vmul.f32 $1.442695020e+00, v5;
	v28 =	vld.idx.msk [tilespmem:v17+s25+$0x0], $0xffff;
	(erf) = vpow2.f32 v24  }
0x3c6: {  	v29 =	vld.idx.msk [tilespmem:v11+s25+$0x0], $0xffff;
	v0 =	vmul.f32 $1.442695020e+00, v0;
	(erf) = vpow2.f32 v25;
	v27 =	vsub.f32 v12, v54  }
0x3c7: {  	v2 =	vsub.f32 v2, v48;
	v30 =	vpop (erf);
	(erf) = vpow2.f32 v5;
	v6 =	vsub.f32 v21, v53  }
0x3c8: {  	v1 =	vld.idx.msk [tilespmem:v1+s25+$0x0], $0xffff;
	v32 =	vpop (erf);
	(erf) = vpow2.f32 v0;
	v0 =	vsub.f32 v3, v50;
	v10 =	vmul.f32 $1.442695020e+00, v27  }
0x3c9: {  	v2 =	vmul.f32 $1.442695020e+00, v2;
	v3 =	vpop (erf);
	v7 =	vsub.f32 v26, v50;
	v31 =	vmul.f32 $1.442695020e+00, v6  }
0x3ca: {  	v8 =	vsub.f32 v28, v48;
	v33 =	vpop (erf);
	v0 =	vmul.f32 $1.442695020e+00, v0;
	(erf) = vpow2.f32 v10  }
0x3cb: {  	v4 =	vld.idx.msk [tilespmem:v4+s25+$0x0], $0xffff;
	v9 =	vsub.f32 v29, v47;
	v12 =	vpop (erf);
	v7 =	vmul.f32 $1.442695020e+00, v7;
	(erf) = vpow2.f32 v31  }
0x3cc: {  	v34 =	vld.idx.msk [tilespmem:v63+s25+$0x0], $0xffff;
	v13 =	vpop (erf);
	(erf) = vpow2.f32 v0;
	v0 =	vmul.f32 $1.442695020e+00, v8  }
0x3cd: {  	v1 =	vsub.f32 v1, v47;
	v35 =	vpop (erf);
	(erf) = vpow2.f32 v2;
	v2 =	vmul.f32 $1.442695020e+00, v9  }
0x3ce: {  	v39 =	vld [tilespmem:$0x1FC30];
	v41 =	vsub.f32 v52, v54;
	v36 =	vpop (erf)  }
0x3cf: {  	v45 =	vsub.f32 v51, v53;
	v1 =	vmul.f32 $1.442695020e+00, v1;
	v37 =	vpop (erf);
	(erf) = vpow2.f32 v7  }
0x3d0: {  	v11 =	vadd.f32 v30, v56;
	v4 =	vsub.f32 v4, v46;
	(erf) = vpow2.f32 v0;
	v0 =	vpop (erf)  }
0x3d1: {  	v44 =	vmul.f32 $1.442695020e+00, v41;
	v5 =	vsub.f32 v34, v46;
	(erf) = vpow2.f32 v2;
	v2 =	vpop (erf)  }
0x3d2: {  	v56 =	vsub.f32 v42, v48;
	v4 =	vmul.f32 $1.442695020e+00, v4;
	v2 =	vadd.f32 v2, v11  }
0x3d3: {  	v5 =	vmul.f32 $1.442695020e+00, v5;
	v3 =	vadd.f32 v3, v61;
	v11 =	vsub.f32 v39, v55;
	v14 =	vpop (erf)  }
0x3d4: {  	v6 =	vadd.f32 v32, v62;
	(erf) = vpow2.f32 v4;
	v38 =	vpop (erf);
	v2 =	vadd.f32 v36, v2  }
0x3d5: {  	(erf) = vpow2.f32 v1;
	v40 =	vmul.f32 $1.442695020e+00, v11;
	v1 =	vadd.f32 v38, v3  }
0x3d6: {  	v52 =	vadd.f32 v12, v58;
	v6 =	vadd.f32 v14, v6;
	(erf) = vpow2.f32 v5;
	v43 =	vpop (erf)  }
0x3d7: {  	v58 =	vld [tilespmem:$0x1FC40];
	(erf) = vpow2.f32 v40;
	v51 =	vpop (erf);
	v0 =	vadd.f32 v0, v1;
	v1 =	vadd.f32 v33, v60  }
0x3d8: {  	v55 =	vsub.f32 v49, v50;
	v3 =	vadd.f32 v37, v6;
	(erf) = vrcp.f32 v2;
	v2 =	vpop (erf)  }
0x3d9: {  	v54 =	vmul.f32 $1.442695020e+00, v45;
	(erf) = vpow2.f32 v44;
	v1 =	vadd.f32 v2, v1  }
0x3da: {  	v61 =	vld [tilespmem:$0x1FC50];
	v53 =	vadd.f32 v13, v59;
	(erf) = vrcp.f32 v3;
	v2 =	vpop (erf);
	v3 =	vmul.f32 $1.442695020e+00, v55  }
0x3db: {  	(erf) = vpow2.f32 v54;
	v2 =	vadd.f32 v2, v52;
	v1 =	vadd.f32 v43, v1  }
0x3dc: {  	v8 =	vadd.f32 v35, v57;
	v4 =	vsub.f32 v58, v47;
	v57 =	vpop (erf);
	(erf) = vrcp.f32 v0  }
0x3dd: {  	v0 =	vpop (erf);
	(erf) = vpow2.f32 v3;
	v3 =	vmul.f32 $1.442695020e+00, v56;
	v2 =	vadd.f32 v51, v2  }
0x3de: {  	v59 =	vadd.f32 v57, v53;
	v60 =	vpop (erf);
	(erf) = vrcp.f32 v1  }
0x3df: {  	v1 =	vpop (erf);
	(erf) = vpow2.f32 v3;
	v3 =	vmul.f32 $1.442695020e+00, v4;
	v4 =	vsub.f32 v61, v46  }
0x3e0: {  	v0 =	vadd.f32 v0, v8;
	v5 =	vadd.f32 v60, v59;
	v62 =	vpop (erf);
	(erf) = vrcp.f32 v2  }
0x3e1: {  	v2 =	vpop (erf);
	(erf) = vpow2.f32 v3;
	v3 =	vmul.f32 $1.442695020e+00, v4  }
0x3e2: {  	v0 =	vadd.f32 v1, v0;
	v1 =	vmul.f32 v2, v62;
	v2 =	vpop (erf);
	(erf) = vrcp.f32 v5  }
0x3e3: {  	v63 =	vpop (erf);
	(erf) = vpow2.f32 v3;
	v3 =	vld [tilespmem:$0x1FD70];
	_ =	sdelay $0x7  }
0x3e4: {  	[tilespmem:v3+s22+$0x0] =	vst.idx.msk $0xffff, v1;
	v1 =	vmul.f32 v63, v2;
	v2 =	vpop (erf);
	(erf) = vrcp.f32 v0;
	v0 =	vld [tilespmem:$0x1FBC0];
	_ =	sdelay $0x4  }
0x3e5: {  	[tilespmem:v3+s20+$0x0] =	vst.idx.msk $0xffff, v0;
	v3 =	vld [tilespmem:$0x1FD80];
	_ =	sdelay $0x2  }
0x3e6: {  	v0 =	vpop (erf)  }
0x3e7: {  	v0 =	vmul.f32 v0, v2;
	v2 =	vld [tilespmem:$0x1FC00];
	_ =	sdelay $0x3  }
0x3e8: {  	[tilespmem:v3+s22+$0x0] =	vst.idx.msk $0xffff, v1  }
0x3e9: {  	[tilespmem:v3+s20+$0x0] =	vst.idx.msk $0xffff, v2;
	v3 =	vld [tilespmem:$0x1FD90];
	_ =	sdelay $0x5  }
0x3ea: {  	v1 =	vpop (erf)  }
0x3eb: {  	v2 =	vpop (erf)  }
0x3ec: {  	[tilespmem:v3+s22+$0x0] =	vst.idx.msk $0xffff, v0;
	v0 =	vmul.f32 v2, v1;
	v2 =	vld [tilespmem:$0x1FC10];
	_ =	sdelay $0x4  }
0x3ed: {  	[tilespmem:v3+s20+$0x0] =	vst.idx.msk $0xffff, v2;
	v3 =	vld [tilespmem:$0x1FDA0];
	_ =	sdelay $0x5  }
0x3ee: {  	v1 =	vpop (erf)  }
0x3ef: {  	v2 =	vpop (erf)  }
0x3f0: {  	[tilespmem:v3+s22+$0x0] =	vst.idx.msk $0xffff, v0;
	v0 =	vmul.f32 v2, v1;
	v2 =	vld [tilespmem:$0x1FC20];
	_ =	sdelay $0x4  }
0x3f1: {  	[tilespmem:v3+s20+$0x0] =	vst.idx.msk $0xffff, v2;
	v3 =	vld [tilespmem:$0x1FDB0];
	_ =	sdelay $0x5  }
0x3f2: {  	v1 =	vpop (erf)  }
0x3f3: {  	v2 =	vpop (erf)  }
0x3f4: {  	[tilespmem:v3+s22+$0x0] =	vst.idx.msk $0xffff, v0;
	v0 =	vmul.f32 v2, v1;
	v2 =	vld [tilespmem:$0x1FBD0];
	_ =	sdelay $0x4  }
0x3f5: {  	[tilespmem:v3+s20+$0x0] =	vst.idx.msk $0xffff, v2;
	v3 =	vld [tilespmem:$0x1FDC0];
	_ =	sdelay $0x5  }
0x3f6: {  	v1 =	vpop (erf)  }
0x3f7: {  	v2 =	vpop (erf)  }
0x3f8: {  	[tilespmem:v3+s22+$0x0] =	vst.idx.msk $0xffff, v0;
	v0 =	vmul.f32 v2, v1;
	v1 =	vld [tilespmem:$0x1FBE0];
	_ =	sdelay $0x4  }
0x3f9: {  	[tilespmem:v3+s20+$0x0] =	vst.idx.msk $0xffff, v1;
	v1 =	vld [tilespmem:$0x1FFF0];
	_ =	sdelay $0x7  }
0x3fa: {  	[tilespmem:v1+s22+$0x0] =	vst.idx.msk $0xf, v0;
	v0 =	vld [tilespmem:$0x1FBF0];
	_ =	sdelay $0x4  }
0x3fb: {  	[tilespmem:v1+s20+$0x0] =	vst.idx.msk $0xf, v0  }
0x3fc: {  	[hbm4b:s12+s1] =	stream.linear.scatter [tilespmem:s20], [sflag:$0x3], $0xC8, $0x38;
	[tilespmem:$0x13680] =	vst v63  }
0x3fd: {  	_ = 	snop  }
0x3fe: {  	[hbm4b:s13+s1] =	stream.linear.scatter [tilespmem:s24], [sflag:$0x3], $0x320, $0x38;
	[tilespmem:$0x13680] =	vst v63  }
0x3ff: {  	_ = 	snop  }
0x400: {  	[hbm4b:s14+s1] =	stream.linear.scatter [tilespmem:s22], [sflag:$0x3], $0xC8, $0x38;
	[tilespmem:$0x13680] =	vst v63  }
0x401: {  	_ =	swait.ge [sflag:s26], $0xC8  }
0x402: {  	[sflag:s26] =	ssyncset.done $0x0  }
0x403: {  	[sflag:s26] =	ssyncadd.s32 $0xFFFFFF38  }
0x404: {  	_ =	swait.ge [sflag:s26], $0x320  }
0x405: {  	[sflag:s26] =	ssyncset.done $0x0  }
0x406: {  	[sflag:s26] =	ssyncadd.s32 $0xFFFFFCE0  }
0x407: {  	_ =	swait.ge [sflag:s26], $0xC8  }
0x408: {  	[sflag:s26] =	ssyncset.done $0x0  }
0x409: {  	s3 =	sadd.s32 $0x1, s3;
	[sflag:s26] =	ssyncadd.s32 $0xFFFFFF38  }
0x40a: {  	p0 =	sne.s32 s3, s15;
	_ =	swait.ge [sflag:s26], $0x320  }
.Ltmp8:
0x40b: {  	[sflag:s26] =	ssyncset.done $0x0;
	(pc) =	sbr.rel @p0 .LBB2_1-.Ltmp8, $4  }
0x40c: {  	[sflag:s26] =	ssyncadd.s32 $0xFFFFFCE0  }
0x40d: {  	_ =	swait.ge [sflag:s26], $0xC8  }
0x40e: {  	[sflag:s26] =	ssyncset.done $0x0  }
0x40f: {  	v12 =	vimm.s32 $0x0;
	v0 =	vlaneseq.u32;
	[sflag:s26] =	ssyncadd.s32 $0xFFFFFF38  }
0x410: {  	_ =	sfence.sel $0x180000  }
0x411: {  	[bflag:$0x0] =	sbarrier.arrive $0xFFFF  }
0x412: {  	_ =	strace $0x90000047  }
0x413: {  	s0 =	stileid.u32;
	[bflag:$0x2] =	sbarrier.arrive $0xFFFF  }
0x414: {  	p0 =	sne.s32 s0, $0x0;
	s0 =	rddreg [dreg:$0x5]  }
0x415: {  	s0 =	sadd.s32 @!p0 $0x100000, s0  }
0x416: {  	[sflag:s0] =	ssyncadd.tile.s32 @!p0 $0x1;
	_ =	shalt  }
.Lfunc_end2:
_tile_overlayer_lowered:
.L_overlay_start_2:
0x417: {  	(tag) =	ssettag $0x2  }
0x418: {  	s0 =	rddreg [dreg:$0x0];
	s2 =	stileid.u32  }
0x419: {  	s1 =	rddreg [dreg:$0x1];
	p0 =	sne.s32 s2, $0x0  }
0x41a: {  	s3 =	rddreg [dreg:$0x2];
	[bflag:$0x3] =	sbarrier.arrive $0xFFFF;
	s2 =	simm.s32 @!p0 $0x1C04  }
0x41b: {  	[timem:s3], [sflag:s2] =	dma.local @!p0 [hbm:s0], s1  }
0x41c: {  	s0 =	simm.s32 @!p0 $0x4  }
0x41d: {  	_ =	swait.ge @!p0 [sflag:s0], s1  }
0x41e: {  	s1 =	ssub.s32 @!p0 $0x0, s1;
	[sflag:s0] =	ssyncset.done @!p0 $0x0  }
0x41f: {  	[sflag:s0] =	ssyncadd.s32 @!p0 s1  }
0x420: {  	[bflag:$0x3] =	sbarrier.arrive $0xFFFF  }
0x421: {  	_ =	shalt  }

</sc_bundles>
